<compile_context>
chip_gen: v7x
topology: tpu7x:2x2x1
jax: 0.10.2.dev20260603
libtpu: 0.0.44.dev20260713+nightly
codegen_flags: <defaults>
</compile_context>

<pallas_src>
import jax
import jax.numpy as jnp
from jax import lax
from jax.experimental import pallas as pl
from jax.experimental.pallas import tpu as pltpu
from jax.experimental.pallas import tpu_sc as plsc

_N_SERIES = 1000
_TS_LEN = 2048
_N_FEAT = 8
_BATCH = 4096
_CTX = 200

_NC, _NS, _L = 2, 16, 16
_NW = _NC * _NS
_ROWS_W = _BATCH // _NW
_KT = _TS_LEN // 128
_ROW_F32 = _CTX * _N_FEAT
_NVEC = _ROW_F32 // _L
_WI_ROWS = _CTX // _N_FEAT


def _body(tsi_hbm, w3_hbm, ts_hbm, m3_hbm, v3_hbm,
          norm_hbm, mout_hbm, vout_hbm,
          tsi_v, wiidx_v, wiv, slab_m, slab_v, trow, mrow, vrow, nrow,
          sem_wi, sem_s, sem_t, sem_o):
    wid = lax.axis_index("s") * _NC + lax.axis_index("c")
    row_base = wid * _ROWS_W

    iota = lax.iota(jnp.int32, _L)
    f_lane = iota % _N_FEAT
    l8 = iota // _N_FEAT

    pltpu.sync_copy(tsi_hbm.at[pl.ds(row_base, _ROWS_W)], tsi_v)

    wiidx_v[pl.ds(0, _L)] = iota * _NW + wid
    wiidx_v[pl.ds(_WI_ROWS - _L, _L)] = (
        (_WI_ROWS - _L) + iota) * _NW + wid
    pltpu.async_copy(w3_hbm.at[wiidx_v.at[pl.ds(0, _WI_ROWS)]], wiv,
                     sem_wi).wait()

    def _series_of(j):
        svec = plsc.load_gather(tsi_v, [lax.broadcast(j, (_L,))])
        return jnp.max(svec)

    def _fetch_slabs(j, buf):
        base = _series_of(j) * _KT
        cm = pltpu.async_copy(m3_hbm.at[pl.ds(base, _KT)], slab_m.at[buf],
                              sem_s)
        cv = pltpu.async_copy(v3_hbm.at[pl.ds(base, _KT)], slab_v.at[buf],
                              sem_s)
        return cm, cv

    @pl.loop(0, _ROWS_W // 2)
    def _pair(jj):
        j0 = 2 * jj
        gb = (row_base + j0) * _ROW_F32
        cm0, cv0 = _fetch_slabs(j0, 0)
        cm1, cv1 = _fetch_slabs(j0 + 1, 1)
        ct = pltpu.async_copy(ts_hbm.at[pl.ds(gb, 2 * _ROW_F32)], trow, sem_t)
        cm0.wait()
        cv0.wait()
        ct.wait()

        def _compute(j, buf):
            ob = buf * _ROW_F32
            bj = lax.broadcast(j, (_L,))
            bbuf = lax.broadcast(buf, (_L,))

            @pl.loop(0, _NVEC, unroll=10)
            def _vec(g):
                c = 2 * g + l8
                t = plsc.load_gather(wiv, [c // _N_FEAT, c % _N_FEAT, bj])
                kt = t >> 7
                off = t & 127
                m = plsc.load_gather(slab_m, [bbuf, kt, f_lane, off])
                vv = plsc.load_gather(slab_v, [bbuf, kt, f_lane, off])
                tv = trow[pl.ds(ob + g * _L, _L)]
                yi = jnp.int32(0x5F3759DF) - (
                    plsc.bitcast(vv, jnp.int32) >> 1)
                y = plsc.bitcast(yi, jnp.float32)
                y = y * (1.5 - 0.5 * vv * y * y)
                y = y * (1.5 - 0.5 * vv * y * y)
                sl = pl.ds(ob + g * _L, _L)
                mrow[sl] = m
                vrow[sl] = vv
                nrow[sl] = (tv - m) * y

        _compute(j0, 0)
        cm1.wait()
        cv1.wait()
        h0 = pl.ds(0, _ROW_F32)
        cn0 = pltpu.async_copy(nrow.at[h0], norm_hbm.at[pl.ds(gb, _ROW_F32)],
                               sem_o)
        cm0o = pltpu.async_copy(mrow.at[h0], mout_hbm.at[pl.ds(gb, _ROW_F32)],
                                sem_o)
        cv0o = pltpu.async_copy(vrow.at[h0], vout_hbm.at[pl.ds(gb, _ROW_F32)],
                                sem_o)
        _compute(j0 + 1, 1)
        gb1 = gb + _ROW_F32
        h1 = pl.ds(_ROW_F32, _ROW_F32)
        cn1 = pltpu.async_copy(nrow.at[h1], norm_hbm.at[pl.ds(gb1, _ROW_F32)],
                               sem_o)
        cm1o = pltpu.async_copy(mrow.at[h1], mout_hbm.at[pl.ds(gb1, _ROW_F32)],
                                sem_o)
        cv1o = pltpu.async_copy(vrow.at[h1], vout_hbm.at[pl.ds(gb1, _ROW_F32)],
                                sem_o)
        for cp in (cn0, cm0o, cv0o, cn1, cm1o, cv1o):
            cp.wait()


_FLAT = _BATCH * _CTX * _N_FEAT

_sc_call = pl.kernel(
    _body,
    out_type=(
        jax.ShapeDtypeStruct((_FLAT,), jnp.float32),
        jax.ShapeDtypeStruct((_FLAT,), jnp.float32),
        jax.ShapeDtypeStruct((_FLAT,), jnp.float32),
    ),
    mesh=plsc.VectorSubcoreMesh(
        core_axis_name="c", subcore_axis_name="s",
        num_cores=_NC, num_subcores=_NS),
    compiler_params=pltpu.CompilerParams(
        use_tc_tiling_on_sc=False, needs_layout_passes=False),
    scratch_types=[
        pltpu.VMEM((_ROWS_W,), jnp.int32),
        pltpu.VMEM((32,), jnp.int32),
        pltpu.VMEM((_WI_ROWS, _N_FEAT, 128), jnp.int32),
        pltpu.VMEM((2, _KT, _N_FEAT, 128), jnp.float32),
        pltpu.VMEM((2, _KT, _N_FEAT, 128), jnp.float32),
        pltpu.VMEM((2 * _ROW_F32,), jnp.float32),
        pltpu.VMEM((2 * _ROW_F32,), jnp.float32),
        pltpu.VMEM((2 * _ROW_F32,), jnp.float32),
        pltpu.VMEM((2 * _ROW_F32,), jnp.float32),
        pltpu.SemaphoreType.DMA,
        pltpu.SemaphoreType.DMA,
        pltpu.SemaphoreType.DMA,
        pltpu.SemaphoreType.DMA,
    ],
)


def kernel(ts_index, window_indices, ts, means_table, vars_table):
    m3 = (means_table.transpose(0, 2, 1).reshape(_N_SERIES, _N_FEAT, _KT, 128)
          .transpose(0, 2, 1, 3).reshape(_N_SERIES * _KT, _N_FEAT, 128))
    v3 = (vars_table.transpose(0, 2, 1).reshape(_N_SERIES, _N_FEAT, _KT, 128)
          .transpose(0, 2, 1, 3).reshape(_N_SERIES * _KT, _N_FEAT, 128))
    w3 = (window_indices.transpose(1, 0)
          .reshape(_WI_ROWS, _N_FEAT, _NW, 128)
          .transpose(0, 2, 1, 3).reshape(_WI_ROWS * _NW, _N_FEAT, 128))
    norm_flat, m_out, v_out = _sc_call(
        ts_index, w3, ts.reshape(-1), m3, v3)
    shape = (_BATCH, _CTX, _N_FEAT)
    return (norm_flat.reshape(shape), m_out.reshape(shape),
            v_out.reshape(shape))

# --- scband reference (transcript-rebuilt; emitter-appended) ---
"""Pipeline reference for scband-gasnormalizer-75445395521696 (READ-ONLY COPY).

The authoritative reference and input builder live on the scoring server;
editing this copy changes nothing except your own understanding.
"""

import jax, jax.numpy as jnp
import numpy as np

EPS = 1e-09
N_SERIES = 1000
TS_LEN = 2048
N_FEAT = 8
BATCH = 4096
CTX = 200

def setup_inputs(seed: int = 0) -> dict:
    key = jax.random.key(seed)
    k1, k2, k3, k4, k5 = jax.random.split(key, 5)
    ts_index = jax.random.randint(k1, (BATCH,), 0, N_SERIES)
    window_indices = jax.random.randint(k2, (BATCH, CTX), 0, TS_LEN)
    ts = jax.random.normal(k3, (BATCH, CTX, N_FEAT), dtype=jnp.float32)
    # Precomputed GAS state: per-series running means and variances over time
    means_table = jax.random.normal(k4, (N_SERIES, TS_LEN, N_FEAT), dtype=jnp.float32)
    vars_table = jax.random.uniform(k5, (N_SERIES, TS_LEN, N_FEAT), dtype=jnp.float32, minval=0.5, maxval=1.5)
    return {"ts_index": ts_index, "window_indices": window_indices, "ts": ts,
            "means_table": means_table, "vars_table": vars_table}

def reference(ts_index, window_indices, ts, means_table, vars_table):
    # Gather per-window means/vars: means[i] = means_table[ts_index[i]][window_indices[i]]
    means = means_table[ts_index[:, None], window_indices]   # (B, CTX, F)
    vars_ = vars_table[ts_index[:, None], window_indices]    # (B, CTX, F)
    normalized_window = (ts - means) / (jnp.sqrt(vars_) + EPS)
    return (normalized_window, means, vars_)

if __name__ == "__main__":
    import jax
    _d = setup_inputs()
    print(jax.jit(kernel)(*tuple(_d.values())))

</pallas_src>

<mosaic_0001>
#map = affine_map<(d0, d1) -> (0)>
#map1 = affine_map<(d0, d1) -> (0, 0, 0)>
module attributes {stable_mosaic.version = 14 : i64} {
  func.func @_body(%arg0: i32, %arg1: i32, %arg2: memref<4096xi32, #tpu.memory_space<hbm>>, %arg3: memref<800x8x128xi32, #tpu.memory_space<hbm>>, %arg4: memref<6553600xf32, #tpu.memory_space<hbm>>, %arg5: memref<16000x8x128xf32, #tpu.memory_space<hbm>>, %arg6: memref<16000x8x128xf32, #tpu.memory_space<hbm>>, %arg7: memref<6553600xf32, #tpu.memory_space<hbm>>, %arg8: memref<6553600xf32, #tpu.memory_space<hbm>>, %arg9: memref<6553600xf32, #tpu.memory_space<hbm>>, %arg10: memref<128xi32, #tpu.memory_space<vmem>>, %arg11: memref<32xi32, #tpu.memory_space<vmem>>, %arg12: memref<25x8x128xi32, #tpu.memory_space<vmem>>, %arg13: memref<2x16x8x128xf32, #tpu.memory_space<vmem>>, %arg14: memref<2x16x8x128xf32, #tpu.memory_space<vmem>>, %arg15: memref<3200xf32, #tpu.memory_space<vmem>>, %arg16: memref<3200xf32, #tpu.memory_space<vmem>>, %arg17: memref<3200xf32, #tpu.memory_space<vmem>>, %arg18: memref<3200xf32, #tpu.memory_space<vmem>>, %arg19: memref<!tpu.dma_semaphore, #tpu.memory_space<semaphore_mem>>, %arg20: memref<!tpu.dma_semaphore, #tpu.memory_space<semaphore_mem>>, %arg21: memref<!tpu.dma_semaphore, #tpu.memory_space<semaphore_mem>>, %arg22: memref<!tpu.dma_semaphore, #tpu.memory_space<semaphore_mem>>) attributes {dimension_semantics = [#tpu.dimension_semantics<core_parallel>, #tpu.dimension_semantics<subcore_parallel>], iteration_bounds = array<i64: 2, 16>, scalar_prefetch = 0 : i64, scratch_operands = 13 : i64, tpu.core_type = #tpu.core_type<sc_vector_subcore>, window_params = [{transform_indices = #map}, {transform_indices = #map1}, {transform_indices = #map}, {transform_indices = #map1}, {transform_indices = #map1}, {transform_indices = #map}, {transform_indices = #map}, {transform_indices = #map}]} {
    %mul3A = arith.constant 2 : i32
    %mul3A_0 = arith.muli %arg1, %mul3A : i32
    %add3A = arith.addi %mul3A_0, %arg0 : i32
    %mul3A_1 = arith.constant 128 : i32
    %mul3A_2 = arith.muli %add3A, %mul3A_1 : i32
    %iota3A = tpu.iota {dimensions = array<i32: 0>} : vector<16xi32>
    %jit3A = arith.constant 8 : i32
    %eq3A = arith.constant 0 : i32
    %eq3A_3 = arith.cmpi eq, %jit3A, %eq3A : i32
    %jit3A_4 = arith.constant 1 : i32
    %select_n3A = arith.select %eq3A_3, %jit3A_4, %jit3A : i32
    %rem3A = vector.broadcast %select_n3A : i32 to vector<16xi32>
    %rem3A_5 = arith.remsi %iota3A, %rem3A : vector<16xi32>
    %ne3A = arith.constant 0 : i32
    %ne3A_6 = vector.broadcast %ne3A : i32 to vector<16xi32>
    %ne3A_7 = arith.cmpi ne, %rem3A_5, %ne3A_6 : vector<16xi32>
    %lt3A = arith.constant 0 : i32
    %lt3A_8 = vector.broadcast %lt3A : i32 to vector<16xi32>
    %lt3A_9 = arith.cmpi slt, %rem3A_5, %lt3A_8 : vector<16xi32>
    %lt3A_10 = arith.constant 0 : i32
    %lt3A_11 = arith.cmpi slt, %select_n3A, %lt3A_10 : i32
    %ne3A_12 = vector.broadcast %lt3A_11 : i1 to vector<16xi1>
    %ne3A_13 = vector.broadcast %ne3A_12 : vector<16xi1> to vector<16xi1>
    %ne3A_14 = arith.xori %lt3A_9, %ne3A_13 : vector<16xi1>
    %and3A = arith.andi %ne3A_14, %ne3A_7 : vector<16xi1>
    %add3A_15 = vector.broadcast %select_n3A : i32 to vector<16xi32>
    %add3A_16 = arith.addi %rem3A_5, %add3A_15 : vector<16xi32>
    %select_n3A_17 = arith.select %and3A, %add3A_16, %rem3A_5 : vector<16xi1>, vector<16xi32>
    %jit3A_18 = arith.constant 8 : i32
    %div3A = vector.broadcast %jit3A_18 : i32 to vector<16xi32>
    %div3A_19 = arith.divsi %iota3A, %div3A : vector<16xi32>
    %sign3A = arith.constant 0 : i32
    %sign3A_20 = vector.broadcast %sign3A : i32 to vector<16xi32>
    %sign3A_21 = arith.cmpi sgt, %iota3A, %sign3A_20 : vector<16xi32>
    %sign3A_22 = arith.extui %sign3A_21 : vector<16xi1> to vector<16xi32>
    %sign3A_23 = arith.constant 0 : i32
    %sign3A_24 = vector.broadcast %sign3A_23 : i32 to vector<16xi32>
    %sign3A_25 = arith.cmpi slt, %iota3A, %sign3A_24 : vector<16xi32>
    %sign3A_26 = arith.extui %sign3A_25 : vector<16xi1> to vector<16xi32>
    %sign3A_27 = arith.subi %sign3A_22, %sign3A_26 : vector<16xi32>
    %sign3A_28 = arith.constant 0 : i32
    %sign3A_29 = arith.cmpi sgt, %jit3A_18, %sign3A_28 : i32
    %sign3A_30 = arith.extui %sign3A_29 : i1 to i32
    %sign3A_31 = arith.constant 0 : i32
    %sign3A_32 = arith.cmpi slt, %jit3A_18, %sign3A_31 : i32
    %sign3A_33 = arith.extui %sign3A_32 : i1 to i32
    %sign3A_34 = arith.subi %sign3A_30, %sign3A_33 : i32
    %ne3A_35 = vector.broadcast %sign3A_34 : i32 to vector<16xi32>
    %ne3A_36 = arith.cmpi ne, %sign3A_27, %ne3A_35 : vector<16xi32>
    %rem3A_37 = vector.broadcast %jit3A_18 : i32 to vector<16xi32>
    %rem3A_38 = arith.remsi %iota3A, %rem3A_37 : vector<16xi32>
    %ne3A_39 = arith.constant 0 : i32
    %ne3A_40 = vector.broadcast %ne3A_39 : i32 to vector<16xi32>
    %ne3A_41 = arith.cmpi ne, %rem3A_38, %ne3A_40 : vector<16xi32>
    %and3A_42 = arith.andi %ne3A_36, %ne3A_41 : vector<16xi1>
    %sub3A = arith.constant 1 : i32
    %sub3A_43 = vector.broadcast %sub3A : i32 to vector<16xi32>
    %sub3A_44 = arith.subi %div3A_19, %sub3A_43 : vector<16xi32>
    %select_n3A_45 = arith.select %and3A_42, %sub3A_44, %div3A_19 : vector<16xi1>, vector<16xi32>
    "tpu.region"() ({
      %run_scoped3A = tpu.sem_alloc : memref<!tpu.dma_semaphore, #tpu.memory_space<semaphore_mem>>
      %dma_start3A_76 = tpu.memref_slice %arg2[%mul3A_2] : memref<4096xi32, #tpu.memory_space<hbm>> -> memref<128xi32, #tpu.memory_space<hbm>>
      %dma_start3A_77 = tpu.memref_slice %arg2[%mul3A_2] : memref<4096xi32, #tpu.memory_space<hbm>> -> memref<128xi32, #tpu.memory_space<hbm>>
      tpu.enqueue_dma source(%dma_start3A_77 : memref<128xi32, #tpu.memory_space<hbm>>) target(%arg10 : memref<128xi32, #tpu.memory_space<vmem>>) target_semaphore(%run_scoped3A : memref<!tpu.dma_semaphore, #tpu.memory_space<semaphore_mem>>)
      %dma_wait3A_78 = tpu.memref_slice %arg2[%mul3A_2] : memref<4096xi32, #tpu.memory_space<hbm>> -> memref<128xi32, #tpu.memory_space<hbm>>
      %dma_wait3A_79 = tpu.memref_slice %arg2[%mul3A_2] : memref<4096xi32, #tpu.memory_space<hbm>> -> memref<128xi32, #tpu.memory_space<hbm>>
      tpu.wait_dma2 semaphore(%run_scoped3A : memref<!tpu.dma_semaphore, #tpu.memory_space<semaphore_mem>>) src(%dma_wait3A_79 : memref<128xi32, #tpu.memory_space<hbm>>) dst(%arg10 : memref<128xi32, #tpu.memory_space<vmem>>)
      tpu.yield
    }) : () -> ()
    %mul3A_46 = arith.constant 32 : i32
    %mul3A_47 = vector.broadcast %mul3A_46 : i32 to vector<16xi32>
    %mul3A_48 = arith.muli %iota3A, %mul3A_47 : vector<16xi32>
    %add3A_49 = vector.broadcast %add3A : i32 to vector<16xi32>
    %add3A_50 = arith.addi %mul3A_48, %add3A_49 : vector<16xi32>
    %swap3A = arith.constant 0 : index
    %swap3A_51 = tpu.vector_load %arg11[%swap3A] {strides = array<i32>} : memref<32xi32, #tpu.memory_space<vmem>>, vector<16xi32>,
    tpu.vector_store %arg11[%swap3A], %add3A_50 {strides = array<i32>} : memref<32xi32, #tpu.memory_space<vmem>>, vector<16xi32>,
    %add3A_52 = arith.constant 9 : i32
    %add3A_53 = vector.broadcast %add3A_52 : i32 to vector<16xi32>
    %add3A_54 = arith.addi %add3A_53, %iota3A : vector<16xi32>
    %mul3A_55 = arith.constant 32 : i32
    %mul3A_56 = vector.broadcast %mul3A_55 : i32 to vector<16xi32>
    %mul3A_57 = arith.muli %add3A_54, %mul3A_56 : vector<16xi32>
    %add3A_58 = vector.broadcast %add3A : i32 to vector<16xi32>
    %add3A_59 = arith.addi %mul3A_57, %add3A_58 : vector<16xi32>
    %swap3A_60 = arith.constant 9 : index
    %swap3A_61 = tpu.vector_load %arg11[%swap3A_60] {strides = array<i32>} : memref<32xi32, #tpu.memory_space<vmem>>, vector<16xi32>,
    tpu.vector_store %arg11[%swap3A_60], %add3A_59 {strides = array<i32>} : memref<32xi32, #tpu.memory_space<vmem>>, vector<16xi32>,
    %dma_start3A = arith.constant 0 : i32
    %dma_start3A_62 = tpu.memref_slice %arg11[%dma_start3A] : memref<32xi32, #tpu.memory_space<vmem>> -> memref<25xi32, #tpu.memory_space<vmem>>
    %dma_start3A_63 = arith.constant 0 : i32
    %dma_start3A_64 = arith.constant 0 : i32
    %dma_start3A_65 = arith.constant 0 : i32
    %dma_start3A_66 = tpu.memref_slice %arg3[%dma_start3A_63, %dma_start3A_64, %dma_start3A_65] : memref<800x8x128xi32, #tpu.memory_space<hbm>> -> memref<800x8x128xi32, #tpu.memory_space<hbm>>
    tpu.enqueue_indirect_dma source(%dma_start3A_66 : memref<800x8x128xi32, #tpu.memory_space<hbm>>) target(%arg12 : memref<25x8x128xi32, #tpu.memory_space<vmem>>) offsets(%dma_start3A_62 : memref<25xi32, #tpu.memory_space<vmem>>) semaphore(%arg19 : memref<!tpu.dma_semaphore, #tpu.memory_space<semaphore_mem>>)
    %dma_wait3A = arith.constant 0 : i32
    %dma_wait3A_67 = tpu.memref_slice %arg11[%dma_wait3A] : memref<32xi32, #tpu.memory_space<vmem>> -> memref<25xi32, #tpu.memory_space<vmem>>
    %dma_wait3A_68 = arith.constant 0 : i32
    %dma_wait3A_69 = arith.constant 0 : i32
    %dma_wait3A_70 = arith.constant 0 : i32
    %dma_wait3A_71 = tpu.memref_slice %arg3[%dma_wait3A_68, %dma_wait3A_69, %dma_wait3A_70] : memref<800x8x128xi32, #tpu.memory_space<hbm>> -> memref<800x8x128xi32, #tpu.memory_space<hbm>>
    tpu.wait_indirect_dma semaphore(%arg19 : memref<!tpu.dma_semaphore, #tpu.memory_space<semaphore_mem>>) src(%dma_wait3A_71 : memref<800x8x128xi32, #tpu.memory_space<hbm>>) dst(%arg12 : memref<25x8x128xi32, #tpu.memory_space<vmem>>)
    %scan3A = arith.constant 0 : i32
    %scan3A_72 = arith.constant 64 : i32
    %scan3A_73 = arith.addi %scan3A, %scan3A_72 : i32
    %scan3A_74 = arith.constant 1 : i32
    scf.for %scan3A_76 = %scan3A to %scan3A_73 step %scan3A_74  : i32 {
      %mul3A_77 = arith.constant 1 : i32
      %mul3A_78 = arith.muli %scan3A_76, %mul3A_77 : i32
      %add3A_79 = arith.constant 0 : i32
      %add3A_80 = arith.addi %add3A_79, %mul3A_78 : i32
      %mul3A_81 = arith.constant 2 : i32
      %mul3A_82 = arith.muli %mul3A_81, %add3A_80 : i32
      %add3A_83 = arith.addi %mul3A_2, %mul3A_82 : i32
      %mul3A_84 = arith.constant 1600 : i32
      %mul3A_85 = arith.muli %add3A_83, %mul3A_84 : i32
      %broadcast_in_dim3A = vector.broadcast %mul3A_82 : i32 to vector<16xi32>
      %gather3A = tpu.vector_load_idx %arg10[%broadcast_in_dim3A] : memref<128xi32, #tpu.memory_space<vmem>>[vector<16xi32>], vector<16xi32>,
      %reduce_max3A = arith.constant true
      %reduce_max3A_86 = vector.broadcast %reduce_max3A : i1 to vector<16xi1>
      %reduce_max3A_87 = arith.constant -2147483648 : i32
      %reduce_max3A_88 = vector.broadcast %reduce_max3A_87 : i32 to vector<16xi32>
      %reduce_max3A_89 = arith.xori %gather3A, %reduce_max3A_88 : vector<16xi32>
      %reduce_max3A_90 = tpu.scan <max>, %reduce_max3A_89 masked %reduce_max3A_86 : vector<16xi32>, vector<16xi1> -> vector<16xi32>
      %reduce_max3A_91 = arith.xori %reduce_max3A_90, %reduce_max3A_88 : vector<16xi32>
      %reduce_max3A_92 = vector.extract %reduce_max3A_91[15] : i32 from vector<16xi32>
      %mul3A_93 = arith.constant 16 : i32
      %mul3A_94 = arith.muli %reduce_max3A_92, %mul3A_93 : i32
      %dma_start3A_95 = arith.constant 0 : i32
      %dma_start3A_96 = arith.constant 0 : i32
      %dma_start3A_97 = arith.constant 0 : i32
      %dma_start3A_98 = arith.constant 0 : i32
      %dma_start3A_99 = tpu.memref_slice %arg13[%dma_start3A_95, %dma_start3A_96, %dma_start3A_97, %dma_start3A_98] : memref<2x16x8x128xf32, #tpu.memory_space<vmem>> -> memref<1x16x8x128xf32, #tpu.memory_space<vmem>>
      %dma_start3A_100 = tpu.memref_squeeze %dma_start3A_99 : memref<1x16x8x128xf32, #tpu.memory_space<vmem>> -> memref<16x8x128xf32, #tpu.memory_space<vmem>>
      %dma_start3A_101 = arith.constant 0 : i32
      %dma_start3A_102 = arith.constant 0 : i32
      %dma_start3A_103 = tpu.memref_slice %arg5[%mul3A_94, %dma_start3A_101, %dma_start3A_102] : memref<16000x8x128xf32, #tpu.memory_space<hbm>> -> memref<16x8x128xf32, #tpu.memory_space<hbm>>
      %dma_start3A_104 = arith.constant 0 : i32
      %dma_start3A_105 = arith.constant 0 : i32
      %dma_start3A_106 = arith.constant 0 : i32
      %dma_start3A_107 = tpu.memref_slice %arg13[%dma_start3A_95, %dma_start3A_104, %dma_start3A_105, %dma_start3A_106] : memref<2x16x8x128xf32, #tpu.memory_space<vmem>> -> memref<1x16x8x128xf32, #tpu.memory_space<vmem>>
      %dma_start3A_108 = tpu.memref_squeeze %dma_start3A_107 : memref<1x16x8x128xf32, #tpu.memory_space<vmem>> -> memref<16x8x128xf32, #tpu.memory_space<vmem>>
      %dma_start3A_109 = arith.constant 0 : i32
      %dma_start3A_110 = arith.constant 0 : i32
      %dma_start3A_111 = tpu.memref_slice %arg5[%mul3A_94, %dma_start3A_109, %dma_start3A_110] : memref<16000x8x128xf32, #tpu.memory_space<hbm>> -> memref<16x8x128xf32, #tpu.memory_space<hbm>>
      tpu.enqueue_dma source(%dma_start3A_111 : memref<16x8x128xf32, #tpu.memory_space<hbm>>) target(%dma_start3A_108 : memref<16x8x128xf32, #tpu.memory_space<vmem>>) target_semaphore(%arg20 : memref<!tpu.dma_semaphore, #tpu.memory_space<semaphore_mem>>)
      %dma_start3A_112 = arith.constant 0 : i32
      %dma_start3A_113 = arith.constant 0 : i32
      %dma_start3A_114 = arith.constant 0 : i32
      %dma_start3A_115 = arith.constant 0 : i32
      %dma_start3A_116 = tpu.memref_slice %arg14[%dma_start3A_112, %dma_start3A_113, %dma_start3A_114, %dma_start3A_115] : memref<2x16x8x128xf32, #tpu.memory_space<vmem>> -> memref<1x16x8x128xf32, #tpu.memory_space<vmem>>
      %dma_start3A_117 = tpu.memref_squeeze %dma_start3A_116 : memref<1x16x8x128xf32, #tpu.memory_space<vmem>> -> memref<16x8x128xf32, #tpu.memory_space<vmem>>
      %dma_start3A_118 = arith.constant 0 : i32
      %dma_start3A_119 = arith.constant 0 : i32
      %dma_start3A_120 = tpu.memref_slice %arg6[%mul3A_94, %dma_start3A_118, %dma_start3A_119] : memref<16000x8x128xf32, #tpu.memory_space<hbm>> -> memref<16x8x128xf32, #tpu.memory_space<hbm>>
      %dma_start3A_121 = arith.constant 0 : i32
      %dma_start3A_122 = arith.constant 0 : i32
      %dma_start3A_123 = arith.constant 0 : i32
      %dma_start3A_124 = tpu.memref_slice %arg14[%dma_start3A_112, %dma_start3A_121, %dma_start3A_122, %dma_start3A_123] : memref<2x16x8x128xf32, #tpu.memory_space<vmem>> -> memref<1x16x8x128xf32, #tpu.memory_space<vmem>>
      %dma_start3A_125 = tpu.memref_squeeze %dma_start3A_124 : memref<1x16x8x128xf32, #tpu.memory_space<vmem>> -> memref<16x8x128xf32, #tpu.memory_space<vmem>>
      %dma_start3A_126 = arith.constant 0 : i32
      %dma_start3A_127 = arith.constant 0 : i32
      %dma_start3A_128 = tpu.memref_slice %arg6[%mul3A_94, %dma_start3A_126, %dma_start3A_127] : memref<16000x8x128xf32, #tpu.memory_space<hbm>> -> memref<16x8x128xf32, #tpu.memory_space<hbm>>
      tpu.enqueue_dma source(%dma_start3A_128 : memref<16x8x128xf32, #tpu.memory_space<hbm>>) target(%dma_start3A_125 : memref<16x8x128xf32, #tpu.memory_space<vmem>>) target_semaphore(%arg20 : memref<!tpu.dma_semaphore, #tpu.memory_space<semaphore_mem>>)
      %add3A_129 = arith.constant 1 : i32
      %add3A_130 = arith.addi %mul3A_82, %add3A_129 : i32
      %broadcast_in_dim3A_131 = vector.broadcast %add3A_130 : i32 to vector<16xi32>
      %gather3A_132 = tpu.vector_load_idx %arg10[%broadcast_in_dim3A_131] : memref<128xi32, #tpu.memory_space<vmem>>[vector<16xi32>], vector<16xi32>,
      %reduce_max3A_133 = arith.constant true
      %reduce_max3A_134 = vector.broadcast %reduce_max3A_133 : i1 to vector<16xi1>
      %reduce_max3A_135 = arith.constant -2147483648 : i32
      %reduce_max3A_136 = vector.broadcast %reduce_max3A_135 : i32 to vector<16xi32>
      %reduce_max3A_137 = arith.xori %gather3A_132, %reduce_max3A_136 : vector<16xi32>
      %reduce_max3A_138 = tpu.scan <max>, %reduce_max3A_137 masked %reduce_max3A_134 : vector<16xi32>, vector<16xi1> -> vector<16xi32>
      %reduce_max3A_139 = arith.xori %reduce_max3A_138, %reduce_max3A_136 : vector<16xi32>
      %reduce_max3A_140 = vector.extract %reduce_max3A_139[15] : i32 from vector<16xi32>
      %mul3A_141 = arith.constant 16 : i32
      %mul3A_142 = arith.muli %reduce_max3A_140, %mul3A_141 : i32
      %dma_start3A_143 = arith.constant 1 : i32
      %dma_start3A_144 = arith.constant 0 : i32
      %dma_start3A_145 = arith.constant 0 : i32
      %dma_start3A_146 = arith.constant 0 : i32
      %dma_start3A_147 = tpu.memref_slice %arg13[%dma_start3A_143, %dma_start3A_144, %dma_start3A_145, %dma_start3A_146] : memref<2x16x8x128xf32, #tpu.memory_space<vmem>> -> memref<1x16x8x128xf32, #tpu.memory_space<vmem>>
      %dma_start3A_148 = tpu.memref_squeeze %dma_start3A_147 : memref<1x16x8x128xf32, #tpu.memory_space<vmem>> -> memref<16x8x128xf32, #tpu.memory_space<vmem>>
      %dma_start3A_149 = arith.constant 0 : i32
      %dma_start3A_150 = arith.constant 0 : i32
      %dma_start3A_151 = tpu.memref_slice %arg5[%mul3A_142, %dma_start3A_149, %dma_start3A_150] : memref<16000x8x128xf32, #tpu.memory_space<hbm>> -> memref<16x8x128xf32, #tpu.memory_space<hbm>>
      %dma_start3A_152 = arith.constant 0 : i32
      %dma_start3A_153 = arith.constant 0 : i32
      %dma_start3A_154 = arith.constant 0 : i32
      %dma_start3A_155 = tpu.memref_slice %arg13[%dma_start3A_143, %dma_start3A_152, %dma_start3A_153, %dma_start3A_154] : memref<2x16x8x128xf32, #tpu.memory_space<vmem>> -> memref<1x16x8x128xf32, #tpu.memory_space<vmem>>
      %dma_start3A_156 = tpu.memref_squeeze %dma_start3A_155 : memref<1x16x8x128xf32, #tpu.memory_space<vmem>> -> memref<16x8x128xf32, #tpu.memory_space<vmem>>
      %dma_start3A_157 = arith.constant 0 : i32
      %dma_start3A_158 = arith.constant 0 : i32
      %dma_start3A_159 = tpu.memref_slice %arg5[%mul3A_142, %dma_start3A_157, %dma_start3A_158] : memref<16000x8x128xf32, #tpu.memory_space<hbm>> -> memref<16x8x128xf32, #tpu.memory_space<hbm>>
      tpu.enqueue_dma source(%dma_start3A_159 : memref<16x8x128xf32, #tpu.memory_space<hbm>>) target(%dma_start3A_156 : memref<16x8x128xf32, #tpu.memory_space<vmem>>) target_semaphore(%arg20 : memref<!tpu.dma_semaphore, #tpu.memory_space<semaphore_mem>>)
      %dma_start3A_160 = arith.constant 1 : i32
      %dma_start3A_161 = arith.constant 0 : i32
      %dma_start3A_162 = arith.constant 0 : i32
      %dma_start3A_163 = arith.constant 0 : i32
      %dma_start3A_164 = tpu.memref_slice %arg14[%dma_start3A_160, %dma_start3A_161, %dma_start3A_162, %dma_start3A_163] : memref<2x16x8x128xf32, #tpu.memory_space<vmem>> -> memref<1x16x8x128xf32, #tpu.memory_space<vmem>>
      %dma_start3A_165 = tpu.memref_squeeze %dma_start3A_164 : memref<1x16x8x128xf32, #tpu.memory_space<vmem>> -> memref<16x8x128xf32, #tpu.memory_space<vmem>>
      %dma_start3A_166 = arith.constant 0 : i32
      %dma_start3A_167 = arith.constant 0 : i32
      %dma_start3A_168 = tpu.memref_slice %arg6[%mul3A_142, %dma_start3A_166, %dma_start3A_167] : memref<16000x8x128xf32, #tpu.memory_space<hbm>> -> memref<16x8x128xf32, #tpu.memory_space<hbm>>
      %dma_start3A_169 = arith.constant 0 : i32
      %dma_start3A_170 = arith.constant 0 : i32
      %dma_start3A_171 = arith.constant 0 : i32
      %dma_start3A_172 = tpu.memref_slice %arg14[%dma_start3A_160, %dma_start3A_169, %dma_start3A_170, %dma_start3A_171] : memref<2x16x8x128xf32, #tpu.memory_space<vmem>> -> memref<1x16x8x128xf32, #tpu.memory_space<vmem>>
      %dma_start3A_173 = tpu.memref_squeeze %dma_start3A_172 : memref<1x16x8x128xf32, #tpu.memory_space<vmem>> -> memref<16x8x128xf32, #tpu.memory_space<vmem>>
      %dma_start3A_174 = arith.constant 0 : i32
      %dma_start3A_175 = arith.constant 0 : i32
      %dma_start3A_176 = tpu.memref_slice %arg6[%mul3A_142, %dma_start3A_174, %dma_start3A_175] : memref<16000x8x128xf32, #tpu.memory_space<hbm>> -> memref<16x8x128xf32, #tpu.memory_space<hbm>>
      tpu.enqueue_dma source(%dma_start3A_176 : memref<16x8x128xf32, #tpu.memory_space<hbm>>) target(%dma_start3A_173 : memref<16x8x128xf32, #tpu.memory_space<vmem>>) target_semaphore(%arg20 : memref<!tpu.dma_semaphore, #tpu.memory_space<semaphore_mem>>)
      %dma_start3A_177 = tpu.memref_slice %arg4[%mul3A_85] : memref<6553600xf32, #tpu.memory_space<hbm>> -> memref<3200xf32, #tpu.memory_space<hbm>>
      %dma_start3A_178 = tpu.memref_slice %arg4[%mul3A_85] : memref<6553600xf32, #tpu.memory_space<hbm>> -> memref<3200xf32, #tpu.memory_space<hbm>>
      tpu.enqueue_dma source(%dma_start3A_178 : memref<3200xf32, #tpu.memory_space<hbm>>) target(%arg15 : memref<3200xf32, #tpu.memory_space<vmem>>) target_semaphore(%arg21 : memref<!tpu.dma_semaphore, #tpu.memory_space<semaphore_mem>>)
      %dma_wait3A_179 = arith.constant 0 : i32
      %dma_wait3A_180 = arith.constant 0 : i32
      %dma_wait3A_181 = arith.constant 0 : i32
      %dma_wait3A_182 = arith.constant 0 : i32
      %dma_wait3A_183 = tpu.memref_slice %arg13[%dma_wait3A_179, %dma_wait3A_180, %dma_wait3A_181, %dma_wait3A_182] : memref<2x16x8x128xf32, #tpu.memory_space<vmem>> -> memref<1x16x8x128xf32, #tpu.memory_space<vmem>>
      %dma_wait3A_184 = tpu.memref_squeeze %dma_wait3A_183 : memref<1x16x8x128xf32, #tpu.memory_space<vmem>> -> memref<16x8x128xf32, #tpu.memory_space<vmem>>
      %dma_wait3A_185 = arith.constant 0 : i32
      %dma_wait3A_186 = arith.constant 0 : i32
      %dma_wait3A_187 = tpu.memref_slice %arg5[%mul3A_94, %dma_wait3A_185, %dma_wait3A_186] : memref<16000x8x128xf32, #tpu.memory_space<hbm>> -> memref<16x8x128xf32, #tpu.memory_space<hbm>>
      %dma_wait3A_188 = arith.constant 0 : i32
      %dma_wait3A_189 = arith.constant 0 : i32
      %dma_wait3A_190 = arith.constant 0 : i32
      %dma_wait3A_191 = tpu.memref_slice %arg13[%dma_wait3A_179, %dma_wait3A_188, %dma_wait3A_189, %dma_wait3A_190] : memref<2x16x8x128xf32, #tpu.memory_space<vmem>> -> memref<1x16x8x128xf32, #tpu.memory_space<vmem>>
      %dma_wait3A_192 = tpu.memref_squeeze %dma_wait3A_191 : memref<1x16x8x128xf32, #tpu.memory_space<vmem>> -> memref<16x8x128xf32, #tpu.memory_space<vmem>>
      %dma_wait3A_193 = arith.constant 0 : i32
      %dma_wait3A_194 = arith.constant 0 : i32
      %dma_wait3A_195 = tpu.memref_slice %arg5[%mul3A_94, %dma_wait3A_193, %dma_wait3A_194] : memref<16000x8x128xf32, #tpu.memory_space<hbm>> -> memref<16x8x128xf32, #tpu.memory_space<hbm>>
      tpu.wait_dma2 semaphore(%arg20 : memref<!tpu.dma_semaphore, #tpu.memory_space<semaphore_mem>>) src(%dma_wait3A_195 : memref<16x8x128xf32, #tpu.memory_space<hbm>>) dst(%dma_wait3A_192 : memref<16x8x128xf32, #tpu.memory_space<vmem>>)
      %dma_wait3A_196 = arith.constant 0 : i32
      %dma_wait3A_197 = arith.constant 0 : i32
      %dma_wait3A_198 = arith.constant 0 : i32
      %dma_wait3A_199 = arith.constant 0 : i32
      %dma_wait3A_200 = tpu.memref_slice %arg14[%dma_wait3A_196, %dma_wait3A_197, %dma_wait3A_198, %dma_wait3A_199] : memref<2x16x8x128xf32, #tpu.memory_space<vmem>> -> memref<1x16x8x128xf32, #tpu.memory_space<vmem>>
      %dma_wait3A_201 = tpu.memref_squeeze %dma_wait3A_200 : memref<1x16x8x128xf32, #tpu.memory_space<vmem>> -> memref<16x8x128xf32, #tpu.memory_space<vmem>>
      %dma_wait3A_202 = arith.constant 0 : i32
      %dma_wait3A_203 = arith.constant 0 : i32
      %dma_wait3A_204 = tpu.memref_slice %arg6[%mul3A_94, %dma_wait3A_202, %dma_wait3A_203] : memref<16000x8x128xf32, #tpu.memory_space<hbm>> -> memref<16x8x128xf32, #tpu.memory_space<hbm>>
      %dma_wait3A_205 = arith.constant 0 : i32
      %dma_wait3A_206 = arith.constant 0 : i32
      %dma_wait3A_207 = arith.constant 0 : i32
      %dma_wait3A_208 = tpu.memref_slice %arg14[%dma_wait3A_196, %dma_wait3A_205, %dma_wait3A_206, %dma_wait3A_207] : memref<2x16x8x128xf32, #tpu.memory_space<vmem>> -> memref<1x16x8x128xf32, #tpu.memory_space<vmem>>
      %dma_wait3A_209 = tpu.memref_squeeze %dma_wait3A_208 : memref<1x16x8x128xf32, #tpu.memory_space<vmem>> -> memref<16x8x128xf32, #tpu.memory_space<vmem>>
      %dma_wait3A_210 = arith.constant 0 : i32
      %dma_wait3A_211 = arith.constant 0 : i32
      %dma_wait3A_212 = tpu.memref_slice %arg6[%mul3A_94, %dma_wait3A_210, %dma_wait3A_211] : memref<16000x8x128xf32, #tpu.memory_space<hbm>> -> memref<16x8x128xf32, #tpu.memory_space<hbm>>
      tpu.wait_dma2 semaphore(%arg20 : memref<!tpu.dma_semaphore, #tpu.memory_space<semaphore_mem>>) src(%dma_wait3A_212 : memref<16x8x128xf32, #tpu.memory_space<hbm>>) dst(%dma_wait3A_209 : memref<16x8x128xf32, #tpu.memory_space<vmem>>)
      %dma_wait3A_213 = tpu.memref_slice %arg4[%mul3A_85] : memref<6553600xf32, #tpu.memory_space<hbm>> -> memref<3200xf32, #tpu.memory_space<hbm>>
      %dma_wait3A_214 = tpu.memref_slice %arg4[%mul3A_85] : memref<6553600xf32, #tpu.memory_space<hbm>> -> memref<3200xf32, #tpu.memory_space<hbm>>
      tpu.wait_dma2 semaphore(%arg21 : memref<!tpu.dma_semaphore, #tpu.memory_space<semaphore_mem>>) src(%dma_wait3A_214 : memref<3200xf32, #tpu.memory_space<hbm>>) dst(%arg15 : memref<3200xf32, #tpu.memory_space<vmem>>)
      %broadcast_in_dim3A_215 = vector.broadcast %mul3A_82 : i32 to vector<16xi32>
      %broadcast_in_dim3A_216 = arith.constant 0 : i32
      %broadcast_in_dim3A_217 = vector.broadcast %broadcast_in_dim3A_216 : i32 to vector<16xi32>
      %scan3A_218 = arith.constant 0 : i32
      %scan3A_219 = arith.constant 100 : i32
      %scan3A_220 = arith.addi %scan3A_218, %scan3A_219 : i32
      %scan3A_221 = arith.constant 10 : i32
      scf.for %scan3A_341 = %scan3A_218 to %scan3A_220 step %scan3A_221  : i32 {
        %mul3A_342 = arith.constant 1 : i32
        %mul3A_343 = arith.muli %scan3A_341, %mul3A_342 : i32
        %add3A_344 = arith.constant 0 : i32
        %add3A_345 = arith.addi %add3A_344, %mul3A_343 : i32
        %mul3A_346 = arith.constant 2 : i32
        %mul3A_347 = arith.muli %mul3A_346, %add3A_345 : i32
        %add3A_348 = vector.broadcast %mul3A_347 : i32 to vector<16xi32>
        %add3A_349 = arith.addi %add3A_348, %select_n3A_45 : vector<16xi32>
        %jit3A_350 = arith.constant 8 : i32
        %div3A_351 = vector.broadcast %jit3A_350 : i32 to vector<16xi32>
        %div3A_352 = arith.divsi %add3A_349, %div3A_351 : vector<16xi32>
        %sign3A_353 = arith.constant 0 : i32
        %sign3A_354 = vector.broadcast %sign3A_353 : i32 to vector<16xi32>
        %sign3A_355 = arith.cmpi sgt, %add3A_349, %sign3A_354 : vector<16xi32>
        %sign3A_356 = arith.extui %sign3A_355 : vector<16xi1> to vector<16xi32>
        %sign3A_357 = arith.constant 0 : i32
        %sign3A_358 = vector.broadcast %sign3A_357 : i32 to vector<16xi32>
        %sign3A_359 = arith.cmpi slt, %add3A_349, %sign3A_358 : vector<16xi32>
        %sign3A_360 = arith.extui %sign3A_359 : vector<16xi1> to vector<16xi32>
        %sign3A_361 = arith.subi %sign3A_356, %sign3A_360 : vector<16xi32>
        %sign3A_362 = arith.constant 0 : i32
        %sign3A_363 = arith.cmpi sgt, %jit3A_350, %sign3A_362 : i32
        %sign3A_364 = arith.extui %sign3A_363 : i1 to i32
        %sign3A_365 = arith.constant 0 : i32
        %sign3A_366 = arith.cmpi slt, %jit3A_350, %sign3A_365 : i32
        %sign3A_367 = arith.extui %sign3A_366 : i1 to i32
        %sign3A_368 = arith.subi %sign3A_364, %sign3A_367 : i32
        %ne3A_369 = vector.broadcast %sign3A_368 : i32 to vector<16xi32>
        %ne3A_370 = arith.cmpi ne, %sign3A_361, %ne3A_369 : vector<16xi32>
        %rem3A_371 = vector.broadcast %jit3A_350 : i32 to vector<16xi32>
        %rem3A_372 = arith.remsi %add3A_349, %rem3A_371 : vector<16xi32>
        %ne3A_373 = arith.constant 0 : i32
        %ne3A_374 = vector.broadcast %ne3A_373 : i32 to vector<16xi32>
        %ne3A_375 = arith.cmpi ne, %rem3A_372, %ne3A_374 : vector<16xi32>
        %and3A_376 = arith.andi %ne3A_370, %ne3A_375 : vector<16xi1>
        %sub3A_377 = arith.constant 1 : i32
        %sub3A_378 = vector.broadcast %sub3A_377 : i32 to vector<16xi32>
        %sub3A_379 = arith.subi %div3A_352, %sub3A_378 : vector<16xi32>
        %select_n3A_380 = arith.select %and3A_376, %sub3A_379, %div3A_352 : vector<16xi1>, vector<16xi32>
        %jit3A_381 = arith.constant 8 : i32
        %eq3A_382 = arith.constant 0 : i32
        %eq3A_383 = arith.cmpi eq, %jit3A_381, %eq3A_382 : i32
        %jit3A_384 = arith.constant 1 : i32
        %select_n3A_385 = arith.select %eq3A_383, %jit3A_384, %jit3A_381 : i32
        %rem3A_386 = vector.broadcast %select_n3A_385 : i32 to vector<16xi32>
        %rem3A_387 = arith.remsi %add3A_349, %rem3A_386 : vector<16xi32>
        %ne3A_388 = arith.constant 0 : i32
        %ne3A_389 = vector.broadcast %ne3A_388 : i32 to vector<16xi32>
        %ne3A_390 = arith.cmpi ne, %rem3A_387, %ne3A_389 : vector<16xi32>
        %lt3A_391 = arith.constant 0 : i32
        %lt3A_392 = vector.broadcast %lt3A_391 : i32 to vector<16xi32>
        %lt3A_393 = arith.cmpi slt, %rem3A_387, %lt3A_392 : vector<16xi32>
        %lt3A_394 = arith.constant 0 : i32
        %lt3A_395 = arith.cmpi slt, %select_n3A_385, %lt3A_394 : i32
        %ne3A_396 = vector.broadcast %lt3A_395 : i1 to vector<16xi1>
        %ne3A_397 = vector.broadcast %ne3A_396 : vector<16xi1> to vector<16xi1>
        %ne3A_398 = arith.xori %lt3A_393, %ne3A_397 : vector<16xi1>
        %and3A_399 = arith.andi %ne3A_398, %ne3A_390 : vector<16xi1>
        %add3A_400 = vector.broadcast %select_n3A_385 : i32 to vector<16xi32>
        %add3A_401 = arith.addi %rem3A_387, %add3A_400 : vector<16xi32>
        %select_n3A_402 = arith.select %and3A_399, %add3A_401, %rem3A_387 : vector<16xi1>, vector<16xi32>
        %gather3A_403 = tpu.vector_load_idx %arg12[%select_n3A_380, %select_n3A_402, %broadcast_in_dim3A_215] : memref<25x8x128xi32, #tpu.memory_space<vmem>>[vector<16xi32>, vector<16xi32>, vector<16xi32>], vector<16xi32>,
        %shift_right_arithmetic3A = arith.constant 7 : i32
        %shift_right_arithmetic3A_404 = vector.broadcast %shift_right_arithmetic3A : i32 to vector<16xi32>
        %shift_right_arithmetic3A_405 = arith.shrsi %gather3A_403, %shift_right_arithmetic3A_404 : vector<16xi32>
        %and3A_406 = arith.constant 127 : i32
        %and3A_407 = vector.broadcast %and3A_406 : i32 to vector<16xi32>
        %and3A_408 = arith.andi %gather3A_403, %and3A_407 : vector<16xi32>
        %gather3A_409 = tpu.vector_load_idx %arg13[%broadcast_in_dim3A_217, %shift_right_arithmetic3A_405, %select_n3A_17, %and3A_408] : memref<2x16x8x128xf32, #tpu.memory_space<vmem>>[vector<16xi32>, vector<16xi32>, vector<16xi32>, vector<16xi32>], vector<16xf32>,
        %gather3A_410 = tpu.vector_load_idx %arg14[%broadcast_in_dim3A_217, %shift_right_arithmetic3A_405, %select_n3A_17, %and3A_408] : memref<2x16x8x128xf32, #tpu.memory_space<vmem>>[vector<16xi32>, vector<16xi32>, vector<16xi32>, vector<16xi32>], vector<16xf32>,
        %mul3A_411 = arith.constant 16 : i32
        %mul3A_412 = arith.muli %add3A_345, %mul3A_411 : i32
        %add3A_413 = arith.constant 0 : i32
        %add3A_414 = arith.addi %add3A_413, %mul3A_412 : i32
        %get3A = arith.index_cast %add3A_414 : i32 to index
        %get3A_415 = tpu.vector_load %arg15[%get3A] {strides = array<i32>} : memref<3200xf32, #tpu.memory_space<vmem>>, vector<16xf32>,
        %bitcast3A = vector.bitcast %gather3A_410 : vector<16xf32> to vector<16xi32>
        %shift_right_arithmetic3A_416 = arith.constant 1 : i32
        %shift_right_arithmetic3A_417 = vector.broadcast %shift_right_arithmetic3A_416 : i32 to vector<16xi32>
        %shift_right_arithmetic3A_418 = arith.shrsi %bitcast3A, %shift_right_arithmetic3A_417 : vector<16xi32>
        %sub3A_419 = arith.constant 1597463007 : i32
        %sub3A_420 = vector.broadcast %sub3A_419 : i32 to vector<16xi32>
        %sub3A_421 = arith.subi %sub3A_420, %shift_right_arithmetic3A_418 : vector<16xi32>
        %bitcast3A_422 = vector.bitcast %sub3A_421 : vector<16xi32> to vector<16xf32>
        %mul3A_423 = arith.constant 5.000000e-01 : f32
        %mul3A_424 = vector.broadcast %mul3A_423 : f32 to vector<16xf32>
        %mul3A_425 = arith.mulf %mul3A_424, %gather3A_410 : vector<16xf32>
        %mul3A_426 = arith.mulf %mul3A_425, %bitcast3A_422 : vector<16xf32>
        %mul3A_427 = arith.mulf %mul3A_426, %bitcast3A_422 : vector<16xf32>
        %sub3A_428 = arith.constant 1.500000e+00 : f32
        %sub3A_429 = vector.broadcast %sub3A_428 : f32 to vector<16xf32>
        %sub3A_430 = arith.subf %sub3A_429, %mul3A_427 : vector<16xf32>
        %mul3A_431 = arith.mulf %bitcast3A_422, %sub3A_430 : vector<16xf32>
        %mul3A_432 = arith.constant 5.000000e-01 : f32
        %mul3A_433 = vector.broadcast %mul3A_432 : f32 to vector<16xf32>
        %mul3A_434 = arith.mulf %mul3A_433, %gather3A_410 : vector<16xf32>
        %mul3A_435 = arith.mulf %mul3A_434, %mul3A_431 : vector<16xf32>
        %mul3A_436 = arith.mulf %mul3A_435, %mul3A_431 : vector<16xf32>
        %sub3A_437 = arith.constant 1.500000e+00 : f32
        %sub3A_438 = vector.broadcast %sub3A_437 : f32 to vector<16xf32>
        %sub3A_439 = arith.subf %sub3A_438, %mul3A_436 : vector<16xf32>
        %mul3A_440 = arith.mulf %mul3A_431, %sub3A_439 : vector<16xf32>
        %mul3A_441 = arith.constant 16 : i32
        %mul3A_442 = arith.muli %add3A_345, %mul3A_441 : i32
        %add3A_443 = arith.constant 0 : i32
        %add3A_444 = arith.addi %add3A_443, %mul3A_442 : i32
        %swap3A_445 = arith.index_cast %add3A_444 : i32 to index
        %swap3A_446 = tpu.vector_load %arg16[%swap3A_445] {strides = array<i32>} : memref<3200xf32, #tpu.memory_space<vmem>>, vector<16xf32>,
        tpu.vector_store %arg16[%swap3A_445], %gather3A_409 {strides = array<i32>} : memref<3200xf32, #tpu.memory_space<vmem>>, vector<16xf32>,
        %swap3A_447 = arith.index_cast %add3A_444 : i32 to index
        %swap3A_448 = tpu.vector_load %arg17[%swap3A_447] {strides = array<i32>} : memref<3200xf32, #tpu.memory_space<vmem>>, vector<16xf32>,
        tpu.vector_store %arg17[%swap3A_447], %gather3A_410 {strides = array<i32>} : memref<3200xf32, #tpu.memory_space<vmem>>, vector<16xf32>,
        %sub3A_449 = arith.subf %get3A_415, %gather3A_409 : vector<16xf32>
        %mul3A_450 = arith.mulf %sub3A_449, %mul3A_440 : vector<16xf32>
        %swap3A_451 = arith.index_cast %add3A_444 : i32 to index
        %swap3A_452 = tpu.vector_load %arg18[%swap3A_451] {strides = array<i32>} : memref<3200xf32, #tpu.memory_space<vmem>>, vector<16xf32>,
        tpu.vector_store %arg18[%swap3A_451], %mul3A_450 {strides = array<i32>} : memref<3200xf32, #tpu.memory_space<vmem>>, vector<16xf32>,
        %scan3A_453 = arith.constant 1 : i32
        %scan3A_454 = arith.addi %scan3A_341, %scan3A_453 : i32
        %mul3A_455 = arith.constant 1 : i32
        %mul3A_456 = arith.muli %scan3A_454, %mul3A_455 : i32
        %add3A_457 = arith.constant 0 : i32
        %add3A_458 = arith.addi %add3A_457, %mul3A_456 : i32
        %mul3A_459 = arith.constant 2 : i32
        %mul3A_460 = arith.muli %mul3A_459, %add3A_458 : i32
        %add3A_461 = vector.broadcast %mul3A_460 : i32 to vector<16xi32>
        %add3A_462 = arith.addi %add3A_461, %select_n3A_45 : vector<16xi32>
        %jit3A_463 = arith.constant 8 : i32
        %div3A_464 = vector.broadcast %jit3A_463 : i32 to vector<16xi32>
        %div3A_465 = arith.divsi %add3A_462, %div3A_464 : vector<16xi32>
        %sign3A_466 = arith.constant 0 : i32
        %sign3A_467 = vector.broadcast %sign3A_466 : i32 to vector<16xi32>
        %sign3A_468 = arith.cmpi sgt, %add3A_462, %sign3A_467 : vector<16xi32>
        %sign3A_469 = arith.extui %sign3A_468 : vector<16xi1> to vector<16xi32>
        %sign3A_470 = arith.constant 0 : i32
        %sign3A_471 = vector.broadcast %sign3A_470 : i32 to vector<16xi32>
        %sign3A_472 = arith.cmpi slt, %add3A_462, %sign3A_471 : vector<16xi32>
        %sign3A_473 = arith.extui %sign3A_472 : vector<16xi1> to vector<16xi32>
        %sign3A_474 = arith.subi %sign3A_469, %sign3A_473 : vector<16xi32>
        %sign3A_475 = arith.constant 0 : i32
        %sign3A_476 = arith.cmpi sgt, %jit3A_463, %sign3A_475 : i32
        %sign3A_477 = arith.extui %sign3A_476 : i1 to i32
        %sign3A_478 = arith.constant 0 : i32
        %sign3A_479 = arith.cmpi slt, %jit3A_463, %sign3A_478 : i32
        %sign3A_480 = arith.extui %sign3A_479 : i1 to i32
        %sign3A_481 = arith.subi %sign3A_477, %sign3A_480 : i32
        %ne3A_482 = vector.broadcast %sign3A_481 : i32 to vector<16xi32>
        %ne3A_483 = arith.cmpi ne, %sign3A_474, %ne3A_482 : vector<16xi32>
        %rem3A_484 = vector.broadcast %jit3A_463 : i32 to vector<16xi32>
        %rem3A_485 = arith.remsi %add3A_462, %rem3A_484 : vector<16xi32>
        %ne3A_486 = arith.constant 0 : i32
        %ne3A_487 = vector.broadcast %ne3A_486 : i32 to vector<16xi32>
        %ne3A_488 = arith.cmpi ne, %rem3A_485, %ne3A_487 : vector<16xi32>
        %and3A_489 = arith.andi %ne3A_483, %ne3A_488 : vector<16xi1>
        %sub3A_490 = arith.constant 1 : i32
        %sub3A_491 = vector.broadcast %sub3A_490 : i32 to vector<16xi32>
        %sub3A_492 = arith.subi %div3A_465, %sub3A_491 : vector<16xi32>
        %select_n3A_493 = arith.select %and3A_489, %sub3A_492, %div3A_465 : vector<16xi1>, vector<16xi32>
        %jit3A_494 = arith.constant 8 : i32
        %eq3A_495 = arith.constant 0 : i32
        %eq3A_496 = arith.cmpi eq, %jit3A_494, %eq3A_495 : i32
        %jit3A_497 = arith.constant 1 : i32
        %select_n3A_498 = arith.select %eq3A_496, %jit3A_497, %jit3A_494 : i32
        %rem3A_499 = vector.broadcast %select_n3A_498 : i32 to vector<16xi32>
        %rem3A_500 = arith.remsi %add3A_462, %rem3A_499 : vector<16xi32>
        %ne3A_501 = arith.constant 0 : i32
        %ne3A_502 = vector.broadcast %ne3A_501 : i32 to vector<16xi32>
        %ne3A_503 = arith.cmpi ne, %rem3A_500, %ne3A_502 : vector<16xi32>
        %lt3A_504 = arith.constant 0 : i32
        %lt3A_505 = vector.broadcast %lt3A_504 : i32 to vector<16xi32>
        %lt3A_506 = arith.cmpi slt, %rem3A_500, %lt3A_505 : vector<16xi32>
        %lt3A_507 = arith.constant 0 : i32
        %lt3A_508 = arith.cmpi slt, %select_n3A_498, %lt3A_507 : i32
        %ne3A_509 = vector.broadcast %lt3A_508 : i1 to vector<16xi1>
        %ne3A_510 = vector.broadcast %ne3A_509 : vector<16xi1> to vector<16xi1>
        %ne3A_511 = arith.xori %lt3A_506, %ne3A_510 : vector<16xi1>
        %and3A_512 = arith.andi %ne3A_511, %ne3A_503 : vector<16xi1>
        %add3A_513 = vector.broadcast %select_n3A_498 : i32 to vector<16xi32>
        %add3A_514 = arith.addi %rem3A_500, %add3A_513 : vector<16xi32>
        %select_n3A_515 = arith.select %and3A_512, %add3A_514, %rem3A_500 : vector<16xi1>, vector<16xi32>
        %gather3A_516 = tpu.vector_load_idx %arg12[%select_n3A_493, %select_n3A_515, %broadcast_in_dim3A_215] : memref<25x8x128xi32, #tpu.memory_space<vmem>>[vector<16xi32>, vector<16xi32>, vector<16xi32>], vector<16xi32>,
        %shift_right_arithmetic3A_517 = arith.constant 7 : i32
        %shift_right_arithmetic3A_518 = vector.broadcast %shift_right_arithmetic3A_517 : i32 to vector<16xi32>
        %shift_right_arithmetic3A_519 = arith.shrsi %gather3A_516, %shift_right_arithmetic3A_518 : vector<16xi32>
        %and3A_520 = arith.constant 127 : i32
        %and3A_521 = vector.broadcast %and3A_520 : i32 to vector<16xi32>
        %and3A_522 = arith.andi %gather3A_516, %and3A_521 : vector<16xi32>
        %gather3A_523 = tpu.vector_load_idx %arg13[%broadcast_in_dim3A_217, %shift_right_arithmetic3A_519, %select_n3A_17, %and3A_522] : memref<2x16x8x128xf32, #tpu.memory_space<vmem>>[vector<16xi32>, vector<16xi32>, vector<16xi32>, vector<16xi32>], vector<16xf32>,
        %gather3A_524 = tpu.vector_load_idx %arg14[%broadcast_in_dim3A_217, %shift_right_arithmetic3A_519, %select_n3A_17, %and3A_522] : memref<2x16x8x128xf32, #tpu.memory_space<vmem>>[vector<16xi32>, vector<16xi32>, vector<16xi32>, vector<16xi32>], vector<16xf32>,
        %mul3A_525 = arith.constant 16 : i32
        %mul3A_526 = arith.muli %add3A_458, %mul3A_525 : i32
        %add3A_527 = arith.constant 0 : i32
        %add3A_528 = arith.addi %add3A_527, %mul3A_526 : i32
        %get3A_529 = arith.index_cast %add3A_528 : i32 to index
        %get3A_530 = tpu.vector_load %arg15[%get3A_529] {strides = array<i32>} : memref<3200xf32, #tpu.memory_space<vmem>>, vector<16xf32>,
        %bitcast3A_531 = vector.bitcast %gather3A_524 : vector<16xf32> to vector<16xi32>
        %shift_right_arithmetic3A_532 = arith.constant 1 : i32
        %shift_right_arithmetic3A_533 = vector.broadcast %shift_right_arithmetic3A_532 : i32 to vector<16xi32>
        %shift_right_arithmetic3A_534 = arith.shrsi %bitcast3A_531, %shift_right_arithmetic3A_533 : vector<16xi32>
        %sub3A_535 = arith.constant 1597463007 : i32
        %sub3A_536 = vector.broadcast %sub3A_535 : i32 to vector<16xi32>
        %sub3A_537 = arith.subi %sub3A_536, %shift_right_arithmetic3A_534 : vector<16xi32>
        %bitcast3A_538 = vector.bitcast %sub3A_537 : vector<16xi32> to vector<16xf32>
        %mul3A_539 = arith.constant 5.000000e-01 : f32
        %mul3A_540 = vector.broadcast %mul3A_539 : f32 to vector<16xf32>
        %mul3A_541 = arith.mulf %mul3A_540, %gather3A_524 : vector<16xf32>
        %mul3A_542 = arith.mulf %mul3A_541, %bitcast3A_538 : vector<16xf32>
        %mul3A_543 = arith.mulf %mul3A_542, %bitcast3A_538 : vector<16xf32>
        %sub3A_544 = arith.constant 1.500000e+00 : f32
        %sub3A_545 = vector.broadcast %sub3A_544 : f32 to vector<16xf32>
        %sub3A_546 = arith.subf %sub3A_545, %mul3A_543 : vector<16xf32>
        %mul3A_547 = arith.mulf %bitcast3A_538, %sub3A_546 : vector<16xf32>
        %mul3A_548 = arith.constant 5.000000e-01 : f32
        %mul3A_549 = vector.broadcast %mul3A_548 : f32 to vector<16xf32>
        %mul3A_550 = arith.mulf %mul3A_549, %gather3A_524 : vector<16xf32>
        %mul3A_551 = arith.mulf %mul3A_550, %mul3A_547 : vector<16xf32>
        %mul3A_552 = arith.mulf %mul3A_551, %mul3A_547 : vector<16xf32>
        %sub3A_553 = arith.constant 1.500000e+00 : f32
        %sub3A_554 = vector.broadcast %sub3A_553 : f32 to vector<16xf32>
        %sub3A_555 = arith.subf %sub3A_554, %mul3A_552 : vector<16xf32>
        %mul3A_556 = arith.mulf %mul3A_547, %sub3A_555 : vector<16xf32>
        %mul3A_557 = arith.constant 16 : i32
        %mul3A_558 = arith.muli %add3A_458, %mul3A_557 : i32
        %add3A_559 = arith.constant 0 : i32
        %add3A_560 = arith.addi %add3A_559, %mul3A_558 : i32
        %swap3A_561 = arith.index_cast %add3A_560 : i32 to index
        %swap3A_562 = tpu.vector_load %arg16[%swap3A_561] {strides = array<i32>} : memref<3200xf32, #tpu.memory_space<vmem>>, vector<16xf32>,
        tpu.vector_store %arg16[%swap3A_561], %gather3A_523 {strides = array<i32>} : memref<3200xf32, #tpu.memory_space<vmem>>, vector<16xf32>,
        %swap3A_563 = arith.index_cast %add3A_560 : i32 to index
        %swap3A_564 = tpu.vector_load %arg17[%swap3A_563] {strides = array<i32>} : memref<3200xf32, #tpu.memory_space<vmem>>, vector<16xf32>,
        tpu.vector_store %arg17[%swap3A_563], %gather3A_524 {strides = array<i32>} : memref<3200xf32, #tpu.memory_space<vmem>>, vector<16xf32>,
        %sub3A_565 = arith.subf %get3A_530, %gather3A_523 : vector<16xf32>
        %mul3A_566 = arith.mulf %sub3A_565, %mul3A_556 : vector<16xf32>
        %swap3A_567 = arith.index_cast %add3A_560 : i32 to index
        %swap3A_568 = tpu.vector_load %arg18[%swap3A_567] {strides = array<i32>} : memref<3200xf32, #tpu.memory_space<vmem>>, vector<16xf32>,
        tpu.vector_store %arg18[%swap3A_567], %mul3A_566 {strides = array<i32>} : memref<3200xf32, #tpu.memory_space<vmem>>, vector<16xf32>,
        %scan3A_569 = arith.constant 2 : i32
        %scan3A_570 = arith.addi %scan3A_341, %scan3A_569 : i32
        %mul3A_571 = arith.constant 1 : i32
        %mul3A_572 = arith.muli %scan3A_570, %mul3A_571 : i32
        %add3A_573 = arith.constant 0 : i32
        %add3A_574 = arith.addi %add3A_573, %mul3A_572 : i32
        %mul3A_575 = arith.constant 2 : i32
        %mul3A_576 = arith.muli %mul3A_575, %add3A_574 : i32
        %add3A_577 = vector.broadcast %mul3A_576 : i32 to vector<16xi32>
        %add3A_578 = arith.addi %add3A_577, %select_n3A_45 : vector<16xi32>
        %jit3A_579 = arith.constant 8 : i32
        %div3A_580 = vector.broadcast %jit3A_579 : i32 to vector<16xi32>
        %div3A_581 = arith.divsi %add3A_578, %div3A_580 : vector<16xi32>
        %sign3A_582 = arith.constant 0 : i32
        %sign3A_583 = vector.broadcast %sign3A_582 : i32 to vector<16xi32>
        %sign3A_584 = arith.cmpi sgt, %add3A_578, %sign3A_583 : vector<16xi32>
        %sign3A_585 = arith.extui %sign3A_584 : vector<16xi1> to vector<16xi32>
        %sign3A_586 = arith.constant 0 : i32
        %sign3A_587 = vector.broadcast %sign3A_586 : i32 to vector<16xi32>
        %sign3A_588 = arith.cmpi slt, %add3A_578, %sign3A_587 : vector<16xi32>
        %sign3A_589 = arith.extui %sign3A_588 : vector<16xi1> to vector<16xi32>
        %sign3A_590 = arith.subi %sign3A_585, %sign3A_589 : vector<16xi32>
        %sign3A_591 = arith.constant 0 : i32
        %sign3A_592 = arith.cmpi sgt, %jit3A_579, %sign3A_591 : i32
        %sign3A_593 = arith.extui %sign3A_592 : i1 to i32
        %sign3A_594 = arith.constant 0 : i32
        %sign3A_595 = arith.cmpi slt, %jit3A_579, %sign3A_594 : i32
        %sign3A_596 = arith.extui %sign3A_595 : i1 to i32
        %sign3A_597 = arith.subi %sign3A_593, %sign3A_596 : i32
        %ne3A_598 = vector.broadcast %sign3A_597 : i32 to vector<16xi32>
        %ne3A_599 = arith.cmpi ne, %sign3A_590, %ne3A_598 : vector<16xi32>
        %rem3A_600 = vector.broadcast %jit3A_579 : i32 to vector<16xi32>
        %rem3A_601 = arith.remsi %add3A_578, %rem3A_600 : vector<16xi32>
        %ne3A_602 = arith.constant 0 : i32
        %ne3A_603 = vector.broadcast %ne3A_602 : i32 to vector<16xi32>
        %ne3A_604 = arith.cmpi ne, %rem3A_601, %ne3A_603 : vector<16xi32>
        %and3A_605 = arith.andi %ne3A_599, %ne3A_604 : vector<16xi1>
        %sub3A_606 = arith.constant 1 : i32
        %sub3A_607 = vector.broadcast %sub3A_606 : i32 to vector<16xi32>
        %sub3A_608 = arith.subi %div3A_581, %sub3A_607 : vector<16xi32>
        %select_n3A_609 = arith.select %and3A_605, %sub3A_608, %div3A_581 : vector<16xi1>, vector<16xi32>
        %jit3A_610 = arith.constant 8 : i32
        %eq3A_611 = arith.constant 0 : i32
        %eq3A_612 = arith.cmpi eq, %jit3A_610, %eq3A_611 : i32
        %jit3A_613 = arith.constant 1 : i32
        %select_n3A_614 = arith.select %eq3A_612, %jit3A_613, %jit3A_610 : i32
        %rem3A_615 = vector.broadcast %select_n3A_614 : i32 to vector<16xi32>
        %rem3A_616 = arith.remsi %add3A_578, %rem3A_615 : vector<16xi32>
        %ne3A_617 = arith.constant 0 : i32
        %ne3A_618 = vector.broadcast %ne3A_617 : i32 to vector<16xi32>
        %ne3A_619 = arith.cmpi ne, %rem3A_616, %ne3A_618 : vector<16xi32>
        %lt3A_620 = arith.constant 0 : i32
        %lt3A_621 = vector.broadcast %lt3A_620 : i32 to vector<16xi32>
        %lt3A_622 = arith.cmpi slt, %rem3A_616, %lt3A_621 : vector<16xi32>
        %lt3A_623 = arith.constant 0 : i32
        %lt3A_624 = arith.cmpi slt, %select_n3A_614, %lt3A_623 : i32
        %ne3A_625 = vector.broadcast %lt3A_624 : i1 to vector<16xi1>
        %ne3A_626 = vector.broadcast %ne3A_625 : vector<16xi1> to vector<16xi1>
        %ne3A_627 = arith.xori %lt3A_622, %ne3A_626 : vector<16xi1>
        %and3A_628 = arith.andi %ne3A_627, %ne3A_619 : vector<16xi1>
        %add3A_629 = vector.broadcast %select_n3A_614 : i32 to vector<16xi32>
        %add3A_630 = arith.addi %rem3A_616, %add3A_629 : vector<16xi32>
        %select_n3A_631 = arith.select %and3A_628, %add3A_630, %rem3A_616 : vector<16xi1>, vector<16xi32>
        %gather3A_632 = tpu.vector_load_idx %arg12[%select_n3A_609, %select_n3A_631, %broadcast_in_dim3A_215] : memref<25x8x128xi32, #tpu.memory_space<vmem>>[vector<16xi32>, vector<16xi32>, vector<16xi32>], vector<16xi32>,
        %shift_right_arithmetic3A_633 = arith.constant 7 : i32
        %shift_right_arithmetic3A_634 = vector.broadcast %shift_right_arithmetic3A_633 : i32 to vector<16xi32>
        %shift_right_arithmetic3A_635 = arith.shrsi %gather3A_632, %shift_right_arithmetic3A_634 : vector<16xi32>
        %and3A_636 = arith.constant 127 : i32
        %and3A_637 = vector.broadcast %and3A_636 : i32 to vector<16xi32>
        %and3A_638 = arith.andi %gather3A_632, %and3A_637 : vector<16xi32>
        %gather3A_639 = tpu.vector_load_idx %arg13[%broadcast_in_dim3A_217, %shift_right_arithmetic3A_635, %select_n3A_17, %and3A_638] : memref<2x16x8x128xf32, #tpu.memory_space<vmem>>[vector<16xi32>, vector<16xi32>, vector<16xi32>, vector<16xi32>], vector<16xf32>,
        %gather3A_640 = tpu.vector_load_idx %arg14[%broadcast_in_dim3A_217, %shift_right_arithmetic3A_635, %select_n3A_17, %and3A_638] : memref<2x16x8x128xf32, #tpu.memory_space<vmem>>[vector<16xi32>, vector<16xi32>, vector<16xi32>, vector<16xi32>], vector<16xf32>,
        %mul3A_641 = arith.constant 16 : i32
        %mul3A_642 = arith.muli %add3A_574, %mul3A_641 : i32
        %add3A_643 = arith.constant 0 : i32
        %add3A_644 = arith.addi %add3A_643, %mul3A_642 : i32
        %get3A_645 = arith.index_cast %add3A_644 : i32 to index
        %get3A_646 = tpu.vector_load %arg15[%get3A_645] {strides = array<i32>} : memref<3200xf32, #tpu.memory_space<vmem>>, vector<16xf32>,
        %bitcast3A_647 = vector.bitcast %gather3A_640 : vector<16xf32> to vector<16xi32>
        %shift_right_arithmetic3A_648 = arith.constant 1 : i32
        %shift_right_arithmetic3A_649 = vector.broadcast %shift_right_arithmetic3A_648 : i32 to vector<16xi32>
        %shift_right_arithmetic3A_650 = arith.shrsi %bitcast3A_647, %shift_right_arithmetic3A_649 : vector<16xi32>
        %sub3A_651 = arith.constant 1597463007 : i32
        %sub3A_652 = vector.broadcast %sub3A_651 : i32 to vector<16xi32>
        %sub3A_653 = arith.subi %sub3A_652, %shift_right_arithmetic3A_650 : vector<16xi32>
        %bitcast3A_654 = vector.bitcast %sub3A_653 : vector<16xi32> to vector<16xf32>
        %mul3A_655 = arith.constant 5.000000e-01 : f32
        %mul3A_656 = vector.broadcast %mul3A_655 : f32 to vector<16xf32>
        %mul3A_657 = arith.mulf %mul3A_656, %gather3A_640 : vector<16xf32>
        %mul3A_658 = arith.mulf %mul3A_657, %bitcast3A_654 : vector<16xf32>
        %mul3A_659 = arith.mulf %mul3A_658, %bitcast3A_654 : vector<16xf32>
        %sub3A_660 = arith.constant 1.500000e+00 : f32
        %sub3A_661 = vector.broadcast %sub3A_660 : f32 to vector<16xf32>
        %sub3A_662 = arith.subf %sub3A_661, %mul3A_659 : vector<16xf32>
        %mul3A_663 = arith.mulf %bitcast3A_654, %sub3A_662 : vector<16xf32>
        %mul3A_664 = arith.constant 5.000000e-01 : f32
        %mul3A_665 = vector.broadcast %mul3A_664 : f32 to vector<16xf32>
        %mul3A_666 = arith.mulf %mul3A_665, %gather3A_640 : vector<16xf32>
        %mul3A_667 = arith.mulf %mul3A_666, %mul3A_663 : vector<16xf32>
        %mul3A_668 = arith.mulf %mul3A_667, %mul3A_663 : vector<16xf32>
        %sub3A_669 = arith.constant 1.500000e+00 : f32
        %sub3A_670 = vector.broadcast %sub3A_669 : f32 to vector<16xf32>
        %sub3A_671 = arith.subf %sub3A_670, %mul3A_668 : vector<16xf32>
        %mul3A_672 = arith.mulf %mul3A_663, %sub3A_671 : vector<16xf32>
        %mul3A_673 = arith.constant 16 : i32
        %mul3A_674 = arith.muli %add3A_574, %mul3A_673 : i32
        %add3A_675 = arith.constant 0 : i32
        %add3A_676 = arith.addi %add3A_675, %mul3A_674 : i32
        %swap3A_677 = arith.index_cast %add3A_676 : i32 to index
        %swap3A_678 = tpu.vector_load %arg16[%swap3A_677] {strides = array<i32>} : memref<3200xf32, #tpu.memory_space<vmem>>, vector<16xf32>,
        tpu.vector_store %arg16[%swap3A_677], %gather3A_639 {strides = array<i32>} : memref<3200xf32, #tpu.memory_space<vmem>>, vector<16xf32>,
        %swap3A_679 = arith.index_cast %add3A_676 : i32 to index
        %swap3A_680 = tpu.vector_load %arg17[%swap3A_679] {strides = array<i32>} : memref<3200xf32, #tpu.memory_space<vmem>>, vector<16xf32>,
        tpu.vector_store %arg17[%swap3A_679], %gather3A_640 {strides = array<i32>} : memref<3200xf32, #tpu.memory_space<vmem>>, vector<16xf32>,
        %sub3A_681 = arith.subf %get3A_646, %gather3A_639 : vector<16xf32>
        %mul3A_682 = arith.mulf %sub3A_681, %mul3A_672 : vector<16xf32>
        %swap3A_683 = arith.index_cast %add3A_676 : i32 to index
        %swap3A_684 = tpu.vector_load %arg18[%swap3A_683] {strides = array<i32>} : memref<3200xf32, #tpu.memory_space<vmem>>, vector<16xf32>,
        tpu.vector_store %arg18[%swap3A_683], %mul3A_682 {strides = array<i32>} : memref<3200xf32, #tpu.memory_space<vmem>>, vector<16xf32>,
        %scan3A_685 = arith.constant 3 : i32
        %scan3A_686 = arith.addi %scan3A_341, %scan3A_685 : i32
        %mul3A_687 = arith.constant 1 : i32
        %mul3A_688 = arith.muli %scan3A_686, %mul3A_687 : i32
        %add3A_689 = arith.constant 0 : i32
        %add3A_690 = arith.addi %add3A_689, %mul3A_688 : i32
        %mul3A_691 = arith.constant 2 : i32
        %mul3A_692 = arith.muli %mul3A_691, %add3A_690 : i32
        %add3A_693 = vector.broadcast %mul3A_692 : i32 to vector<16xi32>
        %add3A_694 = arith.addi %add3A_693, %select_n3A_45 : vector<16xi32>
        %jit3A_695 = arith.constant 8 : i32
        %div3A_696 = vector.broadcast %jit3A_695 : i32 to vector<16xi32>
        %div3A_697 = arith.divsi %add3A_694, %div3A_696 : vector<16xi32>
        %sign3A_698 = arith.constant 0 : i32
        %sign3A_699 = vector.broadcast %sign3A_698 : i32 to vector<16xi32>
        %sign3A_700 = arith.cmpi sgt, %add3A_694, %sign3A_699 : vector<16xi32>
        %sign3A_701 = arith.extui %sign3A_700 : vector<16xi1> to vector<16xi32>
        %sign3A_702 = arith.constant 0 : i32
        %sign3A_703 = vector.broadcast %sign3A_702 : i32 to vector<16xi32>
        %sign3A_704 = arith.cmpi slt, %add3A_694, %sign3A_703 : vector<16xi32>
        %sign3A_705 = arith.extui %sign3A_704 : vector<16xi1> to vector<16xi32>
        %sign3A_706 = arith.subi %sign3A_701, %sign3A_705 : vector<16xi32>
        %sign3A_707 = arith.constant 0 : i32
        %sign3A_708 = arith.cmpi sgt, %jit3A_695, %sign3A_707 : i32
        %sign3A_709 = arith.extui %sign3A_708 : i1 to i32
        %sign3A_710 = arith.constant 0 : i32
        %sign3A_711 = arith.cmpi slt, %jit3A_695, %sign3A_710 : i32
        %sign3A_712 = arith.extui %sign3A_711 : i1 to i32
        %sign3A_713 = arith.subi %sign3A_709, %sign3A_712 : i32
        %ne3A_714 = vector.broadcast %sign3A_713 : i32 to vector<16xi32>
        %ne3A_715 = arith.cmpi ne, %sign3A_706, %ne3A_714 : vector<16xi32>
        %rem3A_716 = vector.broadcast %jit3A_695 : i32 to vector<16xi32>
        %rem3A_717 = arith.remsi %add3A_694, %rem3A_716 : vector<16xi32>
        %ne3A_718 = arith.constant 0 : i32
        %ne3A_719 = vector.broadcast %ne3A_718 : i32 to vector<16xi32>
        %ne3A_720 = arith.cmpi ne, %rem3A_717, %ne3A_719 : vector<16xi32>
        %and3A_721 = arith.andi %ne3A_715, %ne3A_720 : vector<16xi1>
        %sub3A_722 = arith.constant 1 : i32
        %sub3A_723 = vector.broadcast %sub3A_722 : i32 to vector<16xi32>
        %sub3A_724 = arith.subi %div3A_697, %sub3A_723 : vector<16xi32>
        %select_n3A_725 = arith.select %and3A_721, %sub3A_724, %div3A_697 : vector<16xi1>, vector<16xi32>
        %jit3A_726 = arith.constant 8 : i32
        %eq3A_727 = arith.constant 0 : i32
        %eq3A_728 = arith.cmpi eq, %jit3A_726, %eq3A_727 : i32
        %jit3A_729 = arith.constant 1 : i32
        %select_n3A_730 = arith.select %eq3A_728, %jit3A_729, %jit3A_726 : i32
        %rem3A_731 = vector.broadcast %select_n3A_730 : i32 to vector<16xi32>
        %rem3A_732 = arith.remsi %add3A_694, %rem3A_731 : vector<16xi32>
        %ne3A_733 = arith.constant 0 : i32
        %ne3A_734 = vector.broadcast %ne3A_733 : i32 to vector<16xi32>
        %ne3A_735 = arith.cmpi ne, %rem3A_732, %ne3A_734 : vector<16xi32>
        %lt3A_736 = arith.constant 0 : i32
        %lt3A_737 = vector.broadcast %lt3A_736 : i32 to vector<16xi32>
        %lt3A_738 = arith.cmpi slt, %rem3A_732, %lt3A_737 : vector<16xi32>
        %lt3A_739 = arith.constant 0 : i32
        %lt3A_740 = arith.cmpi slt, %select_n3A_730, %lt3A_739 : i32
        %ne3A_741 = vector.broadcast %lt3A_740 : i1 to vector<16xi1>
        %ne3A_742 = vector.broadcast %ne3A_741 : vector<16xi1> to vector<16xi1>
        %ne3A_743 = arith.xori %lt3A_738, %ne3A_742 : vector<16xi1>
        %and3A_744 = arith.andi %ne3A_743, %ne3A_735 : vector<16xi1>
        %add3A_745 = vector.broadcast %select_n3A_730 : i32 to vector<16xi32>
        %add3A_746 = arith.addi %rem3A_732, %add3A_745 : vector<16xi32>
        %select_n3A_747 = arith.select %and3A_744, %add3A_746, %rem3A_732 : vector<16xi1>, vector<16xi32>
        %gather3A_748 = tpu.vector_load_idx %arg12[%select_n3A_725, %select_n3A_747, %broadcast_in_dim3A_215] : memref<25x8x128xi32, #tpu.memory_space<vmem>>[vector<16xi32>, vector<16xi32>, vector<16xi32>], vector<16xi32>,
        %shift_right_arithmetic3A_749 = arith.constant 7 : i32
        %shift_right_arithmetic3A_750 = vector.broadcast %shift_right_arithmetic3A_749 : i32 to vector<16xi32>
        %shift_right_arithmetic3A_751 = arith.shrsi %gather3A_748, %shift_right_arithmetic3A_750 : vector<16xi32>
        %and3A_752 = arith.constant 127 : i32
        %and3A_753 = vector.broadcast %and3A_752 : i32 to vector<16xi32>
        %and3A_754 = arith.andi %gather3A_748, %and3A_753 : vector<16xi32>
        %gather3A_755 = tpu.vector_load_idx %arg13[%broadcast_in_dim3A_217, %shift_right_arithmetic3A_751, %select_n3A_17, %and3A_754] : memref<2x16x8x128xf32, #tpu.memory_space<vmem>>[vector<16xi32>, vector<16xi32>, vector<16xi32>, vector<16xi32>], vector<16xf32>,
        %gather3A_756 = tpu.vector_load_idx %arg14[%broadcast_in_dim3A_217, %shift_right_arithmetic3A_751, %select_n3A_17, %and3A_754] : memref<2x16x8x128xf32, #tpu.memory_space<vmem>>[vector<16xi32>, vector<16xi32>, vector<16xi32>, vector<16xi32>], vector<16xf32>,
        %mul3A_757 = arith.constant 16 : i32
        %mul3A_758 = arith.muli %add3A_690, %mul3A_757 : i32
        %add3A_759 = arith.constant 0 : i32
        %add3A_760 = arith.addi %add3A_759, %mul3A_758 : i32
        %get3A_761 = arith.index_cast %add3A_760 : i32 to index
        %get3A_762 = tpu.vector_load %arg15[%get3A_761] {strides = array<i32>} : memref<3200xf32, #tpu.memory_space<vmem>>, vector<16xf32>,
        %bitcast3A_763 = vector.bitcast %gather3A_756 : vector<16xf32> to vector<16xi32>
        %shift_right_arithmetic3A_764 = arith.constant 1 : i32
        %shift_right_arithmetic3A_765 = vector.broadcast %shift_right_arithmetic3A_764 : i32 to vector<16xi32>
        %shift_right_arithmetic3A_766 = arith.shrsi %bitcast3A_763, %shift_right_arithmetic3A_765 : vector<16xi32>
        %sub3A_767 = arith.constant 1597463007 : i32
        %sub3A_768 = vector.broadcast %sub3A_767 : i32 to vector<16xi32>
        %sub3A_769 = arith.subi %sub3A_768, %shift_right_arithmetic3A_766 : vector<16xi32>
        %bitcast3A_770 = vector.bitcast %sub3A_769 : vector<16xi32> to vector<16xf32>
        %mul3A_771 = arith.constant 5.000000e-01 : f32
        %mul3A_772 = vector.broadcast %mul3A_771 : f32 to vector<16xf32>
        %mul3A_773 = arith.mulf %mul3A_772, %gather3A_756 : vector<16xf32>
        %mul3A_774 = arith.mulf %mul3A_773, %bitcast3A_770 : vector<16xf32>
        %mul3A_775 = arith.mulf %mul3A_774, %bitcast3A_770 : vector<16xf32>
        %sub3A_776 = arith.constant 1.500000e+00 : f32
        %sub3A_777 = vector.broadcast %sub3A_776 : f32 to vector<16xf32>
        %sub3A_778 = arith.subf %sub3A_777, %mul3A_775 : vector<16xf32>
        %mul3A_779 = arith.mulf %bitcast3A_770, %sub3A_778 : vector<16xf32>
        %mul3A_780 = arith.constant 5.000000e-01 : f32
        %mul3A_781 = vector.broadcast %mul3A_780 : f32 to vector<16xf32>
        %mul3A_782 = arith.mulf %mul3A_781, %gather3A_756 : vector<16xf32>
        %mul3A_783 = arith.mulf %mul3A_782, %mul3A_779 : vector<16xf32>
        %mul3A_784 = arith.mulf %mul3A_783, %mul3A_779 : vector<16xf32>
        %sub3A_785 = arith.constant 1.500000e+00 : f32
        %sub3A_786 = vector.broadcast %sub3A_785 : f32 to vector<16xf32>
        %sub3A_787 = arith.subf %sub3A_786, %mul3A_784 : vector<16xf32>
        %mul3A_788 = arith.mulf %mul3A_779, %sub3A_787 : vector<16xf32>
        %mul3A_789 = arith.constant 16 : i32
        %mul3A_790 = arith.muli %add3A_690, %mul3A_789 : i32
        %add3A_791 = arith.constant 0 : i32
        %add3A_792 = arith.addi %add3A_791, %mul3A_790 : i32
        %swap3A_793 = arith.index_cast %add3A_792 : i32 to index
        %swap3A_794 = tpu.vector_load %arg16[%swap3A_793] {strides = array<i32>} : memref<3200xf32, #tpu.memory_space<vmem>>, vector<16xf32>,
        tpu.vector_store %arg16[%swap3A_793], %gather3A_755 {strides = array<i32>} : memref<3200xf32, #tpu.memory_space<vmem>>, vector<16xf32>,
        %swap3A_795 = arith.index_cast %add3A_792 : i32 to index
        %swap3A_796 = tpu.vector_load %arg17[%swap3A_795] {strides = array<i32>} : memref<3200xf32, #tpu.memory_space<vmem>>, vector<16xf32>,
        tpu.vector_store %arg17[%swap3A_795], %gather3A_756 {strides = array<i32>} : memref<3200xf32, #tpu.memory_space<vmem>>, vector<16xf32>,
        %sub3A_797 = arith.subf %get3A_762, %gather3A_755 : vector<16xf32>
        %mul3A_798 = arith.mulf %sub3A_797, %mul3A_788 : vector<16xf32>
        %swap3A_799 = arith.index_cast %add3A_792 : i32 to index
        %swap3A_800 = tpu.vector_load %arg18[%swap3A_799] {strides = array<i32>} : memref<3200xf32, #tpu.memory_space<vmem>>, vector<16xf32>,
        tpu.vector_store %arg18[%swap3A_799], %mul3A_798 {strides = array<i32>} : memref<3200xf32, #tpu.memory_space<vmem>>, vector<16xf32>,
        %scan3A_801 = arith.constant 4 : i32
        %scan3A_802 = arith.addi %scan3A_341, %scan3A_801 : i32
        %mul3A_803 = arith.constant 1 : i32
        %mul3A_804 = arith.muli %scan3A_802, %mul3A_803 : i32
        %add3A_805 = arith.constant 0 : i32
        %add3A_806 = arith.addi %add3A_805, %mul3A_804 : i32
        %mul3A_807 = arith.constant 2 : i32
        %mul3A_808 = arith.muli %mul3A_807, %add3A_806 : i32
        %add3A_809 = vector.broadcast %mul3A_808 : i32 to vector<16xi32>
        %add3A_810 = arith.addi %add3A_809, %select_n3A_45 : vector<16xi32>
        %jit3A_811 = arith.constant 8 : i32
        %div3A_812 = vector.broadcast %jit3A_811 : i32 to vector<16xi32>
        %div3A_813 = arith.divsi %add3A_810, %div3A_812 : vector<16xi32>
        %sign3A_814 = arith.constant 0 : i32
        %sign3A_815 = vector.broadcast %sign3A_814 : i32 to vector<16xi32>
        %sign3A_816 = arith.cmpi sgt, %add3A_810, %sign3A_815 : vector<16xi32>
        %sign3A_817 = arith.extui %sign3A_816 : vector<16xi1> to vector<16xi32>
        %sign3A_818 = arith.constant 0 : i32
        %sign3A_819 = vector.broadcast %sign3A_818 : i32 to vector<16xi32>
        %sign3A_820 = arith.cmpi slt, %add3A_810, %sign3A_819 : vector<16xi32>
        %sign3A_821 = arith.extui %sign3A_820 : vector<16xi1> to vector<16xi32>
        %sign3A_822 = arith.subi %sign3A_817, %sign3A_821 : vector<16xi32>
        %sign3A_823 = arith.constant 0 : i32
        %sign3A_824 = arith.cmpi sgt, %jit3A_811, %sign3A_823 : i32
        %sign3A_825 = arith.extui %sign3A_824 : i1 to i32
        %sign3A_826 = arith.constant 0 : i32
        %sign3A_827 = arith.cmpi slt, %jit3A_811, %sign3A_826 : i32
        %sign3A_828 = arith.extui %sign3A_827 : i1 to i32
        %sign3A_829 = arith.subi %sign3A_825, %sign3A_828 : i32
        %ne3A_830 = vector.broadcast %sign3A_829 : i32 to vector<16xi32>
        %ne3A_831 = arith.cmpi ne, %sign3A_822, %ne3A_830 : vector<16xi32>
        %rem3A_832 = vector.broadcast %jit3A_811 : i32 to vector<16xi32>
        %rem3A_833 = arith.remsi %add3A_810, %rem3A_832 : vector<16xi32>
        %ne3A_834 = arith.constant 0 : i32
        %ne3A_835 = vector.broadcast %ne3A_834 : i32 to vector<16xi32>
        %ne3A_836 = arith.cmpi ne, %rem3A_833, %ne3A_835 : vector<16xi32>
        %and3A_837 = arith.andi %ne3A_831, %ne3A_836 : vector<16xi1>
        %sub3A_838 = arith.constant 1 : i32
        %sub3A_839 = vector.broadcast %sub3A_838 : i32 to vector<16xi32>
        %sub3A_840 = arith.subi %div3A_813, %sub3A_839 : vector<16xi32>
        %select_n3A_841 = arith.select %and3A_837, %sub3A_840, %div3A_813 : vector<16xi1>, vector<16xi32>
        %jit3A_842 = arith.constant 8 : i32
        %eq3A_843 = arith.constant 0 : i32
        %eq3A_844 = arith.cmpi eq, %jit3A_842, %eq3A_843 : i32
        %jit3A_845 = arith.constant 1 : i32
        %select_n3A_846 = arith.select %eq3A_844, %jit3A_845, %jit3A_842 : i32
        %rem3A_847 = vector.broadcast %select_n3A_846 : i32 to vector<16xi32>
        %rem3A_848 = arith.remsi %add3A_810, %rem3A_847 : vector<16xi32>
        %ne3A_849 = arith.constant 0 : i32
        %ne3A_850 = vector.broadcast %ne3A_849 : i32 to vector<16xi32>
        %ne3A_851 = arith.cmpi ne, %rem3A_848, %ne3A_850 : vector<16xi32>
        %lt3A_852 = arith.constant 0 : i32
        %lt3A_853 = vector.broadcast %lt3A_852 : i32 to vector<16xi32>
        %lt3A_854 = arith.cmpi slt, %rem3A_848, %lt3A_853 : vector<16xi32>
        %lt3A_855 = arith.constant 0 : i32
        %lt3A_856 = arith.cmpi slt, %select_n3A_846, %lt3A_855 : i32
        %ne3A_857 = vector.broadcast %lt3A_856 : i1 to vector<16xi1>
        %ne3A_858 = vector.broadcast %ne3A_857 : vector<16xi1> to vector<16xi1>
        %ne3A_859 = arith.xori %lt3A_854, %ne3A_858 : vector<16xi1>
        %and3A_860 = arith.andi %ne3A_859, %ne3A_851 : vector<16xi1>
        %add3A_861 = vector.broadcast %select_n3A_846 : i32 to vector<16xi32>
        %add3A_862 = arith.addi %rem3A_848, %add3A_861 : vector<16xi32>
        %select_n3A_863 = arith.select %and3A_860, %add3A_862, %rem3A_848 : vector<16xi1>, vector<16xi32>
        %gather3A_864 = tpu.vector_load_idx %arg12[%select_n3A_841, %select_n3A_863, %broadcast_in_dim3A_215] : memref<25x8x128xi32, #tpu.memory_space<vmem>>[vector<16xi32>, vector<16xi32>, vector<16xi32>], vector<16xi32>,
        %shift_right_arithmetic3A_865 = arith.constant 7 : i32
        %shift_right_arithmetic3A_866 = vector.broadcast %shift_right_arithmetic3A_865 : i32 to vector<16xi32>
        %shift_right_arithmetic3A_867 = arith.shrsi %gather3A_864, %shift_right_arithmetic3A_866 : vector<16xi32>
        %and3A_868 = arith.constant 127 : i32
        %and3A_869 = vector.broadcast %and3A_868 : i32 to vector<16xi32>
        %and3A_870 = arith.andi %gather3A_864, %and3A_869 : vector<16xi32>
        %gather3A_871 = tpu.vector_load_idx %arg13[%broadcast_in_dim3A_217, %shift_right_arithmetic3A_867, %select_n3A_17, %and3A_870] : memref<2x16x8x128xf32, #tpu.memory_space<vmem>>[vector<16xi32>, vector<16xi32>, vector<16xi32>, vector<16xi32>], vector<16xf32>,
        %gather3A_872 = tpu.vector_load_idx %arg14[%broadcast_in_dim3A_217, %shift_right_arithmetic3A_867, %select_n3A_17, %and3A_870] : memref<2x16x8x128xf32, #tpu.memory_space<vmem>>[vector<16xi32>, vector<16xi32>, vector<16xi32>, vector<16xi32>], vector<16xf32>,
        %mul3A_873 = arith.constant 16 : i32
        %mul3A_874 = arith.muli %add3A_806, %mul3A_873 : i32
        %add3A_875 = arith.constant 0 : i32
        %add3A_876 = arith.addi %add3A_875, %mul3A_874 : i32
        %get3A_877 = arith.index_cast %add3A_876 : i32 to index
        %get3A_878 = tpu.vector_load %arg15[%get3A_877] {strides = array<i32>} : memref<3200xf32, #tpu.memory_space<vmem>>, vector<16xf32>,
        %bitcast3A_879 = vector.bitcast %gather3A_872 : vector<16xf32> to vector<16xi32>
        %shift_right_arithmetic3A_880 = arith.constant 1 : i32
        %shift_right_arithmetic3A_881 = vector.broadcast %shift_right_arithmetic3A_880 : i32 to vector<16xi32>
        %shift_right_arithmetic3A_882 = arith.shrsi %bitcast3A_879, %shift_right_arithmetic3A_881 : vector<16xi32>
        %sub3A_883 = arith.constant 1597463007 : i32
        %sub3A_884 = vector.broadcast %sub3A_883 : i32 to vector<16xi32>
        %sub3A_885 = arith.subi %sub3A_884, %shift_right_arithmetic3A_882 : vector<16xi32>
        %bitcast3A_886 = vector.bitcast %sub3A_885 : vector<16xi32> to vector<16xf32>
        %mul3A_887 = arith.constant 5.000000e-01 : f32
        %mul3A_888 = vector.broadcast %mul3A_887 : f32 to vector<16xf32>
        %mul3A_889 = arith.mulf %mul3A_888, %gather3A_872 : vector<16xf32>
        %mul3A_890 = arith.mulf %mul3A_889, %bitcast3A_886 : vector<16xf32>
        %mul3A_891 = arith.mulf %mul3A_890, %bitcast3A_886 : vector<16xf32>
        %sub3A_892 = arith.constant 1.500000e+00 : f32
        %sub3A_893 = vector.broadcast %sub3A_892 : f32 to vector<16xf32>
        %sub3A_894 = arith.subf %sub3A_893, %mul3A_891 : vector<16xf32>
        %mul3A_895 = arith.mulf %bitcast3A_886, %sub3A_894 : vector<16xf32>
        %mul3A_896 = arith.constant 5.000000e-01 : f32
        %mul3A_897 = vector.broadcast %mul3A_896 : f32 to vector<16xf32>
        %mul3A_898 = arith.mulf %mul3A_897, %gather3A_872 : vector<16xf32>
        %mul3A_899 = arith.mulf %mul3A_898, %mul3A_895 : vector<16xf32>
        %mul3A_900 = arith.mulf %mul3A_899, %mul3A_895 : vector<16xf32>
        %sub3A_901 = arith.constant 1.500000e+00 : f32
        %sub3A_902 = vector.broadcast %sub3A_901 : f32 to vector<16xf32>
        %sub3A_903 = arith.subf %sub3A_902, %mul3A_900 : vector<16xf32>
        %mul3A_904 = arith.mulf %mul3A_895, %sub3A_903 : vector<16xf32>
        %mul3A_905 = arith.constant 16 : i32
        %mul3A_906 = arith.muli %add3A_806, %mul3A_905 : i32
        %add3A_907 = arith.constant 0 : i32
        %add3A_908 = arith.addi %add3A_907, %mul3A_906 : i32
        %swap3A_909 = arith.index_cast %add3A_908 : i32 to index
        %swap3A_910 = tpu.vector_load %arg16[%swap3A_909] {strides = array<i32>} : memref<3200xf32, #tpu.memory_space<vmem>>, vector<16xf32>,
        tpu.vector_store %arg16[%swap3A_909], %gather3A_871 {strides = array<i32>} : memref<3200xf32, #tpu.memory_space<vmem>>, vector<16xf32>,
        %swap3A_911 = arith.index_cast %add3A_908 : i32 to index
        %swap3A_912 = tpu.vector_load %arg17[%swap3A_911] {strides = array<i32>} : memref<3200xf32, #tpu.memory_space<vmem>>, vector<16xf32>,
        tpu.vector_store %arg17[%swap3A_911], %gather3A_872 {strides = array<i32>} : memref<3200xf32, #tpu.memory_space<vmem>>, vector<16xf32>,
        %sub3A_913 = arith.subf %get3A_878, %gather3A_871 : vector<16xf32>
        %mul3A_914 = arith.mulf %sub3A_913, %mul3A_904 : vector<16xf32>
        %swap3A_915 = arith.index_cast %add3A_908 : i32 to index
        %swap3A_916 = tpu.vector_load %arg18[%swap3A_915] {strides = array<i32>} : memref<3200xf32, #tpu.memory_space<vmem>>, vector<16xf32>,
        tpu.vector_store %arg18[%swap3A_915], %mul3A_914 {strides = array<i32>} : memref<3200xf32, #tpu.memory_space<vmem>>, vector<16xf32>,
        %scan3A_917 = arith.constant 5 : i32
        %scan3A_918 = arith.addi %scan3A_341, %scan3A_917 : i32
        %mul3A_919 = arith.constant 1 : i32
        %mul3A_920 = arith.muli %scan3A_918, %mul3A_919 : i32
        %add3A_921 = arith.constant 0 : i32
        %add3A_922 = arith.addi %add3A_921, %mul3A_920 : i32
        %mul3A_923 = arith.constant 2 : i32
        %mul3A_924 = arith.muli %mul3A_923, %add3A_922 : i32
        %add3A_925 = vector.broadcast %mul3A_924 : i32 to vector<16xi32>
        %add3A_926 = arith.addi %add3A_925, %select_n3A_45 : vector<16xi32>
        %jit3A_927 = arith.constant 8 : i32
        %div3A_928 = vector.broadcast %jit3A_927 : i32 to vector<16xi32>
        %div3A_929 = arith.divsi %add3A_926, %div3A_928 : vector<16xi32>
        %sign3A_930 = arith.constant 0 : i32
        %sign3A_931 = vector.broadcast %sign3A_930 : i32 to vector<16xi32>
        %sign3A_932 = arith.cmpi sgt, %add3A_926, %sign3A_931 : vector<16xi32>
        %sign3A_933 = arith.extui %sign3A_932 : vector<16xi1> to vector<16xi32>
        %sign3A_934 = arith.constant 0 : i32
        %sign3A_935 = vector.broadcast %sign3A_934 : i32 to vector<16xi32>
        %sign3A_936 = arith.cmpi slt, %add3A_926, %sign3A_935 : vector<16xi32>
        %sign3A_937 = arith.extui %sign3A_936 : vector<16xi1> to vector<16xi32>
        %sign3A_938 = arith.subi %sign3A_933, %sign3A_937 : vector<16xi32>
        %sign3A_939 = arith.constant 0 : i32
        %sign3A_940 = arith.cmpi sgt, %jit3A_927, %sign3A_939 : i32
        %sign3A_941 = arith.extui %sign3A_940 : i1 to i32
        %sign3A_942 = arith.constant 0 : i32
        %sign3A_943 = arith.cmpi slt, %jit3A_927, %sign3A_942 : i32
        %sign3A_944 = arith.extui %sign3A_943 : i1 to i32
        %sign3A_945 = arith.subi %sign3A_941, %sign3A_944 : i32
        %ne3A_946 = vector.broadcast %sign3A_945 : i32 to vector<16xi32>
        %ne3A_947 = arith.cmpi ne, %sign3A_938, %ne3A_946 : vector<16xi32>
        %rem3A_948 = vector.broadcast %jit3A_927 : i32 to vector<16xi32>
        %rem3A_949 = arith.remsi %add3A_926, %rem3A_948 : vector<16xi32>
        %ne3A_950 = arith.constant 0 : i32
        %ne3A_951 = vector.broadcast %ne3A_950 : i32 to vector<16xi32>
        %ne3A_952 = arith.cmpi ne, %rem3A_949, %ne3A_951 : vector<16xi32>
        %and3A_953 = arith.andi %ne3A_947, %ne3A_952 : vector<16xi1>
        %sub3A_954 = arith.constant 1 : i32
        %sub3A_955 = vector.broadcast %sub3A_954 : i32 to vector<16xi32>
        %sub3A_956 = arith.subi %div3A_929, %sub3A_955 : vector<16xi32>
        %select_n3A_957 = arith.select %and3A_953, %sub3A_956, %div3A_929 : vector<16xi1>, vector<16xi32>
        %jit3A_958 = arith.constant 8 : i32
        %eq3A_959 = arith.constant 0 : i32
        %eq3A_960 = arith.cmpi eq, %jit3A_958, %eq3A_959 : i32
        %jit3A_961 = arith.constant 1 : i32
        %select_n3A_962 = arith.select %eq3A_960, %jit3A_961, %jit3A_958 : i32
        %rem3A_963 = vector.broadcast %select_n3A_962 : i32 to vector<16xi32>
        %rem3A_964 = arith.remsi %add3A_926, %rem3A_963 : vector<16xi32>
        %ne3A_965 = arith.constant 0 : i32
        %ne3A_966 = vector.broadcast %ne3A_965 : i32 to vector<16xi32>
        %ne3A_967 = arith.cmpi ne, %rem3A_964, %ne3A_966 : vector<16xi32>
        %lt3A_968 = arith.constant 0 : i32
        %lt3A_969 = vector.broadcast %lt3A_968 : i32 to vector<16xi32>
        %lt3A_970 = arith.cmpi slt, %rem3A_964, %lt3A_969 : vector<16xi32>
        %lt3A_971 = arith.constant 0 : i32
        %lt3A_972 = arith.cmpi slt, %select_n3A_962, %lt3A_971 : i32
        %ne3A_973 = vector.broadcast %lt3A_972 : i1 to vector<16xi1>
        %ne3A_974 = vector.broadcast %ne3A_973 : vector<16xi1> to vector<16xi1>
        %ne3A_975 = arith.xori %lt3A_970, %ne3A_974 : vector<16xi1>
        %and3A_976 = arith.andi %ne3A_975, %ne3A_967 : vector<16xi1>
        %add3A_977 = vector.broadcast %select_n3A_962 : i32 to vector<16xi32>
        %add3A_978 = arith.addi %rem3A_964, %add3A_977 : vector<16xi32>
        %select_n3A_979 = arith.select %and3A_976, %add3A_978, %rem3A_964 : vector<16xi1>, vector<16xi32>
        %gather3A_980 = tpu.vector_load_idx %arg12[%select_n3A_957, %select_n3A_979, %broadcast_in_dim3A_215] : memref<25x8x128xi32, #tpu.memory_space<vmem>>[vector<16xi32>, vector<16xi32>, vector<16xi32>], vector<16xi32>,
        %shift_right_arithmetic3A_981 = arith.constant 7 : i32
        %shift_right_arithmetic3A_982 = vector.broadcast %shift_right_arithmetic3A_981 : i32 to vector<16xi32>
        %shift_right_arithmetic3A_983 = arith.shrsi %gather3A_980, %shift_right_arithmetic3A_982 : vector<16xi32>
        %and3A_984 = arith.constant 127 : i32
        %and3A_985 = vector.broadcast %and3A_984 : i32 to vector<16xi32>
        %and3A_986 = arith.andi %gather3A_980, %and3A_985 : vector<16xi32>
        %gather3A_987 = tpu.vector_load_idx %arg13[%broadcast_in_dim3A_217, %shift_right_arithmetic3A_983, %select_n3A_17, %and3A_986] : memref<2x16x8x128xf32, #tpu.memory_space<vmem>>[vector<16xi32>, vector<16xi32>, vector<16xi32>, vector<16xi32>], vector<16xf32>,
        %gather3A_988 = tpu.vector_load_idx %arg14[%broadcast_in_dim3A_217, %shift_right_arithmetic3A_983, %select_n3A_17, %and3A_986] : memref<2x16x8x128xf32, #tpu.memory_space<vmem>>[vector<16xi32>, vector<16xi32>, vector<16xi32>, vector<16xi32>], vector<16xf32>,
        %mul3A_989 = arith.constant 16 : i32
        %mul3A_990 = arith.muli %add3A_922, %mul3A_989 : i32
        %add3A_991 = arith.constant 0 : i32
        %add3A_992 = arith.addi %add3A_991, %mul3A_990 : i32
        %get3A_993 = arith.index_cast %add3A_992 : i32 to index
        %get3A_994 = tpu.vector_load %arg15[%get3A_993] {strides = array<i32>} : memref<3200xf32, #tpu.memory_space<vmem>>, vector<16xf32>,
        %bitcast3A_995 = vector.bitcast %gather3A_988 : vector<16xf32> to vector<16xi32>
        %shift_right_arithmetic3A_996 = arith.constant 1 : i32
        %shift_right_arithmetic3A_997 = vector.broadcast %shift_right_arithmetic3A_996 : i32 to vector<16xi32>
        %shift_right_arithmetic3A_998 = arith.shrsi %bitcast3A_995, %shift_right_arithmetic3A_997 : vector<16xi32>
        %sub3A_999 = arith.constant 1597463007 : i32
        %sub3A_1000 = vector.broadcast %sub3A_999 : i32 to vector<16xi32>
        %sub3A_1001 = arith.subi %sub3A_1000, %shift_right_arithmetic3A_998 : vector<16xi32>
        %bitcast3A_1002 = vector.bitcast %sub3A_1001 : vector<16xi32> to vector<16xf32>
        %mul3A_1003 = arith.constant 5.000000e-01 : f32
        %mul3A_1004 = vector.broadcast %mul3A_1003 : f32 to vector<16xf32>
        %mul3A_1005 = arith.mulf %mul3A_1004, %gather3A_988 : vector<16xf32>
        %mul3A_1006 = arith.mulf %mul3A_1005, %bitcast3A_1002 : vector<16xf32>
        %mul3A_1007 = arith.mulf %mul3A_1006, %bitcast3A_1002 : vector<16xf32>
        %sub3A_1008 = arith.constant 1.500000e+00 : f32
        %sub3A_1009 = vector.broadcast %sub3A_1008 : f32 to vector<16xf32>
        %sub3A_1010 = arith.subf %sub3A_1009, %mul3A_1007 : vector<16xf32>
        %mul3A_1011 = arith.mulf %bitcast3A_1002, %sub3A_1010 : vector<16xf32>
        %mul3A_1012 = arith.constant 5.000000e-01 : f32
        %mul3A_1013 = vector.broadcast %mul3A_1012 : f32 to vector<16xf32>
        %mul3A_1014 = arith.mulf %mul3A_1013, %gather3A_988 : vector<16xf32>
        %mul3A_1015 = arith.mulf %mul3A_1014, %mul3A_1011 : vector<16xf32>
        %mul3A_1016 = arith.mulf %mul3A_1015, %mul3A_1011 : vector<16xf32>
        %sub3A_1017 = arith.constant 1.500000e+00 : f32
        %sub3A_1018 = vector.broadcast %sub3A_1017 : f32 to vector<16xf32>
        %sub3A_1019 = arith.subf %sub3A_1018, %mul3A_1016 : vector<16xf32>
        %mul3A_1020 = arith.mulf %mul3A_1011, %sub3A_1019 : vector<16xf32>
        %mul3A_1021 = arith.constant 16 : i32
        %mul3A_1022 = arith.muli %add3A_922, %mul3A_1021 : i32
        %add3A_1023 = arith.constant 0 : i32
        %add3A_1024 = arith.addi %add3A_1023, %mul3A_1022 : i32
        %swap3A_1025 = arith.index_cast %add3A_1024 : i32 to index
        %swap3A_1026 = tpu.vector_load %arg16[%swap3A_1025] {strides = array<i32>} : memref<3200xf32, #tpu.memory_space<vmem>>, vector<16xf32>,
        tpu.vector_store %arg16[%swap3A_1025], %gather3A_987 {strides = array<i32>} : memref<3200xf32, #tpu.memory_space<vmem>>, vector<16xf32>,
        %swap3A_1027 = arith.index_cast %add3A_1024 : i32 to index
        %swap3A_1028 = tpu.vector_load %arg17[%swap3A_1027] {strides = array<i32>} : memref<3200xf32, #tpu.memory_space<vmem>>, vector<16xf32>,
        tpu.vector_store %arg17[%swap3A_1027], %gather3A_988 {strides = array<i32>} : memref<3200xf32, #tpu.memory_space<vmem>>, vector<16xf32>,
        %sub3A_1029 = arith.subf %get3A_994, %gather3A_987 : vector<16xf32>
        %mul3A_1030 = arith.mulf %sub3A_1029, %mul3A_1020 : vector<16xf32>
        %swap3A_1031 = arith.index_cast %add3A_1024 : i32 to index
        %swap3A_1032 = tpu.vector_load %arg18[%swap3A_1031] {strides = array<i32>} : memref<3200xf32, #tpu.memory_space<vmem>>, vector<16xf32>,
        tpu.vector_store %arg18[%swap3A_1031], %mul3A_1030 {strides = array<i32>} : memref<3200xf32, #tpu.memory_space<vmem>>, vector<16xf32>,
        %scan3A_1033 = arith.constant 6 : i32
        %scan3A_1034 = arith.addi %scan3A_341, %scan3A_1033 : i32
        %mul3A_1035 = arith.constant 1 : i32
        %mul3A_1036 = arith.muli %scan3A_1034, %mul3A_1035 : i32
        %add3A_1037 = arith.constant 0 : i32
        %add3A_1038 = arith.addi %add3A_1037, %mul3A_1036 : i32
        %mul3A_1039 = arith.constant 2 : i32
        %mul3A_1040 = arith.muli %mul3A_1039, %add3A_1038 : i32
        %add3A_1041 = vector.broadcast %mul3A_1040 : i32 to vector<16xi32>
        %add3A_1042 = arith.addi %add3A_1041, %select_n3A_45 : vector<16xi32>
        %jit3A_1043 = arith.constant 8 : i32
        %div3A_1044 = vector.broadcast %jit3A_1043 : i32 to vector<16xi32>
        %div3A_1045 = arith.divsi %add3A_1042, %div3A_1044 : vector<16xi32>
        %sign3A_1046 = arith.constant 0 : i32
        %sign3A_1047 = vector.broadcast %sign3A_1046 : i32 to vector<16xi32>
        %sign3A_1048 = arith.cmpi sgt, %add3A_1042, %sign3A_1047 : vector<16xi32>
        %sign3A_1049 = arith.extui %sign3A_1048 : vector<16xi1> to vector<16xi32>
        %sign3A_1050 = arith.constant 0 : i32
        %sign3A_1051 = vector.broadcast %sign3A_1050 : i32 to vector<16xi32>
        %sign3A_1052 = arith.cmpi slt, %add3A_1042, %sign3A_1051 : vector<16xi32>
        %sign3A_1053 = arith.extui %sign3A_1052 : vector<16xi1> to vector<16xi32>
        %sign3A_1054 = arith.subi %sign3A_1049, %sign3A_1053 : vector<16xi32>
        %sign3A_1055 = arith.constant 0 : i32
        %sign3A_1056 = arith.cmpi sgt, %jit3A_1043, %sign3A_1055 : i32
        %sign3A_1057 = arith.extui %sign3A_1056 : i1 to i32
        %sign3A_1058 = arith.constant 0 : i32
        %sign3A_1059 = arith.cmpi slt, %jit3A_1043, %sign3A_1058 : i32
        %sign3A_1060 = arith.extui %sign3A_1059 : i1 to i32
        %sign3A_1061 = arith.subi %sign3A_1057, %sign3A_1060 : i32
        %ne3A_1062 = vector.broadcast %sign3A_1061 : i32 to vector<16xi32>
        %ne3A_1063 = arith.cmpi ne, %sign3A_1054, %ne3A_1062 : vector<16xi32>
        %rem3A_1064 = vector.broadcast %jit3A_1043 : i32 to vector<16xi32>
        %rem3A_1065 = arith.remsi %add3A_1042, %rem3A_1064 : vector<16xi32>
        %ne3A_1066 = arith.constant 0 : i32
        %ne3A_1067 = vector.broadcast %ne3A_1066 : i32 to vector<16xi32>
        %ne3A_1068 = arith.cmpi ne, %rem3A_1065, %ne3A_1067 : vector<16xi32>
        %and3A_1069 = arith.andi %ne3A_1063, %ne3A_1068 : vector<16xi1>
        %sub3A_1070 = arith.constant 1 : i32
        %sub3A_1071 = vector.broadcast %sub3A_1070 : i32 to vector<16xi32>
        %sub3A_1072 = arith.subi %div3A_1045, %sub3A_1071 : vector<16xi32>
        %select_n3A_1073 = arith.select %and3A_1069, %sub3A_1072, %div3A_1045 : vector<16xi1>, vector<16xi32>
        %jit3A_1074 = arith.constant 8 : i32
        %eq3A_1075 = arith.constant 0 : i32
        %eq3A_1076 = arith.cmpi eq, %jit3A_1074, %eq3A_1075 : i32
        %jit3A_1077 = arith.constant 1 : i32
        %select_n3A_1078 = arith.select %eq3A_1076, %jit3A_1077, %jit3A_1074 : i32
        %rem3A_1079 = vector.broadcast %select_n3A_1078 : i32 to vector<16xi32>
        %rem3A_1080 = arith.remsi %add3A_1042, %rem3A_1079 : vector<16xi32>
        %ne3A_1081 = arith.constant 0 : i32
        %ne3A_1082 = vector.broadcast %ne3A_1081 : i32 to vector<16xi32>
        %ne3A_1083 = arith.cmpi ne, %rem3A_1080, %ne3A_1082 : vector<16xi32>
        %lt3A_1084 = arith.constant 0 : i32
        %lt3A_1085 = vector.broadcast %lt3A_1084 : i32 to vector<16xi32>
        %lt3A_1086 = arith.cmpi slt, %rem3A_1080, %lt3A_1085 : vector<16xi32>
        %lt3A_1087 = arith.constant 0 : i32
        %lt3A_1088 = arith.cmpi slt, %select_n3A_1078, %lt3A_1087 : i32
        %ne3A_1089 = vector.broadcast %lt3A_1088 : i1 to vector<16xi1>
        %ne3A_1090 = vector.broadcast %ne3A_1089 : vector<16xi1> to vector<16xi1>
        %ne3A_1091 = arith.xori %lt3A_1086, %ne3A_1090 : vector<16xi1>
        %and3A_1092 = arith.andi %ne3A_1091, %ne3A_1083 : vector<16xi1>
        %add3A_1093 = vector.broadcast %select_n3A_1078 : i32 to vector<16xi32>
        %add3A_1094 = arith.addi %rem3A_1080, %add3A_1093 : vector<16xi32>
        %select_n3A_1095 = arith.select %and3A_1092, %add3A_1094, %rem3A_1080 : vector<16xi1>, vector<16xi32>
        %gather3A_1096 = tpu.vector_load_idx %arg12[%select_n3A_1073, %select_n3A_1095, %broadcast_in_dim3A_215] : memref<25x8x128xi32, #tpu.memory_space<vmem>>[vector<16xi32>, vector<16xi32>, vector<16xi32>], vector<16xi32>,
        %shift_right_arithmetic3A_1097 = arith.constant 7 : i32
        %shift_right_arithmetic3A_1098 = vector.broadcast %shift_right_arithmetic3A_1097 : i32 to vector<16xi32>
        %shift_right_arithmetic3A_1099 = arith.shrsi %gather3A_1096, %shift_right_arithmetic3A_1098 : vector<16xi32>
        %and3A_1100 = arith.constant 127 : i32
        %and3A_1101 = vector.broadcast %and3A_1100 : i32 to vector<16xi32>
        %and3A_1102 = arith.andi %gather3A_1096, %and3A_1101 : vector<16xi32>
        %gather3A_1103 = tpu.vector_load_idx %arg13[%broadcast_in_dim3A_217, %shift_right_arithmetic3A_1099, %select_n3A_17, %and3A_1102] : memref<2x16x8x128xf32, #tpu.memory_space<vmem>>[vector<16xi32>, vector<16xi32>, vector<16xi32>, vector<16xi32>], vector<16xf32>,
        %gather3A_1104 = tpu.vector_load_idx %arg14[%broadcast_in_dim3A_217, %shift_right_arithmetic3A_1099, %select_n3A_17, %and3A_1102] : memref<2x16x8x128xf32, #tpu.memory_space<vmem>>[vector<16xi32>, vector<16xi32>, vector<16xi32>, vector<16xi32>], vector<16xf32>,
        %mul3A_1105 = arith.constant 16 : i32
        %mul3A_1106 = arith.muli %add3A_1038, %mul3A_1105 : i32
        %add3A_1107 = arith.constant 0 : i32
        %add3A_1108 = arith.addi %add3A_1107, %mul3A_1106 : i32
        %get3A_1109 = arith.index_cast %add3A_1108 : i32 to index
        %get3A_1110 = tpu.vector_load %arg15[%get3A_1109] {strides = array<i32>} : memref<3200xf32, #tpu.memory_space<vmem>>, vector<16xf32>,
        %bitcast3A_1111 = vector.bitcast %gather3A_1104 : vector<16xf32> to vector<16xi32>
        %shift_right_arithmetic3A_1112 = arith.constant 1 : i32
        %shift_right_arithmetic3A_1113 = vector.broadcast %shift_right_arithmetic3A_1112 : i32 to vector<16xi32>
        %shift_right_arithmetic3A_1114 = arith.shrsi %bitcast3A_1111, %shift_right_arithmetic3A_1113 : vector<16xi32>
        %sub3A_1115 = arith.constant 1597463007 : i32
        %sub3A_1116 = vector.broadcast %sub3A_1115 : i32 to vector<16xi32>
        %sub3A_1117 = arith.subi %sub3A_1116, %shift_right_arithmetic3A_1114 : vector<16xi32>
        %bitcast3A_1118 = vector.bitcast %sub3A_1117 : vector<16xi32> to vector<16xf32>
        %mul3A_1119 = arith.constant 5.000000e-01 : f32
        %mul3A_1120 = vector.broadcast %mul3A_1119 : f32 to vector<16xf32>
        %mul3A_1121 = arith.mulf %mul3A_1120, %gather3A_1104 : vector<16xf32>
        %mul3A_1122 = arith.mulf %mul3A_1121, %bitcast3A_1118 : vector<16xf32>
        %mul3A_1123 = arith.mulf %mul3A_1122, %bitcast3A_1118 : vector<16xf32>
        %sub3A_1124 = arith.constant 1.500000e+00 : f32
        %sub3A_1125 = vector.broadcast %sub3A_1124 : f32 to vector<16xf32>
        %sub3A_1126 = arith.subf %sub3A_1125, %mul3A_1123 : vector<16xf32>
        %mul3A_1127 = arith.mulf %bitcast3A_1118, %sub3A_1126 : vector<16xf32>
        %mul3A_1128 = arith.constant 5.000000e-01 : f32
        %mul3A_1129 = vector.broadcast %mul3A_1128 : f32 to vector<16xf32>
        %mul3A_1130 = arith.mulf %mul3A_1129, %gather3A_1104 : vector<16xf32>
        %mul3A_1131 = arith.mulf %mul3A_1130, %mul3A_1127 : vector<16xf32>
        %mul3A_1132 = arith.mulf %mul3A_1131, %mul3A_1127 : vector<16xf32>
        %sub3A_1133 = arith.constant 1.500000e+00 : f32
        %sub3A_1134 = vector.broadcast %sub3A_1133 : f32 to vector<16xf32>
        %sub3A_1135 = arith.subf %sub3A_1134, %mul3A_1132 : vector<16xf32>
        %mul3A_1136 = arith.mulf %mul3A_1127, %sub3A_1135 : vector<16xf32>
        %mul3A_1137 = arith.constant 16 : i32
        %mul3A_1138 = arith.muli %add3A_1038, %mul3A_1137 : i32
        %add3A_1139 = arith.constant 0 : i32
        %add3A_1140 = arith.addi %add3A_1139, %mul3A_1138 : i32
        %swap3A_1141 = arith.index_cast %add3A_1140 : i32 to index
        %swap3A_1142 = tpu.vector_load %arg16[%swap3A_1141] {strides = array<i32>} : memref<3200xf32, #tpu.memory_space<vmem>>, vector<16xf32>,
        tpu.vector_store %arg16[%swap3A_1141], %gather3A_1103 {strides = array<i32>} : memref<3200xf32, #tpu.memory_space<vmem>>, vector<16xf32>,
        %swap3A_1143 = arith.index_cast %add3A_1140 : i32 to index
        %swap3A_1144 = tpu.vector_load %arg17[%swap3A_1143] {strides = array<i32>} : memref<3200xf32, #tpu.memory_space<vmem>>, vector<16xf32>,
        tpu.vector_store %arg17[%swap3A_1143], %gather3A_1104 {strides = array<i32>} : memref<3200xf32, #tpu.memory_space<vmem>>, vector<16xf32>,
        %sub3A_1145 = arith.subf %get3A_1110, %gather3A_1103 : vector<16xf32>
        %mul3A_1146 = arith.mulf %sub3A_1145, %mul3A_1136 : vector<16xf32>
        %swap3A_1147 = arith.index_cast %add3A_1140 : i32 to index
        %swap3A_1148 = tpu.vector_load %arg18[%swap3A_1147] {strides = array<i32>} : memref<3200xf32, #tpu.memory_space<vmem>>, vector<16xf32>,
        tpu.vector_store %arg18[%swap3A_1147], %mul3A_1146 {strides = array<i32>} : memref<3200xf32, #tpu.memory_space<vmem>>, vector<16xf32>,
        %scan3A_1149 = arith.constant 7 : i32
        %scan3A_1150 = arith.addi %scan3A_341, %scan3A_1149 : i32
        %mul3A_1151 = arith.constant 1 : i32
        %mul3A_1152 = arith.muli %scan3A_1150, %mul3A_1151 : i32
        %add3A_1153 = arith.constant 0 : i32
        %add3A_1154 = arith.addi %add3A_1153, %mul3A_1152 : i32
        %mul3A_1155 = arith.constant 2 : i32
        %mul3A_1156 = arith.muli %mul3A_1155, %add3A_1154 : i32
        %add3A_1157 = vector.broadcast %mul3A_1156 : i32 to vector<16xi32>
        %add3A_1158 = arith.addi %add3A_1157, %select_n3A_45 : vector<16xi32>
        %jit3A_1159 = arith.constant 8 : i32
        %div3A_1160 = vector.broadcast %jit3A_1159 : i32 to vector<16xi32>
        %div3A_1161 = arith.divsi %add3A_1158, %div3A_1160 : vector<16xi32>
        %sign3A_1162 = arith.constant 0 : i32
        %sign3A_1163 = vector.broadcast %sign3A_1162 : i32 to vector<16xi32>
        %sign3A_1164 = arith.cmpi sgt, %add3A_1158, %sign3A_1163 : vector<16xi32>
        %sign3A_1165 = arith.extui %sign3A_1164 : vector<16xi1> to vector<16xi32>
        %sign3A_1166 = arith.constant 0 : i32
        %sign3A_1167 = vector.broadcast %sign3A_1166 : i32 to vector<16xi32>
        %sign3A_1168 = arith.cmpi slt, %add3A_1158, %sign3A_1167 : vector<16xi32>
        %sign3A_1169 = arith.extui %sign3A_1168 : vector<16xi1> to vector<16xi32>
        %sign3A_1170 = arith.subi %sign3A_1165, %sign3A_1169 : vector<16xi32>
        %sign3A_1171 = arith.constant 0 : i32
        %sign3A_1172 = arith.cmpi sgt, %jit3A_1159, %sign3A_1171 : i32
        %sign3A_1173 = arith.extui %sign3A_1172 : i1 to i32
        %sign3A_1174 = arith.constant 0 : i32
        %sign3A_1175 = arith.cmpi slt, %jit3A_1159, %sign3A_1174 : i32
        %sign3A_1176 = arith.extui %sign3A_1175 : i1 to i32
        %sign3A_1177 = arith.subi %sign3A_1173, %sign3A_1176 : i32
        %ne3A_1178 = vector.broadcast %sign3A_1177 : i32 to vector<16xi32>
        %ne3A_1179 = arith.cmpi ne, %sign3A_1170, %ne3A_1178 : vector<16xi32>
        %rem3A_1180 = vector.broadcast %jit3A_1159 : i32 to vector<16xi32>
        %rem3A_1181 = arith.remsi %add3A_1158, %rem3A_1180 : vector<16xi32>
        %ne3A_1182 = arith.constant 0 : i32
        %ne3A_1183 = vector.broadcast %ne3A_1182 : i32 to vector<16xi32>
        %ne3A_1184 = arith.cmpi ne, %rem3A_1181, %ne3A_1183 : vector<16xi32>
        %and3A_1185 = arith.andi %ne3A_1179, %ne3A_1184 : vector<16xi1>
        %sub3A_1186 = arith.constant 1 : i32
        %sub3A_1187 = vector.broadcast %sub3A_1186 : i32 to vector<16xi32>
        %sub3A_1188 = arith.subi %div3A_1161, %sub3A_1187 : vector<16xi32>
        %select_n3A_1189 = arith.select %and3A_1185, %sub3A_1188, %div3A_1161 : vector<16xi1>, vector<16xi32>
        %jit3A_1190 = arith.constant 8 : i32
        %eq3A_1191 = arith.constant 0 : i32
        %eq3A_1192 = arith.cmpi eq, %jit3A_1190, %eq3A_1191 : i32
        %jit3A_1193 = arith.constant 1 : i32
        %select_n3A_1194 = arith.select %eq3A_1192, %jit3A_1193, %jit3A_1190 : i32
        %rem3A_1195 = vector.broadcast %select_n3A_1194 : i32 to vector<16xi32>
        %rem3A_1196 = arith.remsi %add3A_1158, %rem3A_1195 : vector<16xi32>
        %ne3A_1197 = arith.constant 0 : i32
        %ne3A_1198 = vector.broadcast %ne3A_1197 : i32 to vector<16xi32>
        %ne3A_1199 = arith.cmpi ne, %rem3A_1196, %ne3A_1198 : vector<16xi32>
        %lt3A_1200 = arith.constant 0 : i32
        %lt3A_1201 = vector.broadcast %lt3A_1200 : i32 to vector<16xi32>
        %lt3A_1202 = arith.cmpi slt, %rem3A_1196, %lt3A_1201 : vector<16xi32>
        %lt3A_1203 = arith.constant 0 : i32
        %lt3A_1204 = arith.cmpi slt, %select_n3A_1194, %lt3A_1203 : i32
        %ne3A_1205 = vector.broadcast %lt3A_1204 : i1 to vector<16xi1>
        %ne3A_1206 = vector.broadcast %ne3A_1205 : vector<16xi1> to vector<16xi1>
        %ne3A_1207 = arith.xori %lt3A_1202, %ne3A_1206 : vector<16xi1>
        %and3A_1208 = arith.andi %ne3A_1207, %ne3A_1199 : vector<16xi1>
        %add3A_1209 = vector.broadcast %select_n3A_1194 : i32 to vector<16xi32>
        %add3A_1210 = arith.addi %rem3A_1196, %add3A_1209 : vector<16xi32>
        %select_n3A_1211 = arith.select %and3A_1208, %add3A_1210, %rem3A_1196 : vector<16xi1>, vector<16xi32>
        %gather3A_1212 = tpu.vector_load_idx %arg12[%select_n3A_1189, %select_n3A_1211, %broadcast_in_dim3A_215] : memref<25x8x128xi32, #tpu.memory_space<vmem>>[vector<16xi32>, vector<16xi32>, vector<16xi32>], vector<16xi32>,
        %shift_right_arithmetic3A_1213 = arith.constant 7 : i32
        %shift_right_arithmetic3A_1214 = vector.broadcast %shift_right_arithmetic3A_1213 : i32 to vector<16xi32>
        %shift_right_arithmetic3A_1215 = arith.shrsi %gather3A_1212, %shift_right_arithmetic3A_1214 : vector<16xi32>
        %and3A_1216 = arith.constant 127 : i32
        %and3A_1217 = vector.broadcast %and3A_1216 : i32 to vector<16xi32>
        %and3A_1218 = arith.andi %gather3A_1212, %and3A_1217 : vector<16xi32>
        %gather3A_1219 = tpu.vector_load_idx %arg13[%broadcast_in_dim3A_217, %shift_right_arithmetic3A_1215, %select_n3A_17, %and3A_1218] : memref<2x16x8x128xf32, #tpu.memory_space<vmem>>[vector<16xi32>, vector<16xi32>, vector<16xi32>, vector<16xi32>], vector<16xf32>,
        %gather3A_1220 = tpu.vector_load_idx %arg14[%broadcast_in_dim3A_217, %shift_right_arithmetic3A_1215, %select_n3A_17, %and3A_1218] : memref<2x16x8x128xf32, #tpu.memory_space<vmem>>[vector<16xi32>, vector<16xi32>, vector<16xi32>, vector<16xi32>], vector<16xf32>,
        %mul3A_1221 = arith.constant 16 : i32
        %mul3A_1222 = arith.muli %add3A_1154, %mul3A_1221 : i32
        %add3A_1223 = arith.constant 0 : i32
        %add3A_1224 = arith.addi %add3A_1223, %mul3A_1222 : i32
        %get3A_1225 = arith.index_cast %add3A_1224 : i32 to index
        %get3A_1226 = tpu.vector_load %arg15[%get3A_1225] {strides = array<i32>} : memref<3200xf32, #tpu.memory_space<vmem>>, vector<16xf32>,
        %bitcast3A_1227 = vector.bitcast %gather3A_1220 : vector<16xf32> to vector<16xi32>
        %shift_right_arithmetic3A_1228 = arith.constant 1 : i32
        %shift_right_arithmetic3A_1229 = vector.broadcast %shift_right_arithmetic3A_1228 : i32 to vector<16xi32>
        %shift_right_arithmetic3A_1230 = arith.shrsi %bitcast3A_1227, %shift_right_arithmetic3A_1229 : vector<16xi32>
        %sub3A_1231 = arith.constant 1597463007 : i32
        %sub3A_1232 = vector.broadcast %sub3A_1231 : i32 to vector<16xi32>
        %sub3A_1233 = arith.subi %sub3A_1232, %shift_right_arithmetic3A_1230 : vector<16xi32>
        %bitcast3A_1234 = vector.bitcast %sub3A_1233 : vector<16xi32> to vector<16xf32>
        %mul3A_1235 = arith.constant 5.000000e-01 : f32
        %mul3A_1236 = vector.broadcast %mul3A_1235 : f32 to vector<16xf32>
        %mul3A_1237 = arith.mulf %mul3A_1236, %gather3A_1220 : vector<16xf32>
        %mul3A_1238 = arith.mulf %mul3A_1237, %bitcast3A_1234 : vector<16xf32>
        %mul3A_1239 = arith.mulf %mul3A_1238, %bitcast3A_1234 : vector<16xf32>
        %sub3A_1240 = arith.constant 1.500000e+00 : f32
        %sub3A_1241 = vector.broadcast %sub3A_1240 : f32 to vector<16xf32>
        %sub3A_1242 = arith.subf %sub3A_1241, %mul3A_1239 : vector<16xf32>
        %mul3A_1243 = arith.mulf %bitcast3A_1234, %sub3A_1242 : vector<16xf32>
        %mul3A_1244 = arith.constant 5.000000e-01 : f32
        %mul3A_1245 = vector.broadcast %mul3A_1244 : f32 to vector<16xf32>
        %mul3A_1246 = arith.mulf %mul3A_1245, %gather3A_1220 : vector<16xf32>
        %mul3A_1247 = arith.mulf %mul3A_1246, %mul3A_1243 : vector<16xf32>
        %mul3A_1248 = arith.mulf %mul3A_1247, %mul3A_1243 : vector<16xf32>
        %sub3A_1249 = arith.constant 1.500000e+00 : f32
        %sub3A_1250 = vector.broadcast %sub3A_1249 : f32 to vector<16xf32>
        %sub3A_1251 = arith.subf %sub3A_1250, %mul3A_1248 : vector<16xf32>
        %mul3A_1252 = arith.mulf %mul3A_1243, %sub3A_1251 : vector<16xf32>
        %mul3A_1253 = arith.constant 16 : i32
        %mul3A_1254 = arith.muli %add3A_1154, %mul3A_1253 : i32
        %add3A_1255 = arith.constant 0 : i32
        %add3A_1256 = arith.addi %add3A_1255, %mul3A_1254 : i32
        %swap3A_1257 = arith.index_cast %add3A_1256 : i32 to index
        %swap3A_1258 = tpu.vector_load %arg16[%swap3A_1257] {strides = array<i32>} : memref<3200xf32, #tpu.memory_space<vmem>>, vector<16xf32>,
        tpu.vector_store %arg16[%swap3A_1257], %gather3A_1219 {strides = array<i32>} : memref<3200xf32, #tpu.memory_space<vmem>>, vector<16xf32>,
        %swap3A_1259 = arith.index_cast %add3A_1256 : i32 to index
        %swap3A_1260 = tpu.vector_load %arg17[%swap3A_1259] {strides = array<i32>} : memref<3200xf32, #tpu.memory_space<vmem>>, vector<16xf32>,
        tpu.vector_store %arg17[%swap3A_1259], %gather3A_1220 {strides = array<i32>} : memref<3200xf32, #tpu.memory_space<vmem>>, vector<16xf32>,
        %sub3A_1261 = arith.subf %get3A_1226, %gather3A_1219 : vector<16xf32>
        %mul3A_1262 = arith.mulf %sub3A_1261, %mul3A_1252 : vector<16xf32>
        %swap3A_1263 = arith.index_cast %add3A_1256 : i32 to index
        %swap3A_1264 = tpu.vector_load %arg18[%swap3A_1263] {strides = array<i32>} : memref<3200xf32, #tpu.memory_space<vmem>>, vector<16xf32>,
        tpu.vector_store %arg18[%swap3A_1263], %mul3A_1262 {strides = array<i32>} : memref<3200xf32, #tpu.memory_space<vmem>>, vector<16xf32>,
        %scan3A_1265 = arith.constant 8 : i32
        %scan3A_1266 = arith.addi %scan3A_341, %scan3A_1265 : i32
        %mul3A_1267 = arith.constant 1 : i32
        %mul3A_1268 = arith.muli %scan3A_1266, %mul3A_1267 : i32
        %add3A_1269 = arith.constant 0 : i32
        %add3A_1270 = arith.addi %add3A_1269, %mul3A_1268 : i32
        %mul3A_1271 = arith.constant 2 : i32
        %mul3A_1272 = arith.muli %mul3A_1271, %add3A_1270 : i32
        %add3A_1273 = vector.broadcast %mul3A_1272 : i32 to vector<16xi32>
        %add3A_1274 = arith.addi %add3A_1273, %select_n3A_45 : vector<16xi32>
        %jit3A_1275 = arith.constant 8 : i32
        %div3A_1276 = vector.broadcast %jit3A_1275 : i32 to vector<16xi32>
        %div3A_1277 = arith.divsi %add3A_1274, %div3A_1276 : vector<16xi32>
        %sign3A_1278 = arith.constant 0 : i32
        %sign3A_1279 = vector.broadcast %sign3A_1278 : i32 to vector<16xi32>
        %sign3A_1280 = arith.cmpi sgt, %add3A_1274, %sign3A_1279 : vector<16xi32>
        %sign3A_1281 = arith.extui %sign3A_1280 : vector<16xi1> to vector<16xi32>
        %sign3A_1282 = arith.constant 0 : i32
        %sign3A_1283 = vector.broadcast %sign3A_1282 : i32 to vector<16xi32>
        %sign3A_1284 = arith.cmpi slt, %add3A_1274, %sign3A_1283 : vector<16xi32>
        %sign3A_1285 = arith.extui %sign3A_1284 : vector<16xi1> to vector<16xi32>
        %sign3A_1286 = arith.subi %sign3A_1281, %sign3A_1285 : vector<16xi32>
        %sign3A_1287 = arith.constant 0 : i32
        %sign3A_1288 = arith.cmpi sgt, %jit3A_1275, %sign3A_1287 : i32
        %sign3A_1289 = arith.extui %sign3A_1288 : i1 to i32
        %sign3A_1290 = arith.constant 0 : i32
        %sign3A_1291 = arith.cmpi slt, %jit3A_1275, %sign3A_1290 : i32
        %sign3A_1292 = arith.extui %sign3A_1291 : i1 to i32
        %sign3A_1293 = arith.subi %sign3A_1289, %sign3A_1292 : i32
        %ne3A_1294 = vector.broadcast %sign3A_1293 : i32 to vector<16xi32>
        %ne3A_1295 = arith.cmpi ne, %sign3A_1286, %ne3A_1294 : vector<16xi32>
        %rem3A_1296 = vector.broadcast %jit3A_1275 : i32 to vector<16xi32>
        %rem3A_1297 = arith.remsi %add3A_1274, %rem3A_1296 : vector<16xi32>
        %ne3A_1298 = arith.constant 0 : i32
        %ne3A_1299 = vector.broadcast %ne3A_1298 : i32 to vector<16xi32>
        %ne3A_1300 = arith.cmpi ne, %rem3A_1297, %ne3A_1299 : vector<16xi32>
        %and3A_1301 = arith.andi %ne3A_1295, %ne3A_1300 : vector<16xi1>
        %sub3A_1302 = arith.constant 1 : i32
        %sub3A_1303 = vector.broadcast %sub3A_1302 : i32 to vector<16xi32>
        %sub3A_1304 = arith.subi %div3A_1277, %sub3A_1303 : vector<16xi32>
        %select_n3A_1305 = arith.select %and3A_1301, %sub3A_1304, %div3A_1277 : vector<16xi1>, vector<16xi32>
        %jit3A_1306 = arith.constant 8 : i32
        %eq3A_1307 = arith.constant 0 : i32
        %eq3A_1308 = arith.cmpi eq, %jit3A_1306, %eq3A_1307 : i32
        %jit3A_1309 = arith.constant 1 : i32
        %select_n3A_1310 = arith.select %eq3A_1308, %jit3A_1309, %jit3A_1306 : i32
        %rem3A_1311 = vector.broadcast %select_n3A_1310 : i32 to vector<16xi32>
        %rem3A_1312 = arith.remsi %add3A_1274, %rem3A_1311 : vector<16xi32>
        %ne3A_1313 = arith.constant 0 : i32
        %ne3A_1314 = vector.broadcast %ne3A_1313 : i32 to vector<16xi32>
        %ne3A_1315 = arith.cmpi ne, %rem3A_1312, %ne3A_1314 : vector<16xi32>
        %lt3A_1316 = arith.constant 0 : i32
        %lt3A_1317 = vector.broadcast %lt3A_1316 : i32 to vector<16xi32>
        %lt3A_1318 = arith.cmpi slt, %rem3A_1312, %lt3A_1317 : vector<16xi32>
        %lt3A_1319 = arith.constant 0 : i32
        %lt3A_1320 = arith.cmpi slt, %select_n3A_1310, %lt3A_1319 : i32
        %ne3A_1321 = vector.broadcast %lt3A_1320 : i1 to vector<16xi1>
        %ne3A_1322 = vector.broadcast %ne3A_1321 : vector<16xi1> to vector<16xi1>
        %ne3A_1323 = arith.xori %lt3A_1318, %ne3A_1322 : vector<16xi1>
        %and3A_1324 = arith.andi %ne3A_1323, %ne3A_1315 : vector<16xi1>
        %add3A_1325 = vector.broadcast %select_n3A_1310 : i32 to vector<16xi32>
        %add3A_1326 = arith.addi %rem3A_1312, %add3A_1325 : vector<16xi32>
        %select_n3A_1327 = arith.select %and3A_1324, %add3A_1326, %rem3A_1312 : vector<16xi1>, vector<16xi32>
        %gather3A_1328 = tpu.vector_load_idx %arg12[%select_n3A_1305, %select_n3A_1327, %broadcast_in_dim3A_215] : memref<25x8x128xi32, #tpu.memory_space<vmem>>[vector<16xi32>, vector<16xi32>, vector<16xi32>], vector<16xi32>,
        %shift_right_arithmetic3A_1329 = arith.constant 7 : i32
        %shift_right_arithmetic3A_1330 = vector.broadcast %shift_right_arithmetic3A_1329 : i32 to vector<16xi32>
        %shift_right_arithmetic3A_1331 = arith.shrsi %gather3A_1328, %shift_right_arithmetic3A_1330 : vector<16xi32>
        %and3A_1332 = arith.constant 127 : i32
        %and3A_1333 = vector.broadcast %and3A_1332 : i32 to vector<16xi32>
        %and3A_1334 = arith.andi %gather3A_1328, %and3A_1333 : vector<16xi32>
        %gather3A_1335 = tpu.vector_load_idx %arg13[%broadcast_in_dim3A_217, %shift_right_arithmetic3A_1331, %select_n3A_17, %and3A_1334] : memref<2x16x8x128xf32, #tpu.memory_space<vmem>>[vector<16xi32>, vector<16xi32>, vector<16xi32>, vector<16xi32>], vector<16xf32>,
        %gather3A_1336 = tpu.vector_load_idx %arg14[%broadcast_in_dim3A_217, %shift_right_arithmetic3A_1331, %select_n3A_17, %and3A_1334] : memref<2x16x8x128xf32, #tpu.memory_space<vmem>>[vector<16xi32>, vector<16xi32>, vector<16xi32>, vector<16xi32>], vector<16xf32>,
        %mul3A_1337 = arith.constant 16 : i32
        %mul3A_1338 = arith.muli %add3A_1270, %mul3A_1337 : i32
        %add3A_1339 = arith.constant 0 : i32
        %add3A_1340 = arith.addi %add3A_1339, %mul3A_1338 : i32
        %get3A_1341 = arith.index_cast %add3A_1340 : i32 to index
        %get3A_1342 = tpu.vector_load %arg15[%get3A_1341] {strides = array<i32>} : memref<3200xf32, #tpu.memory_space<vmem>>, vector<16xf32>,
        %bitcast3A_1343 = vector.bitcast %gather3A_1336 : vector<16xf32> to vector<16xi32>
        %shift_right_arithmetic3A_1344 = arith.constant 1 : i32
        %shift_right_arithmetic3A_1345 = vector.broadcast %shift_right_arithmetic3A_1344 : i32 to vector<16xi32>
        %shift_right_arithmetic3A_1346 = arith.shrsi %bitcast3A_1343, %shift_right_arithmetic3A_1345 : vector<16xi32>
        %sub3A_1347 = arith.constant 1597463007 : i32
        %sub3A_1348 = vector.broadcast %sub3A_1347 : i32 to vector<16xi32>
        %sub3A_1349 = arith.subi %sub3A_1348, %shift_right_arithmetic3A_1346 : vector<16xi32>
        %bitcast3A_1350 = vector.bitcast %sub3A_1349 : vector<16xi32> to vector<16xf32>
        %mul3A_1351 = arith.constant 5.000000e-01 : f32
        %mul3A_1352 = vector.broadcast %mul3A_1351 : f32 to vector<16xf32>
        %mul3A_1353 = arith.mulf %mul3A_1352, %gather3A_1336 : vector<16xf32>
        %mul3A_1354 = arith.mulf %mul3A_1353, %bitcast3A_1350 : vector<16xf32>
        %mul3A_1355 = arith.mulf %mul3A_1354, %bitcast3A_1350 : vector<16xf32>
        %sub3A_1356 = arith.constant 1.500000e+00 : f32
        %sub3A_1357 = vector.broadcast %sub3A_1356 : f32 to vector<16xf32>
        %sub3A_1358 = arith.subf %sub3A_1357, %mul3A_1355 : vector<16xf32>
        %mul3A_1359 = arith.mulf %bitcast3A_1350, %sub3A_1358 : vector<16xf32>
        %mul3A_1360 = arith.constant 5.000000e-01 : f32
        %mul3A_1361 = vector.broadcast %mul3A_1360 : f32 to vector<16xf32>
        %mul3A_1362 = arith.mulf %mul3A_1361, %gather3A_1336 : vector<16xf32>
        %mul3A_1363 = arith.mulf %mul3A_1362, %mul3A_1359 : vector<16xf32>
        %mul3A_1364 = arith.mulf %mul3A_1363, %mul3A_1359 : vector<16xf32>
        %sub3A_1365 = arith.constant 1.500000e+00 : f32
        %sub3A_1366 = vector.broadcast %sub3A_1365 : f32 to vector<16xf32>
        %sub3A_1367 = arith.subf %sub3A_1366, %mul3A_1364 : vector<16xf32>
        %mul3A_1368 = arith.mulf %mul3A_1359, %sub3A_1367 : vector<16xf32>
        %mul3A_1369 = arith.constant 16 : i32
        %mul3A_1370 = arith.muli %add3A_1270, %mul3A_1369 : i32
        %add3A_1371 = arith.constant 0 : i32
        %add3A_1372 = arith.addi %add3A_1371, %mul3A_1370 : i32
        %swap3A_1373 = arith.index_cast %add3A_1372 : i32 to index
        %swap3A_1374 = tpu.vector_load %arg16[%swap3A_1373] {strides = array<i32>} : memref<3200xf32, #tpu.memory_space<vmem>>, vector<16xf32>,
        tpu.vector_store %arg16[%swap3A_1373], %gather3A_1335 {strides = array<i32>} : memref<3200xf32, #tpu.memory_space<vmem>>, vector<16xf32>,
        %swap3A_1375 = arith.index_cast %add3A_1372 : i32 to index
        %swap3A_1376 = tpu.vector_load %arg17[%swap3A_1375] {strides = array<i32>} : memref<3200xf32, #tpu.memory_space<vmem>>, vector<16xf32>,
        tpu.vector_store %arg17[%swap3A_1375], %gather3A_1336 {strides = array<i32>} : memref<3200xf32, #tpu.memory_space<vmem>>, vector<16xf32>,
        %sub3A_1377 = arith.subf %get3A_1342, %gather3A_1335 : vector<16xf32>
        %mul3A_1378 = arith.mulf %sub3A_1377, %mul3A_1368 : vector<16xf32>
        %swap3A_1379 = arith.index_cast %add3A_1372 : i32 to index
        %swap3A_1380 = tpu.vector_load %arg18[%swap3A_1379] {strides = array<i32>} : memref<3200xf32, #tpu.memory_space<vmem>>, vector<16xf32>,
        tpu.vector_store %arg18[%swap3A_1379], %mul3A_1378 {strides = array<i32>} : memref<3200xf32, #tpu.memory_space<vmem>>, vector<16xf32>,
        %scan3A_1381 = arith.constant 9 : i32
        %scan3A_1382 = arith.addi %scan3A_341, %scan3A_1381 : i32
        %mul3A_1383 = arith.constant 1 : i32
        %mul3A_1384 = arith.muli %scan3A_1382, %mul3A_1383 : i32
        %add3A_1385 = arith.constant 0 : i32
        %add3A_1386 = arith.addi %add3A_1385, %mul3A_1384 : i32
        %mul3A_1387 = arith.constant 2 : i32
        %mul3A_1388 = arith.muli %mul3A_1387, %add3A_1386 : i32
        %add3A_1389 = vector.broadcast %mul3A_1388 : i32 to vector<16xi32>
        %add3A_1390 = arith.addi %add3A_1389, %select_n3A_45 : vector<16xi32>
        %jit3A_1391 = arith.constant 8 : i32
        %div3A_1392 = vector.broadcast %jit3A_1391 : i32 to vector<16xi32>
        %div3A_1393 = arith.divsi %add3A_1390, %div3A_1392 : vector<16xi32>
        %sign3A_1394 = arith.constant 0 : i32
        %sign3A_1395 = vector.broadcast %sign3A_1394 : i32 to vector<16xi32>
        %sign3A_1396 = arith.cmpi sgt, %add3A_1390, %sign3A_1395 : vector<16xi32>
        %sign3A_1397 = arith.extui %sign3A_1396 : vector<16xi1> to vector<16xi32>
        %sign3A_1398 = arith.constant 0 : i32
        %sign3A_1399 = vector.broadcast %sign3A_1398 : i32 to vector<16xi32>
        %sign3A_1400 = arith.cmpi slt, %add3A_1390, %sign3A_1399 : vector<16xi32>
        %sign3A_1401 = arith.extui %sign3A_1400 : vector<16xi1> to vector<16xi32>
        %sign3A_1402 = arith.subi %sign3A_1397, %sign3A_1401 : vector<16xi32>
        %sign3A_1403 = arith.constant 0 : i32
        %sign3A_1404 = arith.cmpi sgt, %jit3A_1391, %sign3A_1403 : i32
        %sign3A_1405 = arith.extui %sign3A_1404 : i1 to i32
        %sign3A_1406 = arith.constant 0 : i32
        %sign3A_1407 = arith.cmpi slt, %jit3A_1391, %sign3A_1406 : i32
        %sign3A_1408 = arith.extui %sign3A_1407 : i1 to i32
        %sign3A_1409 = arith.subi %sign3A_1405, %sign3A_1408 : i32
        %ne3A_1410 = vector.broadcast %sign3A_1409 : i32 to vector<16xi32>
        %ne3A_1411 = arith.cmpi ne, %sign3A_1402, %ne3A_1410 : vector<16xi32>
        %rem3A_1412 = vector.broadcast %jit3A_1391 : i32 to vector<16xi32>
        %rem3A_1413 = arith.remsi %add3A_1390, %rem3A_1412 : vector<16xi32>
        %ne3A_1414 = arith.constant 0 : i32
        %ne3A_1415 = vector.broadcast %ne3A_1414 : i32 to vector<16xi32>
        %ne3A_1416 = arith.cmpi ne, %rem3A_1413, %ne3A_1415 : vector<16xi32>
        %and3A_1417 = arith.andi %ne3A_1411, %ne3A_1416 : vector<16xi1>
        %sub3A_1418 = arith.constant 1 : i32
        %sub3A_1419 = vector.broadcast %sub3A_1418 : i32 to vector<16xi32>
        %sub3A_1420 = arith.subi %div3A_1393, %sub3A_1419 : vector<16xi32>
        %select_n3A_1421 = arith.select %and3A_1417, %sub3A_1420, %div3A_1393 : vector<16xi1>, vector<16xi32>
        %jit3A_1422 = arith.constant 8 : i32
        %eq3A_1423 = arith.constant 0 : i32
        %eq3A_1424 = arith.cmpi eq, %jit3A_1422, %eq3A_1423 : i32
        %jit3A_1425 = arith.constant 1 : i32
        %select_n3A_1426 = arith.select %eq3A_1424, %jit3A_1425, %jit3A_1422 : i32
        %rem3A_1427 = vector.broadcast %select_n3A_1426 : i32 to vector<16xi32>
        %rem3A_1428 = arith.remsi %add3A_1390, %rem3A_1427 : vector<16xi32>
        %ne3A_1429 = arith.constant 0 : i32
        %ne3A_1430 = vector.broadcast %ne3A_1429 : i32 to vector<16xi32>
        %ne3A_1431 = arith.cmpi ne, %rem3A_1428, %ne3A_1430 : vector<16xi32>
        %lt3A_1432 = arith.constant 0 : i32
        %lt3A_1433 = vector.broadcast %lt3A_1432 : i32 to vector<16xi32>
        %lt3A_1434 = arith.cmpi slt, %rem3A_1428, %lt3A_1433 : vector<16xi32>
        %lt3A_1435 = arith.constant 0 : i32
        %lt3A_1436 = arith.cmpi slt, %select_n3A_1426, %lt3A_1435 : i32
        %ne3A_1437 = vector.broadcast %lt3A_1436 : i1 to vector<16xi1>
        %ne3A_1438 = vector.broadcast %ne3A_1437 : vector<16xi1> to vector<16xi1>
        %ne3A_1439 = arith.xori %lt3A_1434, %ne3A_1438 : vector<16xi1>
        %and3A_1440 = arith.andi %ne3A_1439, %ne3A_1431 : vector<16xi1>
        %add3A_1441 = vector.broadcast %select_n3A_1426 : i32 to vector<16xi32>
        %add3A_1442 = arith.addi %rem3A_1428, %add3A_1441 : vector<16xi32>
        %select_n3A_1443 = arith.select %and3A_1440, %add3A_1442, %rem3A_1428 : vector<16xi1>, vector<16xi32>
        %gather3A_1444 = tpu.vector_load_idx %arg12[%select_n3A_1421, %select_n3A_1443, %broadcast_in_dim3A_215] : memref<25x8x128xi32, #tpu.memory_space<vmem>>[vector<16xi32>, vector<16xi32>, vector<16xi32>], vector<16xi32>,
        %shift_right_arithmetic3A_1445 = arith.constant 7 : i32
        %shift_right_arithmetic3A_1446 = vector.broadcast %shift_right_arithmetic3A_1445 : i32 to vector<16xi32>
        %shift_right_arithmetic3A_1447 = arith.shrsi %gather3A_1444, %shift_right_arithmetic3A_1446 : vector<16xi32>
        %and3A_1448 = arith.constant 127 : i32
        %and3A_1449 = vector.broadcast %and3A_1448 : i32 to vector<16xi32>
        %and3A_1450 = arith.andi %gather3A_1444, %and3A_1449 : vector<16xi32>
        %gather3A_1451 = tpu.vector_load_idx %arg13[%broadcast_in_dim3A_217, %shift_right_arithmetic3A_1447, %select_n3A_17, %and3A_1450] : memref<2x16x8x128xf32, #tpu.memory_space<vmem>>[vector<16xi32>, vector<16xi32>, vector<16xi32>, vector<16xi32>], vector<16xf32>,
        %gather3A_1452 = tpu.vector_load_idx %arg14[%broadcast_in_dim3A_217, %shift_right_arithmetic3A_1447, %select_n3A_17, %and3A_1450] : memref<2x16x8x128xf32, #tpu.memory_space<vmem>>[vector<16xi32>, vector<16xi32>, vector<16xi32>, vector<16xi32>], vector<16xf32>,
        %mul3A_1453 = arith.constant 16 : i32
        %mul3A_1454 = arith.muli %add3A_1386, %mul3A_1453 : i32
        %add3A_1455 = arith.constant 0 : i32
        %add3A_1456 = arith.addi %add3A_1455, %mul3A_1454 : i32
        %get3A_1457 = arith.index_cast %add3A_1456 : i32 to index
        %get3A_1458 = tpu.vector_load %arg15[%get3A_1457] {strides = array<i32>} : memref<3200xf32, #tpu.memory_space<vmem>>, vector<16xf32>,
        %bitcast3A_1459 = vector.bitcast %gather3A_1452 : vector<16xf32> to vector<16xi32>
        %shift_right_arithmetic3A_1460 = arith.constant 1 : i32
        %shift_right_arithmetic3A_1461 = vector.broadcast %shift_right_arithmetic3A_1460 : i32 to vector<16xi32>
        %shift_right_arithmetic3A_1462 = arith.shrsi %bitcast3A_1459, %shift_right_arithmetic3A_1461 : vector<16xi32>
        %sub3A_1463 = arith.constant 1597463007 : i32
        %sub3A_1464 = vector.broadcast %sub3A_1463 : i32 to vector<16xi32>
        %sub3A_1465 = arith.subi %sub3A_1464, %shift_right_arithmetic3A_1462 : vector<16xi32>
        %bitcast3A_1466 = vector.bitcast %sub3A_1465 : vector<16xi32> to vector<16xf32>
        %mul3A_1467 = arith.constant 5.000000e-01 : f32
        %mul3A_1468 = vector.broadcast %mul3A_1467 : f32 to vector<16xf32>
        %mul3A_1469 = arith.mulf %mul3A_1468, %gather3A_1452 : vector<16xf32>
        %mul3A_1470 = arith.mulf %mul3A_1469, %bitcast3A_1466 : vector<16xf32>
        %mul3A_1471 = arith.mulf %mul3A_1470, %bitcast3A_1466 : vector<16xf32>
        %sub3A_1472 = arith.constant 1.500000e+00 : f32
        %sub3A_1473 = vector.broadcast %sub3A_1472 : f32 to vector<16xf32>
        %sub3A_1474 = arith.subf %sub3A_1473, %mul3A_1471 : vector<16xf32>
        %mul3A_1475 = arith.mulf %bitcast3A_1466, %sub3A_1474 : vector<16xf32>
        %mul3A_1476 = arith.constant 5.000000e-01 : f32
        %mul3A_1477 = vector.broadcast %mul3A_1476 : f32 to vector<16xf32>
        %mul3A_1478 = arith.mulf %mul3A_1477, %gather3A_1452 : vector<16xf32>
        %mul3A_1479 = arith.mulf %mul3A_1478, %mul3A_1475 : vector<16xf32>
        %mul3A_1480 = arith.mulf %mul3A_1479, %mul3A_1475 : vector<16xf32>
        %sub3A_1481 = arith.constant 1.500000e+00 : f32
        %sub3A_1482 = vector.broadcast %sub3A_1481 : f32 to vector<16xf32>
        %sub3A_1483 = arith.subf %sub3A_1482, %mul3A_1480 : vector<16xf32>
        %mul3A_1484 = arith.mulf %mul3A_1475, %sub3A_1483 : vector<16xf32>
        %mul3A_1485 = arith.constant 16 : i32
        %mul3A_1486 = arith.muli %add3A_1386, %mul3A_1485 : i32
        %add3A_1487 = arith.constant 0 : i32
        %add3A_1488 = arith.addi %add3A_1487, %mul3A_1486 : i32
        %swap3A_1489 = arith.index_cast %add3A_1488 : i32 to index
        %swap3A_1490 = tpu.vector_load %arg16[%swap3A_1489] {strides = array<i32>} : memref<3200xf32, #tpu.memory_space<vmem>>, vector<16xf32>,
        tpu.vector_store %arg16[%swap3A_1489], %gather3A_1451 {strides = array<i32>} : memref<3200xf32, #tpu.memory_space<vmem>>, vector<16xf32>,
        %swap3A_1491 = arith.index_cast %add3A_1488 : i32 to index
        %swap3A_1492 = tpu.vector_load %arg17[%swap3A_1491] {strides = array<i32>} : memref<3200xf32, #tpu.memory_space<vmem>>, vector<16xf32>,
        tpu.vector_store %arg17[%swap3A_1491], %gather3A_1452 {strides = array<i32>} : memref<3200xf32, #tpu.memory_space<vmem>>, vector<16xf32>,
        %sub3A_1493 = arith.subf %get3A_1458, %gather3A_1451 : vector<16xf32>
        %mul3A_1494 = arith.mulf %sub3A_1493, %mul3A_1484 : vector<16xf32>
        %swap3A_1495 = arith.index_cast %add3A_1488 : i32 to index
        %swap3A_1496 = tpu.vector_load %arg18[%swap3A_1495] {strides = array<i32>} : memref<3200xf32, #tpu.memory_space<vmem>>, vector<16xf32>,
        tpu.vector_store %arg18[%swap3A_1495], %mul3A_1494 {strides = array<i32>} : memref<3200xf32, #tpu.memory_space<vmem>>, vector<16xf32>,
      }
      %scan3A_222 = arith.constant 100 : i32
      %dma_wait3A_223 = arith.constant 1 : i32
      %dma_wait3A_224 = arith.constant 0 : i32
      %dma_wait3A_225 = arith.constant 0 : i32
      %dma_wait3A_226 = arith.constant 0 : i32
      %dma_wait3A_227 = tpu.memref_slice %arg13[%dma_wait3A_223, %dma_wait3A_224, %dma_wait3A_225, %dma_wait3A_226] : memref<2x16x8x128xf32, #tpu.memory_space<vmem>> -> memref<1x16x8x128xf32, #tpu.memory_space<vmem>>
      %dma_wait3A_228 = tpu.memref_squeeze %dma_wait3A_227 : memref<1x16x8x128xf32, #tpu.memory_space<vmem>> -> memref<16x8x128xf32, #tpu.memory_space<vmem>>
      %dma_wait3A_229 = arith.constant 0 : i32
      %dma_wait3A_230 = arith.constant 0 : i32
      %dma_wait3A_231 = tpu.memref_slice %arg5[%mul3A_142, %dma_wait3A_229, %dma_wait3A_230] : memref<16000x8x128xf32, #tpu.memory_space<hbm>> -> memref<16x8x128xf32, #tpu.memory_space<hbm>>
      %dma_wait3A_232 = arith.constant 0 : i32
      %dma_wait3A_233 = arith.constant 0 : i32
      %dma_wait3A_234 = arith.constant 0 : i32
      %dma_wait3A_235 = tpu.memref_slice %arg13[%dma_wait3A_223, %dma_wait3A_232, %dma_wait3A_233, %dma_wait3A_234] : memref<2x16x8x128xf32, #tpu.memory_space<vmem>> -> memref<1x16x8x128xf32, #tpu.memory_space<vmem>>
      %dma_wait3A_236 = tpu.memref_squeeze %dma_wait3A_235 : memref<1x16x8x128xf32, #tpu.memory_space<vmem>> -> memref<16x8x128xf32, #tpu.memory_space<vmem>>
      %dma_wait3A_237 = arith.constant 0 : i32
      %dma_wait3A_238 = arith.constant 0 : i32
      %dma_wait3A_239 = tpu.memref_slice %arg5[%mul3A_142, %dma_wait3A_237, %dma_wait3A_238] : memref<16000x8x128xf32, #tpu.memory_space<hbm>> -> memref<16x8x128xf32, #tpu.memory_space<hbm>>
      tpu.wait_dma2 semaphore(%arg20 : memref<!tpu.dma_semaphore, #tpu.memory_space<semaphore_mem>>) src(%dma_wait3A_239 : memref<16x8x128xf32, #tpu.memory_space<hbm>>) dst(%dma_wait3A_236 : memref<16x8x128xf32, #tpu.memory_space<vmem>>)
      %dma_wait3A_240 = arith.constant 1 : i32
      %dma_wait3A_241 = arith.constant 0 : i32
      %dma_wait3A_242 = arith.constant 0 : i32
      %dma_wait3A_243 = arith.constant 0 : i32
      %dma_wait3A_244 = tpu.memref_slice %arg14[%dma_wait3A_240, %dma_wait3A_241, %dma_wait3A_242, %dma_wait3A_243] : memref<2x16x8x128xf32, #tpu.memory_space<vmem>> -> memref<1x16x8x128xf32, #tpu.memory_space<vmem>>
      %dma_wait3A_245 = tpu.memref_squeeze %dma_wait3A_244 : memref<1x16x8x128xf32, #tpu.memory_space<vmem>> -> memref<16x8x128xf32, #tpu.memory_space<vmem>>
      %dma_wait3A_246 = arith.constant 0 : i32
      %dma_wait3A_247 = arith.constant 0 : i32
      %dma_wait3A_248 = tpu.memref_slice %arg6[%mul3A_142, %dma_wait3A_246, %dma_wait3A_247] : memref<16000x8x128xf32, #tpu.memory_space<hbm>> -> memref<16x8x128xf32, #tpu.memory_space<hbm>>
      %dma_wait3A_249 = arith.constant 0 : i32
      %dma_wait3A_250 = arith.constant 0 : i32
      %dma_wait3A_251 = arith.constant 0 : i32
      %dma_wait3A_252 = tpu.memref_slice %arg14[%dma_wait3A_240, %dma_wait3A_249, %dma_wait3A_250, %dma_wait3A_251] : memref<2x16x8x128xf32, #tpu.memory_space<vmem>> -> memref<1x16x8x128xf32, #tpu.memory_space<vmem>>
      %dma_wait3A_253 = tpu.memref_squeeze %dma_wait3A_252 : memref<1x16x8x128xf32, #tpu.memory_space<vmem>> -> memref<16x8x128xf32, #tpu.memory_space<vmem>>
      %dma_wait3A_254 = arith.constant 0 : i32
      %dma_wait3A_255 = arith.constant 0 : i32
      %dma_wait3A_256 = tpu.memref_slice %arg6[%mul3A_142, %dma_wait3A_254, %dma_wait3A_255] : memref<16000x8x128xf32, #tpu.memory_space<hbm>> -> memref<16x8x128xf32, #tpu.memory_space<hbm>>
      tpu.wait_dma2 semaphore(%arg20 : memref<!tpu.dma_semaphore, #tpu.memory_space<semaphore_mem>>) src(%dma_wait3A_256 : memref<16x8x128xf32, #tpu.memory_space<hbm>>) dst(%dma_wait3A_253 : memref<16x8x128xf32, #tpu.memory_space<vmem>>)
      %dma_start3A_257 = arith.constant 0 : i32
      %dma_start3A_258 = tpu.memref_slice %arg18[%dma_start3A_257] : memref<3200xf32, #tpu.memory_space<vmem>> -> memref<1600xf32, #tpu.memory_space<vmem>>
      %dma_start3A_259 = tpu.memref_slice %arg7[%mul3A_85] : memref<6553600xf32, #tpu.memory_space<hbm>> -> memref<1600xf32, #tpu.memory_space<hbm>>
      %dma_start3A_260 = tpu.memref_slice %arg7[%mul3A_85] : memref<6553600xf32, #tpu.memory_space<hbm>> -> memref<1600xf32, #tpu.memory_space<hbm>>
      %dma_start3A_261 = arith.constant 0 : i32
      %dma_start3A_262 = tpu.memref_slice %arg18[%dma_start3A_261] : memref<3200xf32, #tpu.memory_space<vmem>> -> memref<1600xf32, #tpu.memory_space<vmem>>
      tpu.enqueue_dma source(%dma_start3A_262 : memref<1600xf32, #tpu.memory_space<vmem>>) target(%dma_start3A_260 : memref<1600xf32, #tpu.memory_space<hbm>>) target_semaphore(%arg22 : memref<!tpu.dma_semaphore, #tpu.memory_space<semaphore_mem>>)
      %dma_start3A_263 = arith.constant 0 : i32
      %dma_start3A_264 = tpu.memref_slice %arg16[%dma_start3A_263] : memref<3200xf32, #tpu.memory_space<vmem>> -> memref<1600xf32, #tpu.memory_space<vmem>>
      %dma_start3A_265 = tpu.memref_slice %arg8[%mul3A_85] : memref<6553600xf32, #tpu.memory_space<hbm>> -> memref<1600xf32, #tpu.memory_space<hbm>>
      %dma_start3A_266 = tpu.memref_slice %arg8[%mul3A_85] : memref<6553600xf32, #tpu.memory_space<hbm>> -> memref<1600xf32, #tpu.memory_space<hbm>>
      %dma_start3A_267 = arith.constant 0 : i32
      %dma_start3A_268 = tpu.memref_slice %arg16[%dma_start3A_267] : memref<3200xf32, #tpu.memory_space<vmem>> -> memref<1600xf32, #tpu.memory_space<vmem>>
      tpu.enqueue_dma source(%dma_start3A_268 : memref<1600xf32, #tpu.memory_space<vmem>>) target(%dma_start3A_266 : memref<1600xf32, #tpu.memory_space<hbm>>) target_semaphore(%arg22 : memref<!tpu.dma_semaphore, #tpu.memory_space<semaphore_mem>>)
      %dma_start3A_269 = arith.constant 0 : i32
      %dma_start3A_270 = tpu.memref_slice %arg17[%dma_start3A_269] : memref<3200xf32, #tpu.memory_space<vmem>> -> memref<1600xf32, #tpu.memory_space<vmem>>
      %dma_start3A_271 = tpu.memref_slice %arg9[%mul3A_85] : memref<6553600xf32, #tpu.memory_space<hbm>> -> memref<1600xf32, #tpu.memory_space<hbm>>
      %dma_start3A_272 = tpu.memref_slice %arg9[%mul3A_85] : memref<6553600xf32, #tpu.memory_space<hbm>> -> memref<1600xf32, #tpu.memory_space<hbm>>
      %dma_start3A_273 = arith.constant 0 : i32
      %dma_start3A_274 = tpu.memref_slice %arg17[%dma_start3A_273] : memref<3200xf32, #tpu.memory_space<vmem>> -> memref<1600xf32, #tpu.memory_space<vmem>>
      tpu.enqueue_dma source(%dma_start3A_274 : memref<1600xf32, #tpu.memory_space<vmem>>) target(%dma_start3A_272 : memref<1600xf32, #tpu.memory_space<hbm>>) target_semaphore(%arg22 : memref<!tpu.dma_semaphore, #tpu.memory_space<semaphore_mem>>)
      %add3A_275 = arith.constant 1 : i32
      %add3A_276 = arith.addi %mul3A_82, %add3A_275 : i32
      %broadcast_in_dim3A_277 = vector.broadcast %add3A_276 : i32 to vector<16xi32>
      %broadcast_in_dim3A_278 = arith.constant 1 : i32
      %broadcast_in_dim3A_279 = vector.broadcast %broadcast_in_dim3A_278 : i32 to vector<16xi32>
      %scan3A_280 = arith.constant 0 : i32
      %scan3A_281 = arith.constant 100 : i32
      %scan3A_282 = arith.addi %scan3A_280, %scan3A_281 : i32
      %scan3A_283 = arith.constant 10 : i32
      scf.for %scan3A_341 = %scan3A_280 to %scan3A_282 step %scan3A_283  : i32 {
        %mul3A_342 = arith.constant 1 : i32
        %mul3A_343 = arith.muli %scan3A_341, %mul3A_342 : i32
        %add3A_344 = arith.constant 0 : i32
        %add3A_345 = arith.addi %add3A_344, %mul3A_343 : i32
        %mul3A_346 = arith.constant 2 : i32
        %mul3A_347 = arith.muli %mul3A_346, %add3A_345 : i32
        %add3A_348 = vector.broadcast %mul3A_347 : i32 to vector<16xi32>
        %add3A_349 = arith.addi %add3A_348, %select_n3A_45 : vector<16xi32>
        %jit3A_350 = arith.constant 8 : i32
        %div3A_351 = vector.broadcast %jit3A_350 : i32 to vector<16xi32>
        %div3A_352 = arith.divsi %add3A_349, %div3A_351 : vector<16xi32>
        %sign3A_353 = arith.constant 0 : i32
        %sign3A_354 = vector.broadcast %sign3A_353 : i32 to vector<16xi32>
        %sign3A_355 = arith.cmpi sgt, %add3A_349, %sign3A_354 : vector<16xi32>
        %sign3A_356 = arith.extui %sign3A_355 : vector<16xi1> to vector<16xi32>
        %sign3A_357 = arith.constant 0 : i32
        %sign3A_358 = vector.broadcast %sign3A_357 : i32 to vector<16xi32>
        %sign3A_359 = arith.cmpi slt, %add3A_349, %sign3A_358 : vector<16xi32>
        %sign3A_360 = arith.extui %sign3A_359 : vector<16xi1> to vector<16xi32>
        %sign3A_361 = arith.subi %sign3A_356, %sign3A_360 : vector<16xi32>
        %sign3A_362 = arith.constant 0 : i32
        %sign3A_363 = arith.cmpi sgt, %jit3A_350, %sign3A_362 : i32
        %sign3A_364 = arith.extui %sign3A_363 : i1 to i32
        %sign3A_365 = arith.constant 0 : i32
        %sign3A_366 = arith.cmpi slt, %jit3A_350, %sign3A_365 : i32
        %sign3A_367 = arith.extui %sign3A_366 : i1 to i32
        %sign3A_368 = arith.subi %sign3A_364, %sign3A_367 : i32
        %ne3A_369 = vector.broadcast %sign3A_368 : i32 to vector<16xi32>
        %ne3A_370 = arith.cmpi ne, %sign3A_361, %ne3A_369 : vector<16xi32>
        %rem3A_371 = vector.broadcast %jit3A_350 : i32 to vector<16xi32>
        %rem3A_372 = arith.remsi %add3A_349, %rem3A_371 : vector<16xi32>
        %ne3A_373 = arith.constant 0 : i32
        %ne3A_374 = vector.broadcast %ne3A_373 : i32 to vector<16xi32>
        %ne3A_375 = arith.cmpi ne, %rem3A_372, %ne3A_374 : vector<16xi32>
        %and3A_376 = arith.andi %ne3A_370, %ne3A_375 : vector<16xi1>
        %sub3A_377 = arith.constant 1 : i32
        %sub3A_378 = vector.broadcast %sub3A_377 : i32 to vector<16xi32>
        %sub3A_379 = arith.subi %div3A_352, %sub3A_378 : vector<16xi32>
        %select_n3A_380 = arith.select %and3A_376, %sub3A_379, %div3A_352 : vector<16xi1>, vector<16xi32>
        %jit3A_381 = arith.constant 8 : i32
        %eq3A_382 = arith.constant 0 : i32
        %eq3A_383 = arith.cmpi eq, %jit3A_381, %eq3A_382 : i32
        %jit3A_384 = arith.constant 1 : i32
        %select_n3A_385 = arith.select %eq3A_383, %jit3A_384, %jit3A_381 : i32
        %rem3A_386 = vector.broadcast %select_n3A_385 : i32 to vector<16xi32>
        %rem3A_387 = arith.remsi %add3A_349, %rem3A_386 : vector<16xi32>
        %ne3A_388 = arith.constant 0 : i32
        %ne3A_389 = vector.broadcast %ne3A_388 : i32 to vector<16xi32>
        %ne3A_390 = arith.cmpi ne, %rem3A_387, %ne3A_389 : vector<16xi32>
        %lt3A_391 = arith.constant 0 : i32
        %lt3A_392 = vector.broadcast %lt3A_391 : i32 to vector<16xi32>
        %lt3A_393 = arith.cmpi slt, %rem3A_387, %lt3A_392 : vector<16xi32>
        %lt3A_394 = arith.constant 0 : i32
        %lt3A_395 = arith.cmpi slt, %select_n3A_385, %lt3A_394 : i32
        %ne3A_396 = vector.broadcast %lt3A_395 : i1 to vector<16xi1>
        %ne3A_397 = vector.broadcast %ne3A_396 : vector<16xi1> to vector<16xi1>
        %ne3A_398 = arith.xori %lt3A_393, %ne3A_397 : vector<16xi1>
        %and3A_399 = arith.andi %ne3A_398, %ne3A_390 : vector<16xi1>
        %add3A_400 = vector.broadcast %select_n3A_385 : i32 to vector<16xi32>
        %add3A_401 = arith.addi %rem3A_387, %add3A_400 : vector<16xi32>
        %select_n3A_402 = arith.select %and3A_399, %add3A_401, %rem3A_387 : vector<16xi1>, vector<16xi32>
        %gather3A_403 = tpu.vector_load_idx %arg12[%select_n3A_380, %select_n3A_402, %broadcast_in_dim3A_277] : memref<25x8x128xi32, #tpu.memory_space<vmem>>[vector<16xi32>, vector<16xi32>, vector<16xi32>], vector<16xi32>,
        %shift_right_arithmetic3A = arith.constant 7 : i32
        %shift_right_arithmetic3A_404 = vector.broadcast %shift_right_arithmetic3A : i32 to vector<16xi32>
        %shift_right_arithmetic3A_405 = arith.shrsi %gather3A_403, %shift_right_arithmetic3A_404 : vector<16xi32>
        %and3A_406 = arith.constant 127 : i32
        %and3A_407 = vector.broadcast %and3A_406 : i32 to vector<16xi32>
        %and3A_408 = arith.andi %gather3A_403, %and3A_407 : vector<16xi32>
        %gather3A_409 = tpu.vector_load_idx %arg13[%broadcast_in_dim3A_279, %shift_right_arithmetic3A_405, %select_n3A_17, %and3A_408] : memref<2x16x8x128xf32, #tpu.memory_space<vmem>>[vector<16xi32>, vector<16xi32>, vector<16xi32>, vector<16xi32>], vector<16xf32>,
        %gather3A_410 = tpu.vector_load_idx %arg14[%broadcast_in_dim3A_279, %shift_right_arithmetic3A_405, %select_n3A_17, %and3A_408] : memref<2x16x8x128xf32, #tpu.memory_space<vmem>>[vector<16xi32>, vector<16xi32>, vector<16xi32>, vector<16xi32>], vector<16xf32>,
        %mul3A_411 = arith.constant 16 : i32
        %mul3A_412 = arith.muli %add3A_345, %mul3A_411 : i32
        %add3A_413 = arith.constant 1600 : i32
        %add3A_414 = arith.addi %add3A_413, %mul3A_412 : i32
        %get3A = arith.index_cast %add3A_414 : i32 to index
        %get3A_415 = tpu.vector_load %arg15[%get3A] {strides = array<i32>} : memref<3200xf32, #tpu.memory_space<vmem>>, vector<16xf32>,
        %bitcast3A = vector.bitcast %gather3A_410 : vector<16xf32> to vector<16xi32>
        %shift_right_arithmetic3A_416 = arith.constant 1 : i32
        %shift_right_arithmetic3A_417 = vector.broadcast %shift_right_arithmetic3A_416 : i32 to vector<16xi32>
        %shift_right_arithmetic3A_418 = arith.shrsi %bitcast3A, %shift_right_arithmetic3A_417 : vector<16xi32>
        %sub3A_419 = arith.constant 1597463007 : i32
        %sub3A_420 = vector.broadcast %sub3A_419 : i32 to vector<16xi32>
        %sub3A_421 = arith.subi %sub3A_420, %shift_right_arithmetic3A_418 : vector<16xi32>
        %bitcast3A_422 = vector.bitcast %sub3A_421 : vector<16xi32> to vector<16xf32>
        %mul3A_423 = arith.constant 5.000000e-01 : f32
        %mul3A_424 = vector.broadcast %mul3A_423 : f32 to vector<16xf32>
        %mul3A_425 = arith.mulf %mul3A_424, %gather3A_410 : vector<16xf32>
        %mul3A_426 = arith.mulf %mul3A_425, %bitcast3A_422 : vector<16xf32>
        %mul3A_427 = arith.mulf %mul3A_426, %bitcast3A_422 : vector<16xf32>
        %sub3A_428 = arith.constant 1.500000e+00 : f32
        %sub3A_429 = vector.broadcast %sub3A_428 : f32 to vector<16xf32>
        %sub3A_430 = arith.subf %sub3A_429, %mul3A_427 : vector<16xf32>
        %mul3A_431 = arith.mulf %bitcast3A_422, %sub3A_430 : vector<16xf32>
        %mul3A_432 = arith.constant 5.000000e-01 : f32
        %mul3A_433 = vector.broadcast %mul3A_432 : f32 to vector<16xf32>
        %mul3A_434 = arith.mulf %mul3A_433, %gather3A_410 : vector<16xf32>
        %mul3A_435 = arith.mulf %mul3A_434, %mul3A_431 : vector<16xf32>
        %mul3A_436 = arith.mulf %mul3A_435, %mul3A_431 : vector<16xf32>
        %sub3A_437 = arith.constant 1.500000e+00 : f32
        %sub3A_438 = vector.broadcast %sub3A_437 : f32 to vector<16xf32>
        %sub3A_439 = arith.subf %sub3A_438, %mul3A_436 : vector<16xf32>
        %mul3A_440 = arith.mulf %mul3A_431, %sub3A_439 : vector<16xf32>
        %mul3A_441 = arith.constant 16 : i32
        %mul3A_442 = arith.muli %add3A_345, %mul3A_441 : i32
        %add3A_443 = arith.constant 1600 : i32
        %add3A_444 = arith.addi %add3A_443, %mul3A_442 : i32
        %swap3A_445 = arith.index_cast %add3A_444 : i32 to index
        %swap3A_446 = tpu.vector_load %arg16[%swap3A_445] {strides = array<i32>} : memref<3200xf32, #tpu.memory_space<vmem>>, vector<16xf32>,
        tpu.vector_store %arg16[%swap3A_445], %gather3A_409 {strides = array<i32>} : memref<3200xf32, #tpu.memory_space<vmem>>, vector<16xf32>,
        %swap3A_447 = arith.index_cast %add3A_444 : i32 to index
        %swap3A_448 = tpu.vector_load %arg17[%swap3A_447] {strides = array<i32>} : memref<3200xf32, #tpu.memory_space<vmem>>, vector<16xf32>,
        tpu.vector_store %arg17[%swap3A_447], %gather3A_410 {strides = array<i32>} : memref<3200xf32, #tpu.memory_space<vmem>>, vector<16xf32>,
        %sub3A_449 = arith.subf %get3A_415, %gather3A_409 : vector<16xf32>
        %mul3A_450 = arith.mulf %sub3A_449, %mul3A_440 : vector<16xf32>
        %swap3A_451 = arith.index_cast %add3A_444 : i32 to index
        %swap3A_452 = tpu.vector_load %arg18[%swap3A_451] {strides = array<i32>} : memref<3200xf32, #tpu.memory_space<vmem>>, vector<16xf32>,
        tpu.vector_store %arg18[%swap3A_451], %mul3A_450 {strides = array<i32>} : memref<3200xf32, #tpu.memory_space<vmem>>, vector<16xf32>,
        %scan3A_453 = arith.constant 1 : i32
        %scan3A_454 = arith.addi %scan3A_341, %scan3A_453 : i32
        %mul3A_455 = arith.constant 1 : i32
        %mul3A_456 = arith.muli %scan3A_454, %mul3A_455 : i32
        %add3A_457 = arith.constant 0 : i32
        %add3A_458 = arith.addi %add3A_457, %mul3A_456 : i32
        %mul3A_459 = arith.constant 2 : i32
        %mul3A_460 = arith.muli %mul3A_459, %add3A_458 : i32
        %add3A_461 = vector.broadcast %mul3A_460 : i32 to vector<16xi32>
        %add3A_462 = arith.addi %add3A_461, %select_n3A_45 : vector<16xi32>
        %jit3A_463 = arith.constant 8 : i32
        %div3A_464 = vector.broadcast %jit3A_463 : i32 to vector<16xi32>
        %div3A_465 = arith.divsi %add3A_462, %div3A_464 : vector<16xi32>
        %sign3A_466 = arith.constant 0 : i32
        %sign3A_467 = vector.broadcast %sign3A_466 : i32 to vector<16xi32>
        %sign3A_468 = arith.cmpi sgt, %add3A_462, %sign3A_467 : vector<16xi32>
        %sign3A_469 = arith.extui %sign3A_468 : vector<16xi1> to vector<16xi32>
        %sign3A_470 = arith.constant 0 : i32
        %sign3A_471 = vector.broadcast %sign3A_470 : i32 to vector<16xi32>
        %sign3A_472 = arith.cmpi slt, %add3A_462, %sign3A_471 : vector<16xi32>
        %sign3A_473 = arith.extui %sign3A_472 : vector<16xi1> to vector<16xi32>
        %sign3A_474 = arith.subi %sign3A_469, %sign3A_473 : vector<16xi32>
        %sign3A_475 = arith.constant 0 : i32
        %sign3A_476 = arith.cmpi sgt, %jit3A_463, %sign3A_475 : i32
        %sign3A_477 = arith.extui %sign3A_476 : i1 to i32
        %sign3A_478 = arith.constant 0 : i32
        %sign3A_479 = arith.cmpi slt, %jit3A_463, %sign3A_478 : i32
        %sign3A_480 = arith.extui %sign3A_479 : i1 to i32
        %sign3A_481 = arith.subi %sign3A_477, %sign3A_480 : i32
        %ne3A_482 = vector.broadcast %sign3A_481 : i32 to vector<16xi32>
        %ne3A_483 = arith.cmpi ne, %sign3A_474, %ne3A_482 : vector<16xi32>
        %rem3A_484 = vector.broadcast %jit3A_463 : i32 to vector<16xi32>
        %rem3A_485 = arith.remsi %add3A_462, %rem3A_484 : vector<16xi32>
        %ne3A_486 = arith.constant 0 : i32
        %ne3A_487 = vector.broadcast %ne3A_486 : i32 to vector<16xi32>
        %ne3A_488 = arith.cmpi ne, %rem3A_485, %ne3A_487 : vector<16xi32>
        %and3A_489 = arith.andi %ne3A_483, %ne3A_488 : vector<16xi1>
        %sub3A_490 = arith.constant 1 : i32
        %sub3A_491 = vector.broadcast %sub3A_490 : i32 to vector<16xi32>
        %sub3A_492 = arith.subi %div3A_465, %sub3A_491 : vector<16xi32>
        %select_n3A_493 = arith.select %and3A_489, %sub3A_492, %div3A_465 : vector<16xi1>, vector<16xi32>
        %jit3A_494 = arith.constant 8 : i32
        %eq3A_495 = arith.constant 0 : i32
        %eq3A_496 = arith.cmpi eq, %jit3A_494, %eq3A_495 : i32
        %jit3A_497 = arith.constant 1 : i32
        %select_n3A_498 = arith.select %eq3A_496, %jit3A_497, %jit3A_494 : i32
        %rem3A_499 = vector.broadcast %select_n3A_498 : i32 to vector<16xi32>
        %rem3A_500 = arith.remsi %add3A_462, %rem3A_499 : vector<16xi32>
        %ne3A_501 = arith.constant 0 : i32
        %ne3A_502 = vector.broadcast %ne3A_501 : i32 to vector<16xi32>
        %ne3A_503 = arith.cmpi ne, %rem3A_500, %ne3A_502 : vector<16xi32>
        %lt3A_504 = arith.constant 0 : i32
        %lt3A_505 = vector.broadcast %lt3A_504 : i32 to vector<16xi32>
        %lt3A_506 = arith.cmpi slt, %rem3A_500, %lt3A_505 : vector<16xi32>
        %lt3A_507 = arith.constant 0 : i32
        %lt3A_508 = arith.cmpi slt, %select_n3A_498, %lt3A_507 : i32
        %ne3A_509 = vector.broadcast %lt3A_508 : i1 to vector<16xi1>
        %ne3A_510 = vector.broadcast %ne3A_509 : vector<16xi1> to vector<16xi1>
        %ne3A_511 = arith.xori %lt3A_506, %ne3A_510 : vector<16xi1>
        %and3A_512 = arith.andi %ne3A_511, %ne3A_503 : vector<16xi1>
        %add3A_513 = vector.broadcast %select_n3A_498 : i32 to vector<16xi32>
        %add3A_514 = arith.addi %rem3A_500, %add3A_513 : vector<16xi32>
        %select_n3A_515 = arith.select %and3A_512, %add3A_514, %rem3A_500 : vector<16xi1>, vector<16xi32>
        %gather3A_516 = tpu.vector_load_idx %arg12[%select_n3A_493, %select_n3A_515, %broadcast_in_dim3A_277] : memref<25x8x128xi32, #tpu.memory_space<vmem>>[vector<16xi32>, vector<16xi32>, vector<16xi32>], vector<16xi32>,
        %shift_right_arithmetic3A_517 = arith.constant 7 : i32
        %shift_right_arithmetic3A_518 = vector.broadcast %shift_right_arithmetic3A_517 : i32 to vector<16xi32>
        %shift_right_arithmetic3A_519 = arith.shrsi %gather3A_516, %shift_right_arithmetic3A_518 : vector<16xi32>
        %and3A_520 = arith.constant 127 : i32
        %and3A_521 = vector.broadcast %and3A_520 : i32 to vector<16xi32>
        %and3A_522 = arith.andi %gather3A_516, %and3A_521 : vector<16xi32>
        %gather3A_523 = tpu.vector_load_idx %arg13[%broadcast_in_dim3A_279, %shift_right_arithmetic3A_519, %select_n3A_17, %and3A_522] : memref<2x16x8x128xf32, #tpu.memory_space<vmem>>[vector<16xi32>, vector<16xi32>, vector<16xi32>, vector<16xi32>], vector<16xf32>,
        %gather3A_524 = tpu.vector_load_idx %arg14[%broadcast_in_dim3A_279, %shift_right_arithmetic3A_519, %select_n3A_17, %and3A_522] : memref<2x16x8x128xf32, #tpu.memory_space<vmem>>[vector<16xi32>, vector<16xi32>, vector<16xi32>, vector<16xi32>], vector<16xf32>,
        %mul3A_525 = arith.constant 16 : i32
        %mul3A_526 = arith.muli %add3A_458, %mul3A_525 : i32
        %add3A_527 = arith.constant 1600 : i32
        %add3A_528 = arith.addi %add3A_527, %mul3A_526 : i32
        %get3A_529 = arith.index_cast %add3A_528 : i32 to index
        %get3A_530 = tpu.vector_load %arg15[%get3A_529] {strides = array<i32>} : memref<3200xf32, #tpu.memory_space<vmem>>, vector<16xf32>,
        %bitcast3A_531 = vector.bitcast %gather3A_524 : vector<16xf32> to vector<16xi32>
        %shift_right_arithmetic3A_532 = arith.constant 1 : i32
        %shift_right_arithmetic3A_533 = vector.broadcast %shift_right_arithmetic3A_532 : i32 to vector<16xi32>
        %shift_right_arithmetic3A_534 = arith.shrsi %bitcast3A_531, %shift_right_arithmetic3A_533 : vector<16xi32>
        %sub3A_535 = arith.constant 1597463007 : i32
        %sub3A_536 = vector.broadcast %sub3A_535 : i32 to vector<16xi32>
        %sub3A_537 = arith.subi %sub3A_536, %shift_right_arithmetic3A_534 : vector<16xi32>
        %bitcast3A_538 = vector.bitcast %sub3A_537 : vector<16xi32> to vector<16xf32>
        %mul3A_539 = arith.constant 5.000000e-01 : f32
        %mul3A_540 = vector.broadcast %mul3A_539 : f32 to vector<16xf32>
        %mul3A_541 = arith.mulf %mul3A_540, %gather3A_524 : vector<16xf32>
        %mul3A_542 = arith.mulf %mul3A_541, %bitcast3A_538 : vector<16xf32>
        %mul3A_543 = arith.mulf %mul3A_542, %bitcast3A_538 : vector<16xf32>
        %sub3A_544 = arith.constant 1.500000e+00 : f32
        %sub3A_545 = vector.broadcast %sub3A_544 : f32 to vector<16xf32>
        %sub3A_546 = arith.subf %sub3A_545, %mul3A_543 : vector<16xf32>
        %mul3A_547 = arith.mulf %bitcast3A_538, %sub3A_546 : vector<16xf32>
        %mul3A_548 = arith.constant 5.000000e-01 : f32
        %mul3A_549 = vector.broadcast %mul3A_548 : f32 to vector<16xf32>
        %mul3A_550 = arith.mulf %mul3A_549, %gather3A_524 : vector<16xf32>
        %mul3A_551 = arith.mulf %mul3A_550, %mul3A_547 : vector<16xf32>
        %mul3A_552 = arith.mulf %mul3A_551, %mul3A_547 : vector<16xf32>
        %sub3A_553 = arith.constant 1.500000e+00 : f32
        %sub3A_554 = vector.broadcast %sub3A_553 : f32 to vector<16xf32>
        %sub3A_555 = arith.subf %sub3A_554, %mul3A_552 : vector<16xf32>
        %mul3A_556 = arith.mulf %mul3A_547, %sub3A_555 : vector<16xf32>
        %mul3A_557 = arith.constant 16 : i32
        %mul3A_558 = arith.muli %add3A_458, %mul3A_557 : i32
        %add3A_559 = arith.constant 1600 : i32
        %add3A_560 = arith.addi %add3A_559, %mul3A_558 : i32
        %swap3A_561 = arith.index_cast %add3A_560 : i32 to index
        %swap3A_562 = tpu.vector_load %arg16[%swap3A_561] {strides = array<i32>} : memref<3200xf32, #tpu.memory_space<vmem>>, vector<16xf32>,
        tpu.vector_store %arg16[%swap3A_561], %gather3A_523 {strides = array<i32>} : memref<3200xf32, #tpu.memory_space<vmem>>, vector<16xf32>,
        %swap3A_563 = arith.index_cast %add3A_560 : i32 to index
        %swap3A_564 = tpu.vector_load %arg17[%swap3A_563] {strides = array<i32>} : memref<3200xf32, #tpu.memory_space<vmem>>, vector<16xf32>,
        tpu.vector_store %arg17[%swap3A_563], %gather3A_524 {strides = array<i32>} : memref<3200xf32, #tpu.memory_space<vmem>>, vector<16xf32>,
        %sub3A_565 = arith.subf %get3A_530, %gather3A_523 : vector<16xf32>
        %mul3A_566 = arith.mulf %sub3A_565, %mul3A_556 : vector<16xf32>
        %swap3A_567 = arith.index_cast %add3A_560 : i32 to index
        %swap3A_568 = tpu.vector_load %arg18[%swap3A_567] {strides = array<i32>} : memref<3200xf32, #tpu.memory_space<vmem>>, vector<16xf32>,
        tpu.vector_store %arg18[%swap3A_567], %mul3A_566 {strides = array<i32>} : memref<3200xf32, #tpu.memory_space<vmem>>, vector<16xf32>,
        %scan3A_569 = arith.constant 2 : i32
        %scan3A_570 = arith.addi %scan3A_341, %scan3A_569 : i32
        %mul3A_571 = arith.constant 1 : i32
        %mul3A_572 = arith.muli %scan3A_570, %mul3A_571 : i32
        %add3A_573 = arith.constant 0 : i32
        %add3A_574 = arith.addi %add3A_573, %mul3A_572 : i32
        %mul3A_575 = arith.constant 2 : i32
        %mul3A_576 = arith.muli %mul3A_575, %add3A_574 : i32
        %add3A_577 = vector.broadcast %mul3A_576 : i32 to vector<16xi32>
        %add3A_578 = arith.addi %add3A_577, %select_n3A_45 : vector<16xi32>
        %jit3A_579 = arith.constant 8 : i32
        %div3A_580 = vector.broadcast %jit3A_579 : i32 to vector<16xi32>
        %div3A_581 = arith.divsi %add3A_578, %div3A_580 : vector<16xi32>
        %sign3A_582 = arith.constant 0 : i32
        %sign3A_583 = vector.broadcast %sign3A_582 : i32 to vector<16xi32>
        %sign3A_584 = arith.cmpi sgt, %add3A_578, %sign3A_583 : vector<16xi32>
        %sign3A_585 = arith.extui %sign3A_584 : vector<16xi1> to vector<16xi32>
        %sign3A_586 = arith.constant 0 : i32
        %sign3A_587 = vector.broadcast %sign3A_586 : i32 to vector<16xi32>
        %sign3A_588 = arith.cmpi slt, %add3A_578, %sign3A_587 : vector<16xi32>
        %sign3A_589 = arith.extui %sign3A_588 : vector<16xi1> to vector<16xi32>
        %sign3A_590 = arith.subi %sign3A_585, %sign3A_589 : vector<16xi32>
        %sign3A_591 = arith.constant 0 : i32
        %sign3A_592 = arith.cmpi sgt, %jit3A_579, %sign3A_591 : i32
        %sign3A_593 = arith.extui %sign3A_592 : i1 to i32
        %sign3A_594 = arith.constant 0 : i32
        %sign3A_595 = arith.cmpi slt, %jit3A_579, %sign3A_594 : i32
        %sign3A_596 = arith.extui %sign3A_595 : i1 to i32
        %sign3A_597 = arith.subi %sign3A_593, %sign3A_596 : i32
        %ne3A_598 = vector.broadcast %sign3A_597 : i32 to vector<16xi32>
        %ne3A_599 = arith.cmpi ne, %sign3A_590, %ne3A_598 : vector<16xi32>
        %rem3A_600 = vector.broadcast %jit3A_579 : i32 to vector<16xi32>
        %rem3A_601 = arith.remsi %add3A_578, %rem3A_600 : vector<16xi32>
        %ne3A_602 = arith.constant 0 : i32
        %ne3A_603 = vector.broadcast %ne3A_602 : i32 to vector<16xi32>
        %ne3A_604 = arith.cmpi ne, %rem3A_601, %ne3A_603 : vector<16xi32>
        %and3A_605 = arith.andi %ne3A_599, %ne3A_604 : vector<16xi1>
        %sub3A_606 = arith.constant 1 : i32
        %sub3A_607 = vector.broadcast %sub3A_606 : i32 to vector<16xi32>
        %sub3A_608 = arith.subi %div3A_581, %sub3A_607 : vector<16xi32>
        %select_n3A_609 = arith.select %and3A_605, %sub3A_608, %div3A_581 : vector<16xi1>, vector<16xi32>
        %jit3A_610 = arith.constant 8 : i32
        %eq3A_611 = arith.constant 0 : i32
        %eq3A_612 = arith.cmpi eq, %jit3A_610, %eq3A_611 : i32
        %jit3A_613 = arith.constant 1 : i32
        %select_n3A_614 = arith.select %eq3A_612, %jit3A_613, %jit3A_610 : i32
        %rem3A_615 = vector.broadcast %select_n3A_614 : i32 to vector<16xi32>
        %rem3A_616 = arith.remsi %add3A_578, %rem3A_615 : vector<16xi32>
        %ne3A_617 = arith.constant 0 : i32
        %ne3A_618 = vector.broadcast %ne3A_617 : i32 to vector<16xi32>
        %ne3A_619 = arith.cmpi ne, %rem3A_616, %ne3A_618 : vector<16xi32>
        %lt3A_620 = arith.constant 0 : i32
        %lt3A_621 = vector.broadcast %lt3A_620 : i32 to vector<16xi32>
        %lt3A_622 = arith.cmpi slt, %rem3A_616, %lt3A_621 : vector<16xi32>
        %lt3A_623 = arith.constant 0 : i32
        %lt3A_624 = arith.cmpi slt, %select_n3A_614, %lt3A_623 : i32
        %ne3A_625 = vector.broadcast %lt3A_624 : i1 to vector<16xi1>
        %ne3A_626 = vector.broadcast %ne3A_625 : vector<16xi1> to vector<16xi1>
        %ne3A_627 = arith.xori %lt3A_622, %ne3A_626 : vector<16xi1>
        %and3A_628 = arith.andi %ne3A_627, %ne3A_619 : vector<16xi1>
        %add3A_629 = vector.broadcast %select_n3A_614 : i32 to vector<16xi32>
        %add3A_630 = arith.addi %rem3A_616, %add3A_629 : vector<16xi32>
        %select_n3A_631 = arith.select %and3A_628, %add3A_630, %rem3A_616 : vector<16xi1>, vector<16xi32>
        %gather3A_632 = tpu.vector_load_idx %arg12[%select_n3A_609, %select_n3A_631, %broadcast_in_dim3A_277] : memref<25x8x128xi32, #tpu.memory_space<vmem>>[vector<16xi32>, vector<16xi32>, vector<16xi32>], vector<16xi32>,
        %shift_right_arithmetic3A_633 = arith.constant 7 : i32
        %shift_right_arithmetic3A_634 = vector.broadcast %shift_right_arithmetic3A_633 : i32 to vector<16xi32>
        %shift_right_arithmetic3A_635 = arith.shrsi %gather3A_632, %shift_right_arithmetic3A_634 : vector<16xi32>
        %and3A_636 = arith.constant 127 : i32
        %and3A_637 = vector.broadcast %and3A_636 : i32 to vector<16xi32>
        %and3A_638 = arith.andi %gather3A_632, %and3A_637 : vector<16xi32>
        %gather3A_639 = tpu.vector_load_idx %arg13[%broadcast_in_dim3A_279, %shift_right_arithmetic3A_635, %select_n3A_17, %and3A_638] : memref<2x16x8x128xf32, #tpu.memory_space<vmem>>[vector<16xi32>, vector<16xi32>, vector<16xi32>, vector<16xi32>], vector<16xf32>,
        %gather3A_640 = tpu.vector_load_idx %arg14[%broadcast_in_dim3A_279, %shift_right_arithmetic3A_635, %select_n3A_17, %and3A_638] : memref<2x16x8x128xf32, #tpu.memory_space<vmem>>[vector<16xi32>, vector<16xi32>, vector<16xi32>, vector<16xi32>], vector<16xf32>,
        %mul3A_641 = arith.constant 16 : i32
        %mul3A_642 = arith.muli %add3A_574, %mul3A_641 : i32
        %add3A_643 = arith.constant 1600 : i32
        %add3A_644 = arith.addi %add3A_643, %mul3A_642 : i32
        %get3A_645 = arith.index_cast %add3A_644 : i32 to index
        %get3A_646 = tpu.vector_load %arg15[%get3A_645] {strides = array<i32>} : memref<3200xf32, #tpu.memory_space<vmem>>, vector<16xf32>,
        %bitcast3A_647 = vector.bitcast %gather3A_640 : vector<16xf32> to vector<16xi32>
        %shift_right_arithmetic3A_648 = arith.constant 1 : i32
        %shift_right_arithmetic3A_649 = vector.broadcast %shift_right_arithmetic3A_648 : i32 to vector<16xi32>
        %shift_right_arithmetic3A_650 = arith.shrsi %bitcast3A_647, %shift_right_arithmetic3A_649 : vector<16xi32>
        %sub3A_651 = arith.constant 1597463007 : i32
        %sub3A_652 = vector.broadcast %sub3A_651 : i32 to vector<16xi32>
        %sub3A_653 = arith.subi %sub3A_652, %shift_right_arithmetic3A_650 : vector<16xi32>
        %bitcast3A_654 = vector.bitcast %sub3A_653 : vector<16xi32> to vector<16xf32>
        %mul3A_655 = arith.constant 5.000000e-01 : f32
        %mul3A_656 = vector.broadcast %mul3A_655 : f32 to vector<16xf32>
        %mul3A_657 = arith.mulf %mul3A_656, %gather3A_640 : vector<16xf32>
        %mul3A_658 = arith.mulf %mul3A_657, %bitcast3A_654 : vector<16xf32>
        %mul3A_659 = arith.mulf %mul3A_658, %bitcast3A_654 : vector<16xf32>
        %sub3A_660 = arith.constant 1.500000e+00 : f32
        %sub3A_661 = vector.broadcast %sub3A_660 : f32 to vector<16xf32>
        %sub3A_662 = arith.subf %sub3A_661, %mul3A_659 : vector<16xf32>
        %mul3A_663 = arith.mulf %bitcast3A_654, %sub3A_662 : vector<16xf32>
        %mul3A_664 = arith.constant 5.000000e-01 : f32
        %mul3A_665 = vector.broadcast %mul3A_664 : f32 to vector<16xf32>
        %mul3A_666 = arith.mulf %mul3A_665, %gather3A_640 : vector<16xf32>
        %mul3A_667 = arith.mulf %mul3A_666, %mul3A_663 : vector<16xf32>
        %mul3A_668 = arith.mulf %mul3A_667, %mul3A_663 : vector<16xf32>
        %sub3A_669 = arith.constant 1.500000e+00 : f32
        %sub3A_670 = vector.broadcast %sub3A_669 : f32 to vector<16xf32>
        %sub3A_671 = arith.subf %sub3A_670, %mul3A_668 : vector<16xf32>
        %mul3A_672 = arith.mulf %mul3A_663, %sub3A_671 : vector<16xf32>
        %mul3A_673 = arith.constant 16 : i32
        %mul3A_674 = arith.muli %add3A_574, %mul3A_673 : i32
        %add3A_675 = arith.constant 1600 : i32
        %add3A_676 = arith.addi %add3A_675, %mul3A_674 : i32
        %swap3A_677 = arith.index_cast %add3A_676 : i32 to index
        %swap3A_678 = tpu.vector_load %arg16[%swap3A_677] {strides = array<i32>} : memref<3200xf32, #tpu.memory_space<vmem>>, vector<16xf32>,
        tpu.vector_store %arg16[%swap3A_677], %gather3A_639 {strides = array<i32>} : memref<3200xf32, #tpu.memory_space<vmem>>, vector<16xf32>,
        %swap3A_679 = arith.index_cast %add3A_676 : i32 to index
        %swap3A_680 = tpu.vector_load %arg17[%swap3A_679] {strides = array<i32>} : memref<3200xf32, #tpu.memory_space<vmem>>, vector<16xf32>,
        tpu.vector_store %arg17[%swap3A_679], %gather3A_640 {strides = array<i32>} : memref<3200xf32, #tpu.memory_space<vmem>>, vector<16xf32>,
        %sub3A_681 = arith.subf %get3A_646, %gather3A_639 : vector<16xf32>
        %mul3A_682 = arith.mulf %sub3A_681, %mul3A_672 : vector<16xf32>
        %swap3A_683 = arith.index_cast %add3A_676 : i32 to index
        %swap3A_684 = tpu.vector_load %arg18[%swap3A_683] {strides = array<i32>} : memref<3200xf32, #tpu.memory_space<vmem>>, vector<16xf32>,
        tpu.vector_store %arg18[%swap3A_683], %mul3A_682 {strides = array<i32>} : memref<3200xf32, #tpu.memory_space<vmem>>, vector<16xf32>,
        %scan3A_685 = arith.constant 3 : i32
        %scan3A_686 = arith.addi %scan3A_341, %scan3A_685 : i32
        %mul3A_687 = arith.constant 1 : i32
        %mul3A_688 = arith.muli %scan3A_686, %mul3A_687 : i32
        %add3A_689 = arith.constant 0 : i32
        %add3A_690 = arith.addi %add3A_689, %mul3A_688 : i32
        %mul3A_691 = arith.constant 2 : i32
        %mul3A_692 = arith.muli %mul3A_691, %add3A_690 : i32
        %add3A_693 = vector.broadcast %mul3A_692 : i32 to vector<16xi32>
        %add3A_694 = arith.addi %add3A_693, %select_n3A_45 : vector<16xi32>
        %jit3A_695 = arith.constant 8 : i32
        %div3A_696 = vector.broadcast %jit3A_695 : i32 to vector<16xi32>
        %div3A_697 = arith.divsi %add3A_694, %div3A_696 : vector<16xi32>
        %sign3A_698 = arith.constant 0 : i32
        %sign3A_699 = vector.broadcast %sign3A_698 : i32 to vector<16xi32>
        %sign3A_700 = arith.cmpi sgt, %add3A_694, %sign3A_699 : vector<16xi32>
        %sign3A_701 = arith.extui %sign3A_700 : vector<16xi1> to vector<16xi32>
        %sign3A_702 = arith.constant 0 : i32
        %sign3A_703 = vector.broadcast %sign3A_702 : i32 to vector<16xi32>
        %sign3A_704 = arith.cmpi slt, %add3A_694, %sign3A_703 : vector<16xi32>
        %sign3A_705 = arith.extui %sign3A_704 : vector<16xi1> to vector<16xi32>
        %sign3A_706 = arith.subi %sign3A_701, %sign3A_705 : vector<16xi32>
        %sign3A_707 = arith.constant 0 : i32
        %sign3A_708 = arith.cmpi sgt, %jit3A_695, %sign3A_707 : i32
        %sign3A_709 = arith.extui %sign3A_708 : i1 to i32
        %sign3A_710 = arith.constant 0 : i32
        %sign3A_711 = arith.cmpi slt, %jit3A_695, %sign3A_710 : i32
        %sign3A_712 = arith.extui %sign3A_711 : i1 to i32
        %sign3A_713 = arith.subi %sign3A_709, %sign3A_712 : i32
        %ne3A_714 = vector.broadcast %sign3A_713 : i32 to vector<16xi32>
        %ne3A_715 = arith.cmpi ne, %sign3A_706, %ne3A_714 : vector<16xi32>
        %rem3A_716 = vector.broadcast %jit3A_695 : i32 to vector<16xi32>
        %rem3A_717 = arith.remsi %add3A_694, %rem3A_716 : vector<16xi32>
        %ne3A_718 = arith.constant 0 : i32
        %ne3A_719 = vector.broadcast %ne3A_718 : i32 to vector<16xi32>
        %ne3A_720 = arith.cmpi ne, %rem3A_717, %ne3A_719 : vector<16xi32>
        %and3A_721 = arith.andi %ne3A_715, %ne3A_720 : vector<16xi1>
        %sub3A_722 = arith.constant 1 : i32
        %sub3A_723 = vector.broadcast %sub3A_722 : i32 to vector<16xi32>
        %sub3A_724 = arith.subi %div3A_697, %sub3A_723 : vector<16xi32>
        %select_n3A_725 = arith.select %and3A_721, %sub3A_724, %div3A_697 : vector<16xi1>, vector<16xi32>
        %jit3A_726 = arith.constant 8 : i32
        %eq3A_727 = arith.constant 0 : i32
        %eq3A_728 = arith.cmpi eq, %jit3A_726, %eq3A_727 : i32
        %jit3A_729 = arith.constant 1 : i32
        %select_n3A_730 = arith.select %eq3A_728, %jit3A_729, %jit3A_726 : i32
        %rem3A_731 = vector.broadcast %select_n3A_730 : i32 to vector<16xi32>
        %rem3A_732 = arith.remsi %add3A_694, %rem3A_731 : vector<16xi32>
        %ne3A_733 = arith.constant 0 : i32
        %ne3A_734 = vector.broadcast %ne3A_733 : i32 to vector<16xi32>
        %ne3A_735 = arith.cmpi ne, %rem3A_732, %ne3A_734 : vector<16xi32>
        %lt3A_736 = arith.constant 0 : i32
        %lt3A_737 = vector.broadcast %lt3A_736 : i32 to vector<16xi32>
        %lt3A_738 = arith.cmpi slt, %rem3A_732, %lt3A_737 : vector<16xi32>
        %lt3A_739 = arith.constant 0 : i32
        %lt3A_740 = arith.cmpi slt, %select_n3A_730, %lt3A_739 : i32
        %ne3A_741 = vector.broadcast %lt3A_740 : i1 to vector<16xi1>
        %ne3A_742 = vector.broadcast %ne3A_741 : vector<16xi1> to vector<16xi1>
        %ne3A_743 = arith.xori %lt3A_738, %ne3A_742 : vector<16xi1>
        %and3A_744 = arith.andi %ne3A_743, %ne3A_735 : vector<16xi1>
        %add3A_745 = vector.broadcast %select_n3A_730 : i32 to vector<16xi32>
        %add3A_746 = arith.addi %rem3A_732, %add3A_745 : vector<16xi32>
        %select_n3A_747 = arith.select %and3A_744, %add3A_746, %rem3A_732 : vector<16xi1>, vector<16xi32>
        %gather3A_748 = tpu.vector_load_idx %arg12[%select_n3A_725, %select_n3A_747, %broadcast_in_dim3A_277] : memref<25x8x128xi32, #tpu.memory_space<vmem>>[vector<16xi32>, vector<16xi32>, vector<16xi32>], vector<16xi32>,
        %shift_right_arithmetic3A_749 = arith.constant 7 : i32
        %shift_right_arithmetic3A_750 = vector.broadcast %shift_right_arithmetic3A_749 : i32 to vector<16xi32>
        %shift_right_arithmetic3A_751 = arith.shrsi %gather3A_748, %shift_right_arithmetic3A_750 : vector<16xi32>
        %and3A_752 = arith.constant 127 : i32
        %and3A_753 = vector.broadcast %and3A_752 : i32 to vector<16xi32>
        %and3A_754 = arith.andi %gather3A_748, %and3A_753 : vector<16xi32>
        %gather3A_755 = tpu.vector_load_idx %arg13[%broadcast_in_dim3A_279, %shift_right_arithmetic3A_751, %select_n3A_17, %and3A_754] : memref<2x16x8x128xf32, #tpu.memory_space<vmem>>[vector<16xi32>, vector<16xi32>, vector<16xi32>, vector<16xi32>], vector<16xf32>,
        %gather3A_756 = tpu.vector_load_idx %arg14[%broadcast_in_dim3A_279, %shift_right_arithmetic3A_751, %select_n3A_17, %and3A_754] : memref<2x16x8x128xf32, #tpu.memory_space<vmem>>[vector<16xi32>, vector<16xi32>, vector<16xi32>, vector<16xi32>], vector<16xf32>,
        %mul3A_757 = arith.constant 16 : i32
        %mul3A_758 = arith.muli %add3A_690, %mul3A_757 : i32
        %add3A_759 = arith.constant 1600 : i32
        %add3A_760 = arith.addi %add3A_759, %mul3A_758 : i32
        %get3A_761 = arith.index_cast %add3A_760 : i32 to index
        %get3A_762 = tpu.vector_load %arg15[%get3A_761] {strides = array<i32>} : memref<3200xf32, #tpu.memory_space<vmem>>, vector<16xf32>,
        %bitcast3A_763 = vector.bitcast %gather3A_756 : vector<16xf32> to vector<16xi32>
        %shift_right_arithmetic3A_764 = arith.constant 1 : i32
        %shift_right_arithmetic3A_765 = vector.broadcast %shift_right_arithmetic3A_764 : i32 to vector<16xi32>
        %shift_right_arithmetic3A_766 = arith.shrsi %bitcast3A_763, %shift_right_arithmetic3A_765 : vector<16xi32>
        %sub3A_767 = arith.constant 1597463007 : i32
        %sub3A_768 = vector.broadcast %sub3A_767 : i32 to vector<16xi32>
        %sub3A_769 = arith.subi %sub3A_768, %shift_right_arithmetic3A_766 : vector<16xi32>
        %bitcast3A_770 = vector.bitcast %sub3A_769 : vector<16xi32> to vector<16xf32>
        %mul3A_771 = arith.constant 5.000000e-01 : f32
        %mul3A_772 = vector.broadcast %mul3A_771 : f32 to vector<16xf32>
        %mul3A_773 = arith.mulf %mul3A_772, %gather3A_756 : vector<16xf32>
        %mul3A_774 = arith.mulf %mul3A_773, %bitcast3A_770 : vector<16xf32>
        %mul3A_775 = arith.mulf %mul3A_774, %bitcast3A_770 : vector<16xf32>
        %sub3A_776 = arith.constant 1.500000e+00 : f32
        %sub3A_777 = vector.broadcast %sub3A_776 : f32 to vector<16xf32>
        %sub3A_778 = arith.subf %sub3A_777, %mul3A_775 : vector<16xf32>
        %mul3A_779 = arith.mulf %bitcast3A_770, %sub3A_778 : vector<16xf32>
        %mul3A_780 = arith.constant 5.000000e-01 : f32
        %mul3A_781 = vector.broadcast %mul3A_780 : f32 to vector<16xf32>
        %mul3A_782 = arith.mulf %mul3A_781, %gather3A_756 : vector<16xf32>
        %mul3A_783 = arith.mulf %mul3A_782, %mul3A_779 : vector<16xf32>
        %mul3A_784 = arith.mulf %mul3A_783, %mul3A_779 : vector<16xf32>
        %sub3A_785 = arith.constant 1.500000e+00 : f32
        %sub3A_786 = vector.broadcast %sub3A_785 : f32 to vector<16xf32>
        %sub3A_787 = arith.subf %sub3A_786, %mul3A_784 : vector<16xf32>
        %mul3A_788 = arith.mulf %mul3A_779, %sub3A_787 : vector<16xf32>
        %mul3A_789 = arith.constant 16 : i32
        %mul3A_790 = arith.muli %add3A_690, %mul3A_789 : i32
        %add3A_791 = arith.constant 1600 : i32
        %add3A_792 = arith.addi %add3A_791, %mul3A_790 : i32
        %swap3A_793 = arith.index_cast %add3A_792 : i32 to index
        %swap3A_794 = tpu.vector_load %arg16[%swap3A_793] {strides = array<i32>} : memref<3200xf32, #tpu.memory_space<vmem>>, vector<16xf32>,
        tpu.vector_store %arg16[%swap3A_793], %gather3A_755 {strides = array<i32>} : memref<3200xf32, #tpu.memory_space<vmem>>, vector<16xf32>,
        %swap3A_795 = arith.index_cast %add3A_792 : i32 to index
        %swap3A_796 = tpu.vector_load %arg17[%swap3A_795] {strides = array<i32>} : memref<3200xf32, #tpu.memory_space<vmem>>, vector<16xf32>,
        tpu.vector_store %arg17[%swap3A_795], %gather3A_756 {strides = array<i32>} : memref<3200xf32, #tpu.memory_space<vmem>>, vector<16xf32>,
        %sub3A_797 = arith.subf %get3A_762, %gather3A_755 : vector<16xf32>
        %mul3A_798 = arith.mulf %sub3A_797, %mul3A_788 : vector<16xf32>
        %swap3A_799 = arith.index_cast %add3A_792 : i32 to index
        %swap3A_800 = tpu.vector_load %arg18[%swap3A_799] {strides = array<i32>} : memref<3200xf32, #tpu.memory_space<vmem>>, vector<16xf32>,
        tpu.vector_store %arg18[%swap3A_799], %mul3A_798 {strides = array<i32>} : memref<3200xf32, #tpu.memory_space<vmem>>, vector<16xf32>,
        %scan3A_801 = arith.constant 4 : i32
        %scan3A_802 = arith.addi %scan3A_341, %scan3A_801 : i32
        %mul3A_803 = arith.constant 1 : i32
        %mul3A_804 = arith.muli %scan3A_802, %mul3A_803 : i32
        %add3A_805 = arith.constant 0 : i32
        %add3A_806 = arith.addi %add3A_805, %mul3A_804 : i32
        %mul3A_807 = arith.constant 2 : i32
        %mul3A_808 = arith.muli %mul3A_807, %add3A_806 : i32
        %add3A_809 = vector.broadcast %mul3A_808 : i32 to vector<16xi32>
        %add3A_810 = arith.addi %add3A_809, %select_n3A_45 : vector<16xi32>
        %jit3A_811 = arith.constant 8 : i32
        %div3A_812 = vector.broadcast %jit3A_811 : i32 to vector<16xi32>
        %div3A_813 = arith.divsi %add3A_810, %div3A_812 : vector<16xi32>
        %sign3A_814 = arith.constant 0 : i32
        %sign3A_815 = vector.broadcast %sign3A_814 : i32 to vector<16xi32>
        %sign3A_816 = arith.cmpi sgt, %add3A_810, %sign3A_815 : vector<16xi32>
        %sign3A_817 = arith.extui %sign3A_816 : vector<16xi1> to vector<16xi32>
        %sign3A_818 = arith.constant 0 : i32
        %sign3A_819 = vector.broadcast %sign3A_818 : i32 to vector<16xi32>
        %sign3A_820 = arith.cmpi slt, %add3A_810, %sign3A_819 : vector<16xi32>
        %sign3A_821 = arith.extui %sign3A_820 : vector<16xi1> to vector<16xi32>
        %sign3A_822 = arith.subi %sign3A_817, %sign3A_821 : vector<16xi32>
        %sign3A_823 = arith.constant 0 : i32
        %sign3A_824 = arith.cmpi sgt, %jit3A_811, %sign3A_823 : i32
        %sign3A_825 = arith.extui %sign3A_824 : i1 to i32
        %sign3A_826 = arith.constant 0 : i32
        %sign3A_827 = arith.cmpi slt, %jit3A_811, %sign3A_826 : i32
        %sign3A_828 = arith.extui %sign3A_827 : i1 to i32
        %sign3A_829 = arith.subi %sign3A_825, %sign3A_828 : i32
        %ne3A_830 = vector.broadcast %sign3A_829 : i32 to vector<16xi32>
        %ne3A_831 = arith.cmpi ne, %sign3A_822, %ne3A_830 : vector<16xi32>
        %rem3A_832 = vector.broadcast %jit3A_811 : i32 to vector<16xi32>
        %rem3A_833 = arith.remsi %add3A_810, %rem3A_832 : vector<16xi32>
        %ne3A_834 = arith.constant 0 : i32
        %ne3A_835 = vector.broadcast %ne3A_834 : i32 to vector<16xi32>
        %ne3A_836 = arith.cmpi ne, %rem3A_833, %ne3A_835 : vector<16xi32>
        %and3A_837 = arith.andi %ne3A_831, %ne3A_836 : vector<16xi1>
        %sub3A_838 = arith.constant 1 : i32
        %sub3A_839 = vector.broadcast %sub3A_838 : i32 to vector<16xi32>
        %sub3A_840 = arith.subi %div3A_813, %sub3A_839 : vector<16xi32>
        %select_n3A_841 = arith.select %and3A_837, %sub3A_840, %div3A_813 : vector<16xi1>, vector<16xi32>
        %jit3A_842 = arith.constant 8 : i32
        %eq3A_843 = arith.constant 0 : i32
        %eq3A_844 = arith.cmpi eq, %jit3A_842, %eq3A_843 : i32
        %jit3A_845 = arith.constant 1 : i32
        %select_n3A_846 = arith.select %eq3A_844, %jit3A_845, %jit3A_842 : i32
        %rem3A_847 = vector.broadcast %select_n3A_846 : i32 to vector<16xi32>
        %rem3A_848 = arith.remsi %add3A_810, %rem3A_847 : vector<16xi32>
        %ne3A_849 = arith.constant 0 : i32
        %ne3A_850 = vector.broadcast %ne3A_849 : i32 to vector<16xi32>
        %ne3A_851 = arith.cmpi ne, %rem3A_848, %ne3A_850 : vector<16xi32>
        %lt3A_852 = arith.constant 0 : i32
        %lt3A_853 = vector.broadcast %lt3A_852 : i32 to vector<16xi32>
        %lt3A_854 = arith.cmpi slt, %rem3A_848, %lt3A_853 : vector<16xi32>
        %lt3A_855 = arith.constant 0 : i32
        %lt3A_856 = arith.cmpi slt, %select_n3A_846, %lt3A_855 : i32
        %ne3A_857 = vector.broadcast %lt3A_856 : i1 to vector<16xi1>
        %ne3A_858 = vector.broadcast %ne3A_857 : vector<16xi1> to vector<16xi1>
        %ne3A_859 = arith.xori %lt3A_854, %ne3A_858 : vector<16xi1>
        %and3A_860 = arith.andi %ne3A_859, %ne3A_851 : vector<16xi1>
        %add3A_861 = vector.broadcast %select_n3A_846 : i32 to vector<16xi32>
        %add3A_862 = arith.addi %rem3A_848, %add3A_861 : vector<16xi32>
        %select_n3A_863 = arith.select %and3A_860, %add3A_862, %rem3A_848 : vector<16xi1>, vector<16xi32>
        %gather3A_864 = tpu.vector_load_idx %arg12[%select_n3A_841, %select_n3A_863, %broadcast_in_dim3A_277] : memref<25x8x128xi32, #tpu.memory_space<vmem>>[vector<16xi32>, vector<16xi32>, vector<16xi32>], vector<16xi32>,
        %shift_right_arithmetic3A_865 = arith.constant 7 : i32
        %shift_right_arithmetic3A_866 = vector.broadcast %shift_right_arithmetic3A_865 : i32 to vector<16xi32>
        %shift_right_arithmetic3A_867 = arith.shrsi %gather3A_864, %shift_right_arithmetic3A_866 : vector<16xi32>
        %and3A_868 = arith.constant 127 : i32
        %and3A_869 = vector.broadcast %and3A_868 : i32 to vector<16xi32>
        %and3A_870 = arith.andi %gather3A_864, %and3A_869 : vector<16xi32>
        %gather3A_871 = tpu.vector_load_idx %arg13[%broadcast_in_dim3A_279, %shift_right_arithmetic3A_867, %select_n3A_17, %and3A_870] : memref<2x16x8x128xf32, #tpu.memory_space<vmem>>[vector<16xi32>, vector<16xi32>, vector<16xi32>, vector<16xi32>], vector<16xf32>,
        %gather3A_872 = tpu.vector_load_idx %arg14[%broadcast_in_dim3A_279, %shift_right_arithmetic3A_867, %select_n3A_17, %and3A_870] : memref<2x16x8x128xf32, #tpu.memory_space<vmem>>[vector<16xi32>, vector<16xi32>, vector<16xi32>, vector<16xi32>], vector<16xf32>,
        %mul3A_873 = arith.constant 16 : i32
        %mul3A_874 = arith.muli %add3A_806, %mul3A_873 : i32
        %add3A_875 = arith.constant 1600 : i32
        %add3A_876 = arith.addi %add3A_875, %mul3A_874 : i32
        %get3A_877 = arith.index_cast %add3A_876 : i32 to index
        %get3A_878 = tpu.vector_load %arg15[%get3A_877] {strides = array<i32>} : memref<3200xf32, #tpu.memory_space<vmem>>, vector<16xf32>,
        %bitcast3A_879 = vector.bitcast %gather3A_872 : vector<16xf32> to vector<16xi32>
        %shift_right_arithmetic3A_880 = arith.constant 1 : i32
        %shift_right_arithmetic3A_881 = vector.broadcast %shift_right_arithmetic3A_880 : i32 to vector<16xi32>
        %shift_right_arithmetic3A_882 = arith.shrsi %bitcast3A_879, %shift_right_arithmetic3A_881 : vector<16xi32>
        %sub3A_883 = arith.constant 1597463007 : i32
        %sub3A_884 = vector.broadcast %sub3A_883 : i32 to vector<16xi32>
        %sub3A_885 = arith.subi %sub3A_884, %shift_right_arithmetic3A_882 : vector<16xi32>
        %bitcast3A_886 = vector.bitcast %sub3A_885 : vector<16xi32> to vector<16xf32>
        %mul3A_887 = arith.constant 5.000000e-01 : f32
        %mul3A_888 = vector.broadcast %mul3A_887 : f32 to vector<16xf32>
        %mul3A_889 = arith.mulf %mul3A_888, %gather3A_872 : vector<16xf32>
        %mul3A_890 = arith.mulf %mul3A_889, %bitcast3A_886 : vector<16xf32>
        %mul3A_891 = arith.mulf %mul3A_890, %bitcast3A_886 : vector<16xf32>
        %sub3A_892 = arith.constant 1.500000e+00 : f32
        %sub3A_893 = vector.broadcast %sub3A_892 : f32 to vector<16xf32>
        %sub3A_894 = arith.subf %sub3A_893, %mul3A_891 : vector<16xf32>
        %mul3A_895 = arith.mulf %bitcast3A_886, %sub3A_894 : vector<16xf32>
        %mul3A_896 = arith.constant 5.000000e-01 : f32
        %mul3A_897 = vector.broadcast %mul3A_896 : f32 to vector<16xf32>
        %mul3A_898 = arith.mulf %mul3A_897, %gather3A_872 : vector<16xf32>
        %mul3A_899 = arith.mulf %mul3A_898, %mul3A_895 : vector<16xf32>
        %mul3A_900 = arith.mulf %mul3A_899, %mul3A_895 : vector<16xf32>
        %sub3A_901 = arith.constant 1.500000e+00 : f32
        %sub3A_902 = vector.broadcast %sub3A_901 : f32 to vector<16xf32>
        %sub3A_903 = arith.subf %sub3A_902, %mul3A_900 : vector<16xf32>
        %mul3A_904 = arith.mulf %mul3A_895, %sub3A_903 : vector<16xf32>
        %mul3A_905 = arith.constant 16 : i32
        %mul3A_906 = arith.muli %add3A_806, %mul3A_905 : i32
        %add3A_907 = arith.constant 1600 : i32
        %add3A_908 = arith.addi %add3A_907, %mul3A_906 : i32
        %swap3A_909 = arith.index_cast %add3A_908 : i32 to index
        %swap3A_910 = tpu.vector_load %arg16[%swap3A_909] {strides = array<i32>} : memref<3200xf32, #tpu.memory_space<vmem>>, vector<16xf32>,
        tpu.vector_store %arg16[%swap3A_909], %gather3A_871 {strides = array<i32>} : memref<3200xf32, #tpu.memory_space<vmem>>, vector<16xf32>,
        %swap3A_911 = arith.index_cast %add3A_908 : i32 to index
        %swap3A_912 = tpu.vector_load %arg17[%swap3A_911] {strides = array<i32>} : memref<3200xf32, #tpu.memory_space<vmem>>, vector<16xf32>,
        tpu.vector_store %arg17[%swap3A_911], %gather3A_872 {strides = array<i32>} : memref<3200xf32, #tpu.memory_space<vmem>>, vector<16xf32>,
        %sub3A_913 = arith.subf %get3A_878, %gather3A_871 : vector<16xf32>
        %mul3A_914 = arith.mulf %sub3A_913, %mul3A_904 : vector<16xf32>
        %swap3A_915 = arith.index_cast %add3A_908 : i32 to index
        %swap3A_916 = tpu.vector_load %arg18[%swap3A_915] {strides = array<i32>} : memref<3200xf32, #tpu.memory_space<vmem>>, vector<16xf32>,
        tpu.vector_store %arg18[%swap3A_915], %mul3A_914 {strides = array<i32>} : memref<3200xf32, #tpu.memory_space<vmem>>, vector<16xf32>,
        %scan3A_917 = arith.constant 5 : i32
        %scan3A_918 = arith.addi %scan3A_341, %scan3A_917 : i32
        %mul3A_919 = arith.constant 1 : i32
        %mul3A_920 = arith.muli %scan3A_918, %mul3A_919 : i32
        %add3A_921 = arith.constant 0 : i32
        %add3A_922 = arith.addi %add3A_921, %mul3A_920 : i32
        %mul3A_923 = arith.constant 2 : i32
        %mul3A_924 = arith.muli %mul3A_923, %add3A_922 : i32
        %add3A_925 = vector.broadcast %mul3A_924 : i32 to vector<16xi32>
        %add3A_926 = arith.addi %add3A_925, %select_n3A_45 : vector<16xi32>
        %jit3A_927 = arith.constant 8 : i32
        %div3A_928 = vector.broadcast %jit3A_927 : i32 to vector<16xi32>
        %div3A_929 = arith.divsi %add3A_926, %div3A_928 : vector<16xi32>
        %sign3A_930 = arith.constant 0 : i32
        %sign3A_931 = vector.broadcast %sign3A_930 : i32 to vector<16xi32>
        %sign3A_932 = arith.cmpi sgt, %add3A_926, %sign3A_931 : vector<16xi32>
        %sign3A_933 = arith.extui %sign3A_932 : vector<16xi1> to vector<16xi32>
        %sign3A_934 = arith.constant 0 : i32
        %sign3A_935 = vector.broadcast %sign3A_934 : i32 to vector<16xi32>
        %sign3A_936 = arith.cmpi slt, %add3A_926, %sign3A_935 : vector<16xi32>
        %sign3A_937 = arith.extui %sign3A_936 : vector<16xi1> to vector<16xi32>
        %sign3A_938 = arith.subi %sign3A_933, %sign3A_937 : vector<16xi32>
        %sign3A_939 = arith.constant 0 : i32
        %sign3A_940 = arith.cmpi sgt, %jit3A_927, %sign3A_939 : i32
        %sign3A_941 = arith.extui %sign3A_940 : i1 to i32
        %sign3A_942 = arith.constant 0 : i32
        %sign3A_943 = arith.cmpi slt, %jit3A_927, %sign3A_942 : i32
        %sign3A_944 = arith.extui %sign3A_943 : i1 to i32
        %sign3A_945 = arith.subi %sign3A_941, %sign3A_944 : i32
        %ne3A_946 = vector.broadcast %sign3A_945 : i32 to vector<16xi32>
        %ne3A_947 = arith.cmpi ne, %sign3A_938, %ne3A_946 : vector<16xi32>
        %rem3A_948 = vector.broadcast %jit3A_927 : i32 to vector<16xi32>
        %rem3A_949 = arith.remsi %add3A_926, %rem3A_948 : vector<16xi32>
        %ne3A_950 = arith.constant 0 : i32
        %ne3A_951 = vector.broadcast %ne3A_950 : i32 to vector<16xi32>
        %ne3A_952 = arith.cmpi ne, %rem3A_949, %ne3A_951 : vector<16xi32>
        %and3A_953 = arith.andi %ne3A_947, %ne3A_952 : vector<16xi1>
        %sub3A_954 = arith.constant 1 : i32
        %sub3A_955 = vector.broadcast %sub3A_954 : i32 to vector<16xi32>
        %sub3A_956 = arith.subi %div3A_929, %sub3A_955 : vector<16xi32>
        %select_n3A_957 = arith.select %and3A_953, %sub3A_956, %div3A_929 : vector<16xi1>, vector<16xi32>
        %jit3A_958 = arith.constant 8 : i32
        %eq3A_959 = arith.constant 0 : i32
        %eq3A_960 = arith.cmpi eq, %jit3A_958, %eq3A_959 : i32
        %jit3A_961 = arith.constant 1 : i32
        %select_n3A_962 = arith.select %eq3A_960, %jit3A_961, %jit3A_958 : i32
        %rem3A_963 = vector.broadcast %select_n3A_962 : i32 to vector<16xi32>
        %rem3A_964 = arith.remsi %add3A_926, %rem3A_963 : vector<16xi32>
        %ne3A_965 = arith.constant 0 : i32
        %ne3A_966 = vector.broadcast %ne3A_965 : i32 to vector<16xi32>
        %ne3A_967 = arith.cmpi ne, %rem3A_964, %ne3A_966 : vector<16xi32>
        %lt3A_968 = arith.constant 0 : i32
        %lt3A_969 = vector.broadcast %lt3A_968 : i32 to vector<16xi32>
        %lt3A_970 = arith.cmpi slt, %rem3A_964, %lt3A_969 : vector<16xi32>
        %lt3A_971 = arith.constant 0 : i32
        %lt3A_972 = arith.cmpi slt, %select_n3A_962, %lt3A_971 : i32
        %ne3A_973 = vector.broadcast %lt3A_972 : i1 to vector<16xi1>
        %ne3A_974 = vector.broadcast %ne3A_973 : vector<16xi1> to vector<16xi1>
        %ne3A_975 = arith.xori %lt3A_970, %ne3A_974 : vector<16xi1>
        %and3A_976 = arith.andi %ne3A_975, %ne3A_967 : vector<16xi1>
        %add3A_977 = vector.broadcast %select_n3A_962 : i32 to vector<16xi32>
        %add3A_978 = arith.addi %rem3A_964, %add3A_977 : vector<16xi32>
        %select_n3A_979 = arith.select %and3A_976, %add3A_978, %rem3A_964 : vector<16xi1>, vector<16xi32>
        %gather3A_980 = tpu.vector_load_idx %arg12[%select_n3A_957, %select_n3A_979, %broadcast_in_dim3A_277] : memref<25x8x128xi32, #tpu.memory_space<vmem>>[vector<16xi32>, vector<16xi32>, vector<16xi32>], vector<16xi32>,
        %shift_right_arithmetic3A_981 = arith.constant 7 : i32
        %shift_right_arithmetic3A_982 = vector.broadcast %shift_right_arithmetic3A_981 : i32 to vector<16xi32>
        %shift_right_arithmetic3A_983 = arith.shrsi %gather3A_980, %shift_right_arithmetic3A_982 : vector<16xi32>
        %and3A_984 = arith.constant 127 : i32
        %and3A_985 = vector.broadcast %and3A_984 : i32 to vector<16xi32>
        %and3A_986 = arith.andi %gather3A_980, %and3A_985 : vector<16xi32>
        %gather3A_987 = tpu.vector_load_idx %arg13[%broadcast_in_dim3A_279, %shift_right_arithmetic3A_983, %select_n3A_17, %and3A_986] : memref<2x16x8x128xf32, #tpu.memory_space<vmem>>[vector<16xi32>, vector<16xi32>, vector<16xi32>, vector<16xi32>], vector<16xf32>,
        %gather3A_988 = tpu.vector_load_idx %arg14[%broadcast_in_dim3A_279, %shift_right_arithmetic3A_983, %select_n3A_17, %and3A_986] : memref<2x16x8x128xf32, #tpu.memory_space<vmem>>[vector<16xi32>, vector<16xi32>, vector<16xi32>, vector<16xi32>], vector<16xf32>,
        %mul3A_989 = arith.constant 16 : i32
        %mul3A_990 = arith.muli %add3A_922, %mul3A_989 : i32
        %add3A_991 = arith.constant 1600 : i32
        %add3A_992 = arith.addi %add3A_991, %mul3A_990 : i32
        %get3A_993 = arith.index_cast %add3A_992 : i32 to index
        %get3A_994 = tpu.vector_load %arg15[%get3A_993] {strides = array<i32>} : memref<3200xf32, #tpu.memory_space<vmem>>, vector<16xf32>,
        %bitcast3A_995 = vector.bitcast %gather3A_988 : vector<16xf32> to vector<16xi32>
        %shift_right_arithmetic3A_996 = arith.constant 1 : i32
        %shift_right_arithmetic3A_997 = vector.broadcast %shift_right_arithmetic3A_996 : i32 to vector<16xi32>
        %shift_right_arithmetic3A_998 = arith.shrsi %bitcast3A_995, %shift_right_arithmetic3A_997 : vector<16xi32>
        %sub3A_999 = arith.constant 1597463007 : i32
        %sub3A_1000 = vector.broadcast %sub3A_999 : i32 to vector<16xi32>
        %sub3A_1001 = arith.subi %sub3A_1000, %shift_right_arithmetic3A_998 : vector<16xi32>
        %bitcast3A_1002 = vector.bitcast %sub3A_1001 : vector<16xi32> to vector<16xf32>
        %mul3A_1003 = arith.constant 5.000000e-01 : f32
        %mul3A_1004 = vector.broadcast %mul3A_1003 : f32 to vector<16xf32>
        %mul3A_1005 = arith.mulf %mul3A_1004, %gather3A_988 : vector<16xf32>
        %mul3A_1006 = arith.mulf %mul3A_1005, %bitcast3A_1002 : vector<16xf32>
        %mul3A_1007 = arith.mulf %mul3A_1006, %bitcast3A_1002 : vector<16xf32>
        %sub3A_1008 = arith.constant 1.500000e+00 : f32
        %sub3A_1009 = vector.broadcast %sub3A_1008 : f32 to vector<16xf32>
        %sub3A_1010 = arith.subf %sub3A_1009, %mul3A_1007 : vector<16xf32>
        %mul3A_1011 = arith.mulf %bitcast3A_1002, %sub3A_1010 : vector<16xf32>
        %mul3A_1012 = arith.constant 5.000000e-01 : f32
        %mul3A_1013 = vector.broadcast %mul3A_1012 : f32 to vector<16xf32>
        %mul3A_1014 = arith.mulf %mul3A_1013, %gather3A_988 : vector<16xf32>
        %mul3A_1015 = arith.mulf %mul3A_1014, %mul3A_1011 : vector<16xf32>
        %mul3A_1016 = arith.mulf %mul3A_1015, %mul3A_1011 : vector<16xf32>
        %sub3A_1017 = arith.constant 1.500000e+00 : f32
        %sub3A_1018 = vector.broadcast %sub3A_1017 : f32 to vector<16xf32>
        %sub3A_1019 = arith.subf %sub3A_1018, %mul3A_1016 : vector<16xf32>
        %mul3A_1020 = arith.mulf %mul3A_1011, %sub3A_1019 : vector<16xf32>
        %mul3A_1021 = arith.constant 16 : i32
        %mul3A_1022 = arith.muli %add3A_922, %mul3A_1021 : i32
        %add3A_1023 = arith.constant 1600 : i32
        %add3A_1024 = arith.addi %add3A_1023, %mul3A_1022 : i32
        %swap3A_1025 = arith.index_cast %add3A_1024 : i32 to index
        %swap3A_1026 = tpu.vector_load %arg16[%swap3A_1025] {strides = array<i32>} : memref<3200xf32, #tpu.memory_space<vmem>>, vector<16xf32>,
        tpu.vector_store %arg16[%swap3A_1025], %gather3A_987 {strides = array<i32>} : memref<3200xf32, #tpu.memory_space<vmem>>, vector<16xf32>,
        %swap3A_1027 = arith.index_cast %add3A_1024 : i32 to index
        %swap3A_1028 = tpu.vector_load %arg17[%swap3A_1027] {strides = array<i32>} : memref<3200xf32, #tpu.memory_space<vmem>>, vector<16xf32>,
        tpu.vector_store %arg17[%swap3A_1027], %gather3A_988 {strides = array<i32>} : memref<3200xf32, #tpu.memory_space<vmem>>, vector<16xf32>,
        %sub3A_1029 = arith.subf %get3A_994, %gather3A_987 : vector<16xf32>
        %mul3A_1030 = arith.mulf %sub3A_1029, %mul3A_1020 : vector<16xf32>
        %swap3A_1031 = arith.index_cast %add3A_1024 : i32 to index
        %swap3A_1032 = tpu.vector_load %arg18[%swap3A_1031] {strides = array<i32>} : memref<3200xf32, #tpu.memory_space<vmem>>, vector<16xf32>,
        tpu.vector_store %arg18[%swap3A_1031], %mul3A_1030 {strides = array<i32>} : memref<3200xf32, #tpu.memory_space<vmem>>, vector<16xf32>,
        %scan3A_1033 = arith.constant 6 : i32
        %scan3A_1034 = arith.addi %scan3A_341, %scan3A_1033 : i32
        %mul3A_1035 = arith.constant 1 : i32
        %mul3A_1036 = arith.muli %scan3A_1034, %mul3A_1035 : i32
        %add3A_1037 = arith.constant 0 : i32
        %add3A_1038 = arith.addi %add3A_1037, %mul3A_1036 : i32
        %mul3A_1039 = arith.constant 2 : i32
        %mul3A_1040 = arith.muli %mul3A_1039, %add3A_1038 : i32
        %add3A_1041 = vector.broadcast %mul3A_1040 : i32 to vector<16xi32>
        %add3A_1042 = arith.addi %add3A_1041, %select_n3A_45 : vector<16xi32>
        %jit3A_1043 = arith.constant 8 : i32
        %div3A_1044 = vector.broadcast %jit3A_1043 : i32 to vector<16xi32>
        %div3A_1045 = arith.divsi %add3A_1042, %div3A_1044 : vector<16xi32>
        %sign3A_1046 = arith.constant 0 : i32
        %sign3A_1047 = vector.broadcast %sign3A_1046 : i32 to vector<16xi32>
        %sign3A_1048 = arith.cmpi sgt, %add3A_1042, %sign3A_1047 : vector<16xi32>
        %sign3A_1049 = arith.extui %sign3A_1048 : vector<16xi1> to vector<16xi32>
        %sign3A_1050 = arith.constant 0 : i32
        %sign3A_1051 = vector.broadcast %sign3A_1050 : i32 to vector<16xi32>
        %sign3A_1052 = arith.cmpi slt, %add3A_1042, %sign3A_1051 : vector<16xi32>
        %sign3A_1053 = arith.extui %sign3A_1052 : vector<16xi1> to vector<16xi32>
        %sign3A_1054 = arith.subi %sign3A_1049, %sign3A_1053 : vector<16xi32>
        %sign3A_1055 = arith.constant 0 : i32
        %sign3A_1056 = arith.cmpi sgt, %jit3A_1043, %sign3A_1055 : i32
        %sign3A_1057 = arith.extui %sign3A_1056 : i1 to i32
        %sign3A_1058 = arith.constant 0 : i32
        %sign3A_1059 = arith.cmpi slt, %jit3A_1043, %sign3A_1058 : i32
        %sign3A_1060 = arith.extui %sign3A_1059 : i1 to i32
        %sign3A_1061 = arith.subi %sign3A_1057, %sign3A_1060 : i32
        %ne3A_1062 = vector.broadcast %sign3A_1061 : i32 to vector<16xi32>
        %ne3A_1063 = arith.cmpi ne, %sign3A_1054, %ne3A_1062 : vector<16xi32>
        %rem3A_1064 = vector.broadcast %jit3A_1043 : i32 to vector<16xi32>
        %rem3A_1065 = arith.remsi %add3A_1042, %rem3A_1064 : vector<16xi32>
        %ne3A_1066 = arith.constant 0 : i32
        %ne3A_1067 = vector.broadcast %ne3A_1066 : i32 to vector<16xi32>
        %ne3A_1068 = arith.cmpi ne, %rem3A_1065, %ne3A_1067 : vector<16xi32>
        %and3A_1069 = arith.andi %ne3A_1063, %ne3A_1068 : vector<16xi1>
        %sub3A_1070 = arith.constant 1 : i32
        %sub3A_1071 = vector.broadcast %sub3A_1070 : i32 to vector<16xi32>
        %sub3A_1072 = arith.subi %div3A_1045, %sub3A_1071 : vector<16xi32>
        %select_n3A_1073 = arith.select %and3A_1069, %sub3A_1072, %div3A_1045 : vector<16xi1>, vector<16xi32>
        %jit3A_1074 = arith.constant 8 : i32
        %eq3A_1075 = arith.constant 0 : i32
        %eq3A_1076 = arith.cmpi eq, %jit3A_1074, %eq3A_1075 : i32
        %jit3A_1077 = arith.constant 1 : i32
        %select_n3A_1078 = arith.select %eq3A_1076, %jit3A_1077, %jit3A_1074 : i32
        %rem3A_1079 = vector.broadcast %select_n3A_1078 : i32 to vector<16xi32>
        %rem3A_1080 = arith.remsi %add3A_1042, %rem3A_1079 : vector<16xi32>
        %ne3A_1081 = arith.constant 0 : i32
        %ne3A_1082 = vector.broadcast %ne3A_1081 : i32 to vector<16xi32>
        %ne3A_1083 = arith.cmpi ne, %rem3A_1080, %ne3A_1082 : vector<16xi32>
        %lt3A_1084 = arith.constant 0 : i32
        %lt3A_1085 = vector.broadcast %lt3A_1084 : i32 to vector<16xi32>
        %lt3A_1086 = arith.cmpi slt, %rem3A_1080, %lt3A_1085 : vector<16xi32>
        %lt3A_1087 = arith.constant 0 : i32
        %lt3A_1088 = arith.cmpi slt, %select_n3A_1078, %lt3A_1087 : i32
        %ne3A_1089 = vector.broadcast %lt3A_1088 : i1 to vector<16xi1>
        %ne3A_1090 = vector.broadcast %ne3A_1089 : vector<16xi1> to vector<16xi1>
        %ne3A_1091 = arith.xori %lt3A_1086, %ne3A_1090 : vector<16xi1>
        %and3A_1092 = arith.andi %ne3A_1091, %ne3A_1083 : vector<16xi1>
        %add3A_1093 = vector.broadcast %select_n3A_1078 : i32 to vector<16xi32>
        %add3A_1094 = arith.addi %rem3A_1080, %add3A_1093 : vector<16xi32>
        %select_n3A_1095 = arith.select %and3A_1092, %add3A_1094, %rem3A_1080 : vector<16xi1>, vector<16xi32>
        %gather3A_1096 = tpu.vector_load_idx %arg12[%select_n3A_1073, %select_n3A_1095, %broadcast_in_dim3A_277] : memref<25x8x128xi32, #tpu.memory_space<vmem>>[vector<16xi32>, vector<16xi32>, vector<16xi32>], vector<16xi32>,
        %shift_right_arithmetic3A_1097 = arith.constant 7 : i32
        %shift_right_arithmetic3A_1098 = vector.broadcast %shift_right_arithmetic3A_1097 : i32 to vector<16xi32>
        %shift_right_arithmetic3A_1099 = arith.shrsi %gather3A_1096, %shift_right_arithmetic3A_1098 : vector<16xi32>
        %and3A_1100 = arith.constant 127 : i32
        %and3A_1101 = vector.broadcast %and3A_1100 : i32 to vector<16xi32>
        %and3A_1102 = arith.andi %gather3A_1096, %and3A_1101 : vector<16xi32>
        %gather3A_1103 = tpu.vector_load_idx %arg13[%broadcast_in_dim3A_279, %shift_right_arithmetic3A_1099, %select_n3A_17, %and3A_1102] : memref<2x16x8x128xf32, #tpu.memory_space<vmem>>[vector<16xi32>, vector<16xi32>, vector<16xi32>, vector<16xi32>], vector<16xf32>,
        %gather3A_1104 = tpu.vector_load_idx %arg14[%broadcast_in_dim3A_279, %shift_right_arithmetic3A_1099, %select_n3A_17, %and3A_1102] : memref<2x16x8x128xf32, #tpu.memory_space<vmem>>[vector<16xi32>, vector<16xi32>, vector<16xi32>, vector<16xi32>], vector<16xf32>,
        %mul3A_1105 = arith.constant 16 : i32
        %mul3A_1106 = arith.muli %add3A_1038, %mul3A_1105 : i32
        %add3A_1107 = arith.constant 1600 : i32
        %add3A_1108 = arith.addi %add3A_1107, %mul3A_1106 : i32
        %get3A_1109 = arith.index_cast %add3A_1108 : i32 to index
        %get3A_1110 = tpu.vector_load %arg15[%get3A_1109] {strides = array<i32>} : memref<3200xf32, #tpu.memory_space<vmem>>, vector<16xf32>,
        %bitcast3A_1111 = vector.bitcast %gather3A_1104 : vector<16xf32> to vector<16xi32>
        %shift_right_arithmetic3A_1112 = arith.constant 1 : i32
        %shift_right_arithmetic3A_1113 = vector.broadcast %shift_right_arithmetic3A_1112 : i32 to vector<16xi32>
        %shift_right_arithmetic3A_1114 = arith.shrsi %bitcast3A_1111, %shift_right_arithmetic3A_1113 : vector<16xi32>
        %sub3A_1115 = arith.constant 1597463007 : i32
        %sub3A_1116 = vector.broadcast %sub3A_1115 : i32 to vector<16xi32>
        %sub3A_1117 = arith.subi %sub3A_1116, %shift_right_arithmetic3A_1114 : vector<16xi32>
        %bitcast3A_1118 = vector.bitcast %sub3A_1117 : vector<16xi32> to vector<16xf32>
        %mul3A_1119 = arith.constant 5.000000e-01 : f32
        %mul3A_1120 = vector.broadcast %mul3A_1119 : f32 to vector<16xf32>
        %mul3A_1121 = arith.mulf %mul3A_1120, %gather3A_1104 : vector<16xf32>
        %mul3A_1122 = arith.mulf %mul3A_1121, %bitcast3A_1118 : vector<16xf32>
        %mul3A_1123 = arith.mulf %mul3A_1122, %bitcast3A_1118 : vector<16xf32>
        %sub3A_1124 = arith.constant 1.500000e+00 : f32
        %sub3A_1125 = vector.broadcast %sub3A_1124 : f32 to vector<16xf32>
        %sub3A_1126 = arith.subf %sub3A_1125, %mul3A_1123 : vector<16xf32>
        %mul3A_1127 = arith.mulf %bitcast3A_1118, %sub3A_1126 : vector<16xf32>
        %mul3A_1128 = arith.constant 5.000000e-01 : f32
        %mul3A_1129 = vector.broadcast %mul3A_1128 : f32 to vector<16xf32>
        %mul3A_1130 = arith.mulf %mul3A_1129, %gather3A_1104 : vector<16xf32>
        %mul3A_1131 = arith.mulf %mul3A_1130, %mul3A_1127 : vector<16xf32>
        %mul3A_1132 = arith.mulf %mul3A_1131, %mul3A_1127 : vector<16xf32>
        %sub3A_1133 = arith.constant 1.500000e+00 : f32
        %sub3A_1134 = vector.broadcast %sub3A_1133 : f32 to vector<16xf32>
        %sub3A_1135 = arith.subf %sub3A_1134, %mul3A_1132 : vector<16xf32>
        %mul3A_1136 = arith.mulf %mul3A_1127, %sub3A_1135 : vector<16xf32>
        %mul3A_1137 = arith.constant 16 : i32
        %mul3A_1138 = arith.muli %add3A_1038, %mul3A_1137 : i32
        %add3A_1139 = arith.constant 1600 : i32
        %add3A_1140 = arith.addi %add3A_1139, %mul3A_1138 : i32
        %swap3A_1141 = arith.index_cast %add3A_1140 : i32 to index
        %swap3A_1142 = tpu.vector_load %arg16[%swap3A_1141] {strides = array<i32>} : memref<3200xf32, #tpu.memory_space<vmem>>, vector<16xf32>,
        tpu.vector_store %arg16[%swap3A_1141], %gather3A_1103 {strides = array<i32>} : memref<3200xf32, #tpu.memory_space<vmem>>, vector<16xf32>,
        %swap3A_1143 = arith.index_cast %add3A_1140 : i32 to index
        %swap3A_1144 = tpu.vector_load %arg17[%swap3A_1143] {strides = array<i32>} : memref<3200xf32, #tpu.memory_space<vmem>>, vector<16xf32>,
        tpu.vector_store %arg17[%swap3A_1143], %gather3A_1104 {strides = array<i32>} : memref<3200xf32, #tpu.memory_space<vmem>>, vector<16xf32>,
        %sub3A_1145 = arith.subf %get3A_1110, %gather3A_1103 : vector<16xf32>
        %mul3A_1146 = arith.mulf %sub3A_1145, %mul3A_1136 : vector<16xf32>
        %swap3A_1147 = arith.index_cast %add3A_1140 : i32 to index
        %swap3A_1148 = tpu.vector_load %arg18[%swap3A_1147] {strides = array<i32>} : memref<3200xf32, #tpu.memory_space<vmem>>, vector<16xf32>,
        tpu.vector_store %arg18[%swap3A_1147], %mul3A_1146 {strides = array<i32>} : memref<3200xf32, #tpu.memory_space<vmem>>, vector<16xf32>,
        %scan3A_1149 = arith.constant 7 : i32
        %scan3A_1150 = arith.addi %scan3A_341, %scan3A_1149 : i32
        %mul3A_1151 = arith.constant 1 : i32
        %mul3A_1152 = arith.muli %scan3A_1150, %mul3A_1151 : i32
        %add3A_1153 = arith.constant 0 : i32
        %add3A_1154 = arith.addi %add3A_1153, %mul3A_1152 : i32
        %mul3A_1155 = arith.constant 2 : i32
        %mul3A_1156 = arith.muli %mul3A_1155, %add3A_1154 : i32
        %add3A_1157 = vector.broadcast %mul3A_1156 : i32 to vector<16xi32>
        %add3A_1158 = arith.addi %add3A_1157, %select_n3A_45 : vector<16xi32>
        %jit3A_1159 = arith.constant 8 : i32
        %div3A_1160 = vector.broadcast %jit3A_1159 : i32 to vector<16xi32>
        %div3A_1161 = arith.divsi %add3A_1158, %div3A_1160 : vector<16xi32>
        %sign3A_1162 = arith.constant 0 : i32
        %sign3A_1163 = vector.broadcast %sign3A_1162 : i32 to vector<16xi32>
        %sign3A_1164 = arith.cmpi sgt, %add3A_1158, %sign3A_1163 : vector<16xi32>
        %sign3A_1165 = arith.extui %sign3A_1164 : vector<16xi1> to vector<16xi32>
        %sign3A_1166 = arith.constant 0 : i32
        %sign3A_1167 = vector.broadcast %sign3A_1166 : i32 to vector<16xi32>
        %sign3A_1168 = arith.cmpi slt, %add3A_1158, %sign3A_1167 : vector<16xi32>
        %sign3A_1169 = arith.extui %sign3A_1168 : vector<16xi1> to vector<16xi32>
        %sign3A_1170 = arith.subi %sign3A_1165, %sign3A_1169 : vector<16xi32>
        %sign3A_1171 = arith.constant 0 : i32
        %sign3A_1172 = arith.cmpi sgt, %jit3A_1159, %sign3A_1171 : i32
        %sign3A_1173 = arith.extui %sign3A_1172 : i1 to i32
        %sign3A_1174 = arith.constant 0 : i32
        %sign3A_1175 = arith.cmpi slt, %jit3A_1159, %sign3A_1174 : i32
        %sign3A_1176 = arith.extui %sign3A_1175 : i1 to i32
        %sign3A_1177 = arith.subi %sign3A_1173, %sign3A_1176 : i32
        %ne3A_1178 = vector.broadcast %sign3A_1177 : i32 to vector<16xi32>
        %ne3A_1179 = arith.cmpi ne, %sign3A_1170, %ne3A_1178 : vector<16xi32>
        %rem3A_1180 = vector.broadcast %jit3A_1159 : i32 to vector<16xi32>
        %rem3A_1181 = arith.remsi %add3A_1158, %rem3A_1180 : vector<16xi32>
        %ne3A_1182 = arith.constant 0 : i32
        %ne3A_1183 = vector.broadcast %ne3A_1182 : i32 to vector<16xi32>
        %ne3A_1184 = arith.cmpi ne, %rem3A_1181, %ne3A_1183 : vector<16xi32>
        %and3A_1185 = arith.andi %ne3A_1179, %ne3A_1184 : vector<16xi1>
        %sub3A_1186 = arith.constant 1 : i32
        %sub3A_1187 = vector.broadcast %sub3A_1186 : i32 to vector<16xi32>
        %sub3A_1188 = arith.subi %div3A_1161, %sub3A_1187 : vector<16xi32>
        %select_n3A_1189 = arith.select %and3A_1185, %sub3A_1188, %div3A_1161 : vector<16xi1>, vector<16xi32>
        %jit3A_1190 = arith.constant 8 : i32
        %eq3A_1191 = arith.constant 0 : i32
        %eq3A_1192 = arith.cmpi eq, %jit3A_1190, %eq3A_1191 : i32
        %jit3A_1193 = arith.constant 1 : i32
        %select_n3A_1194 = arith.select %eq3A_1192, %jit3A_1193, %jit3A_1190 : i32
        %rem3A_1195 = vector.broadcast %select_n3A_1194 : i32 to vector<16xi32>
        %rem3A_1196 = arith.remsi %add3A_1158, %rem3A_1195 : vector<16xi32>
        %ne3A_1197 = arith.constant 0 : i32
        %ne3A_1198 = vector.broadcast %ne3A_1197 : i32 to vector<16xi32>
        %ne3A_1199 = arith.cmpi ne, %rem3A_1196, %ne3A_1198 : vector<16xi32>
        %lt3A_1200 = arith.constant 0 : i32
        %lt3A_1201 = vector.broadcast %lt3A_1200 : i32 to vector<16xi32>
        %lt3A_1202 = arith.cmpi slt, %rem3A_1196, %lt3A_1201 : vector<16xi32>
        %lt3A_1203 = arith.constant 0 : i32
        %lt3A_1204 = arith.cmpi slt, %select_n3A_1194, %lt3A_1203 : i32
        %ne3A_1205 = vector.broadcast %lt3A_1204 : i1 to vector<16xi1>
        %ne3A_1206 = vector.broadcast %ne3A_1205 : vector<16xi1> to vector<16xi1>
        %ne3A_1207 = arith.xori %lt3A_1202, %ne3A_1206 : vector<16xi1>
        %and3A_1208 = arith.andi %ne3A_1207, %ne3A_1199 : vector<16xi1>
        %add3A_1209 = vector.broadcast %select_n3A_1194 : i32 to vector<16xi32>
        %add3A_1210 = arith.addi %rem3A_1196, %add3A_1209 : vector<16xi32>
        %select_n3A_1211 = arith.select %and3A_1208, %add3A_1210, %rem3A_1196 : vector<16xi1>, vector<16xi32>
        %gather3A_1212 = tpu.vector_load_idx %arg12[%select_n3A_1189, %select_n3A_1211, %broadcast_in_dim3A_277] : memref<25x8x128xi32, #tpu.memory_space<vmem>>[vector<16xi32>, vector<16xi32>, vector<16xi32>], vector<16xi32>,
        %shift_right_arithmetic3A_1213 = arith.constant 7 : i32
        %shift_right_arithmetic3A_1214 = vector.broadcast %shift_right_arithmetic3A_1213 : i32 to vector<16xi32>
        %shift_right_arithmetic3A_1215 = arith.shrsi %gather3A_1212, %shift_right_arithmetic3A_1214 : vector<16xi32>
        %and3A_1216 = arith.constant 127 : i32
        %and3A_1217 = vector.broadcast %and3A_1216 : i32 to vector<16xi32>
        %and3A_1218 = arith.andi %gather3A_1212, %and3A_1217 : vector<16xi32>
        %gather3A_1219 = tpu.vector_load_idx %arg13[%broadcast_in_dim3A_279, %shift_right_arithmetic3A_1215, %select_n3A_17, %and3A_1218] : memref<2x16x8x128xf32, #tpu.memory_space<vmem>>[vector<16xi32>, vector<16xi32>, vector<16xi32>, vector<16xi32>], vector<16xf32>,
        %gather3A_1220 = tpu.vector_load_idx %arg14[%broadcast_in_dim3A_279, %shift_right_arithmetic3A_1215, %select_n3A_17, %and3A_1218] : memref<2x16x8x128xf32, #tpu.memory_space<vmem>>[vector<16xi32>, vector<16xi32>, vector<16xi32>, vector<16xi32>], vector<16xf32>,
        %mul3A_1221 = arith.constant 16 : i32
        %mul3A_1222 = arith.muli %add3A_1154, %mul3A_1221 : i32
        %add3A_1223 = arith.constant 1600 : i32
        %add3A_1224 = arith.addi %add3A_1223, %mul3A_1222 : i32
        %get3A_1225 = arith.index_cast %add3A_1224 : i32 to index
        %get3A_1226 = tpu.vector_load %arg15[%get3A_1225] {strides = array<i32>} : memref<3200xf32, #tpu.memory_space<vmem>>, vector<16xf32>,
        %bitcast3A_1227 = vector.bitcast %gather3A_1220 : vector<16xf32> to vector<16xi32>
        %shift_right_arithmetic3A_1228 = arith.constant 1 : i32
        %shift_right_arithmetic3A_1229 = vector.broadcast %shift_right_arithmetic3A_1228 : i32 to vector<16xi32>
        %shift_right_arithmetic3A_1230 = arith.shrsi %bitcast3A_1227, %shift_right_arithmetic3A_1229 : vector<16xi32>
        %sub3A_1231 = arith.constant 1597463007 : i32
        %sub3A_1232 = vector.broadcast %sub3A_1231 : i32 to vector<16xi32>
        %sub3A_1233 = arith.subi %sub3A_1232, %shift_right_arithmetic3A_1230 : vector<16xi32>
        %bitcast3A_1234 = vector.bitcast %sub3A_1233 : vector<16xi32> to vector<16xf32>
        %mul3A_1235 = arith.constant 5.000000e-01 : f32
        %mul3A_1236 = vector.broadcast %mul3A_1235 : f32 to vector<16xf32>
        %mul3A_1237 = arith.mulf %mul3A_1236, %gather3A_1220 : vector<16xf32>
        %mul3A_1238 = arith.mulf %mul3A_1237, %bitcast3A_1234 : vector<16xf32>
        %mul3A_1239 = arith.mulf %mul3A_1238, %bitcast3A_1234 : vector<16xf32>
        %sub3A_1240 = arith.constant 1.500000e+00 : f32
        %sub3A_1241 = vector.broadcast %sub3A_1240 : f32 to vector<16xf32>
        %sub3A_1242 = arith.subf %sub3A_1241, %mul3A_1239 : vector<16xf32>
        %mul3A_1243 = arith.mulf %bitcast3A_1234, %sub3A_1242 : vector<16xf32>
        %mul3A_1244 = arith.constant 5.000000e-01 : f32
        %mul3A_1245 = vector.broadcast %mul3A_1244 : f32 to vector<16xf32>
        %mul3A_1246 = arith.mulf %mul3A_1245, %gather3A_1220 : vector<16xf32>
        %mul3A_1247 = arith.mulf %mul3A_1246, %mul3A_1243 : vector<16xf32>
        %mul3A_1248 = arith.mulf %mul3A_1247, %mul3A_1243 : vector<16xf32>
        %sub3A_1249 = arith.constant 1.500000e+00 : f32
        %sub3A_1250 = vector.broadcast %sub3A_1249 : f32 to vector<16xf32>
        %sub3A_1251 = arith.subf %sub3A_1250, %mul3A_1248 : vector<16xf32>
        %mul3A_1252 = arith.mulf %mul3A_1243, %sub3A_1251 : vector<16xf32>
        %mul3A_1253 = arith.constant 16 : i32
        %mul3A_1254 = arith.muli %add3A_1154, %mul3A_1253 : i32
        %add3A_1255 = arith.constant 1600 : i32
        %add3A_1256 = arith.addi %add3A_1255, %mul3A_1254 : i32
        %swap3A_1257 = arith.index_cast %add3A_1256 : i32 to index
        %swap3A_1258 = tpu.vector_load %arg16[%swap3A_1257] {strides = array<i32>} : memref<3200xf32, #tpu.memory_space<vmem>>, vector<16xf32>,
        tpu.vector_store %arg16[%swap3A_1257], %gather3A_1219 {strides = array<i32>} : memref<3200xf32, #tpu.memory_space<vmem>>, vector<16xf32>,
        %swap3A_1259 = arith.index_cast %add3A_1256 : i32 to index
        %swap3A_1260 = tpu.vector_load %arg17[%swap3A_1259] {strides = array<i32>} : memref<3200xf32, #tpu.memory_space<vmem>>, vector<16xf32>,
        tpu.vector_store %arg17[%swap3A_1259], %gather3A_1220 {strides = array<i32>} : memref<3200xf32, #tpu.memory_space<vmem>>, vector<16xf32>,
        %sub3A_1261 = arith.subf %get3A_1226, %gather3A_1219 : vector<16xf32>
        %mul3A_1262 = arith.mulf %sub3A_1261, %mul3A_1252 : vector<16xf32>
        %swap3A_1263 = arith.index_cast %add3A_1256 : i32 to index
        %swap3A_1264 = tpu.vector_load %arg18[%swap3A_1263] {strides = array<i32>} : memref<3200xf32, #tpu.memory_space<vmem>>, vector<16xf32>,
        tpu.vector_store %arg18[%swap3A_1263], %mul3A_1262 {strides = array<i32>} : memref<3200xf32, #tpu.memory_space<vmem>>, vector<16xf32>,
        %scan3A_1265 = arith.constant 8 : i32
        %scan3A_1266 = arith.addi %scan3A_341, %scan3A_1265 : i32
        %mul3A_1267 = arith.constant 1 : i32
        %mul3A_1268 = arith.muli %scan3A_1266, %mul3A_1267 : i32
        %add3A_1269 = arith.constant 0 : i32
        %add3A_1270 = arith.addi %add3A_1269, %mul3A_1268 : i32
        %mul3A_1271 = arith.constant 2 : i32
        %mul3A_1272 = arith.muli %mul3A_1271, %add3A_1270 : i32
        %add3A_1273 = vector.broadcast %mul3A_1272 : i32 to vector<16xi32>
        %add3A_1274 = arith.addi %add3A_1273, %select_n3A_45 : vector<16xi32>
        %jit3A_1275 = arith.constant 8 : i32
        %div3A_1276 = vector.broadcast %jit3A_1275 : i32 to vector<16xi32>
        %div3A_1277 = arith.divsi %add3A_1274, %div3A_1276 : vector<16xi32>
        %sign3A_1278 = arith.constant 0 : i32
        %sign3A_1279 = vector.broadcast %sign3A_1278 : i32 to vector<16xi32>
        %sign3A_1280 = arith.cmpi sgt, %add3A_1274, %sign3A_1279 : vector<16xi32>
        %sign3A_1281 = arith.extui %sign3A_1280 : vector<16xi1> to vector<16xi32>
        %sign3A_1282 = arith.constant 0 : i32
        %sign3A_1283 = vector.broadcast %sign3A_1282 : i32 to vector<16xi32>
        %sign3A_1284 = arith.cmpi slt, %add3A_1274, %sign3A_1283 : vector<16xi32>
        %sign3A_1285 = arith.extui %sign3A_1284 : vector<16xi1> to vector<16xi32>
        %sign3A_1286 = arith.subi %sign3A_1281, %sign3A_1285 : vector<16xi32>
        %sign3A_1287 = arith.constant 0 : i32
        %sign3A_1288 = arith.cmpi sgt, %jit3A_1275, %sign3A_1287 : i32
        %sign3A_1289 = arith.extui %sign3A_1288 : i1 to i32
        %sign3A_1290 = arith.constant 0 : i32
        %sign3A_1291 = arith.cmpi slt, %jit3A_1275, %sign3A_1290 : i32
        %sign3A_1292 = arith.extui %sign3A_1291 : i1 to i32
        %sign3A_1293 = arith.subi %sign3A_1289, %sign3A_1292 : i32
        %ne3A_1294 = vector.broadcast %sign3A_1293 : i32 to vector<16xi32>
        %ne3A_1295 = arith.cmpi ne, %sign3A_1286, %ne3A_1294 : vector<16xi32>
        %rem3A_1296 = vector.broadcast %jit3A_1275 : i32 to vector<16xi32>
        %rem3A_1297 = arith.remsi %add3A_1274, %rem3A_1296 : vector<16xi32>
        %ne3A_1298 = arith.constant 0 : i32
        %ne3A_1299 = vector.broadcast %ne3A_1298 : i32 to vector<16xi32>
        %ne3A_1300 = arith.cmpi ne, %rem3A_1297, %ne3A_1299 : vector<16xi32>
        %and3A_1301 = arith.andi %ne3A_1295, %ne3A_1300 : vector<16xi1>
        %sub3A_1302 = arith.constant 1 : i32
        %sub3A_1303 = vector.broadcast %sub3A_1302 : i32 to vector<16xi32>
        %sub3A_1304 = arith.subi %div3A_1277, %sub3A_1303 : vector<16xi32>
        %select_n3A_1305 = arith.select %and3A_1301, %sub3A_1304, %div3A_1277 : vector<16xi1>, vector<16xi32>
        %jit3A_1306 = arith.constant 8 : i32
        %eq3A_1307 = arith.constant 0 : i32
        %eq3A_1308 = arith.cmpi eq, %jit3A_1306, %eq3A_1307 : i32
        %jit3A_1309 = arith.constant 1 : i32
        %select_n3A_1310 = arith.select %eq3A_1308, %jit3A_1309, %jit3A_1306 : i32
        %rem3A_1311 = vector.broadcast %select_n3A_1310 : i32 to vector<16xi32>
        %rem3A_1312 = arith.remsi %add3A_1274, %rem3A_1311 : vector<16xi32>
        %ne3A_1313 = arith.constant 0 : i32
        %ne3A_1314 = vector.broadcast %ne3A_1313 : i32 to vector<16xi32>
        %ne3A_1315 = arith.cmpi ne, %rem3A_1312, %ne3A_1314 : vector<16xi32>
        %lt3A_1316 = arith.constant 0 : i32
        %lt3A_1317 = vector.broadcast %lt3A_1316 : i32 to vector<16xi32>
        %lt3A_1318 = arith.cmpi slt, %rem3A_1312, %lt3A_1317 : vector<16xi32>
        %lt3A_1319 = arith.constant 0 : i32
        %lt3A_1320 = arith.cmpi slt, %select_n3A_1310, %lt3A_1319 : i32
        %ne3A_1321 = vector.broadcast %lt3A_1320 : i1 to vector<16xi1>
        %ne3A_1322 = vector.broadcast %ne3A_1321 : vector<16xi1> to vector<16xi1>
        %ne3A_1323 = arith.xori %lt3A_1318, %ne3A_1322 : vector<16xi1>
        %and3A_1324 = arith.andi %ne3A_1323, %ne3A_1315 : vector<16xi1>
        %add3A_1325 = vector.broadcast %select_n3A_1310 : i32 to vector<16xi32>
        %add3A_1326 = arith.addi %rem3A_1312, %add3A_1325 : vector<16xi32>
        %select_n3A_1327 = arith.select %and3A_1324, %add3A_1326, %rem3A_1312 : vector<16xi1>, vector<16xi32>
        %gather3A_1328 = tpu.vector_load_idx %arg12[%select_n3A_1305, %select_n3A_1327, %broadcast_in_dim3A_277] : memref<25x8x128xi32, #tpu.memory_space<vmem>>[vector<16xi32>, vector<16xi32>, vector<16xi32>], vector<16xi32>,
        %shift_right_arithmetic3A_1329 = arith.constant 7 : i32
        %shift_right_arithmetic3A_1330 = vector.broadcast %shift_right_arithmetic3A_1329 : i32 to vector<16xi32>
        %shift_right_arithmetic3A_1331 = arith.shrsi %gather3A_1328, %shift_right_arithmetic3A_1330 : vector<16xi32>
        %and3A_1332 = arith.constant 127 : i32
        %and3A_1333 = vector.broadcast %and3A_1332 : i32 to vector<16xi32>
        %and3A_1334 = arith.andi %gather3A_1328, %and3A_1333 : vector<16xi32>
        %gather3A_1335 = tpu.vector_load_idx %arg13[%broadcast_in_dim3A_279, %shift_right_arithmetic3A_1331, %select_n3A_17, %and3A_1334] : memref<2x16x8x128xf32, #tpu.memory_space<vmem>>[vector<16xi32>, vector<16xi32>, vector<16xi32>, vector<16xi32>], vector<16xf32>,
        %gather3A_1336 = tpu.vector_load_idx %arg14[%broadcast_in_dim3A_279, %shift_right_arithmetic3A_1331, %select_n3A_17, %and3A_1334] : memref<2x16x8x128xf32, #tpu.memory_space<vmem>>[vector<16xi32>, vector<16xi32>, vector<16xi32>, vector<16xi32>], vector<16xf32>,
        %mul3A_1337 = arith.constant 16 : i32
        %mul3A_1338 = arith.muli %add3A_1270, %mul3A_1337 : i32
        %add3A_1339 = arith.constant 1600 : i32
        %add3A_1340 = arith.addi %add3A_1339, %mul3A_1338 : i32
        %get3A_1341 = arith.index_cast %add3A_1340 : i32 to index
        %get3A_1342 = tpu.vector_load %arg15[%get3A_1341] {strides = array<i32>} : memref<3200xf32, #tpu.memory_space<vmem>>, vector<16xf32>,
        %bitcast3A_1343 = vector.bitcast %gather3A_1336 : vector<16xf32> to vector<16xi32>
        %shift_right_arithmetic3A_1344 = arith.constant 1 : i32
        %shift_right_arithmetic3A_1345 = vector.broadcast %shift_right_arithmetic3A_1344 : i32 to vector<16xi32>
        %shift_right_arithmetic3A_1346 = arith.shrsi %bitcast3A_1343, %shift_right_arithmetic3A_1345 : vector<16xi32>
        %sub3A_1347 = arith.constant 1597463007 : i32
        %sub3A_1348 = vector.broadcast %sub3A_1347 : i32 to vector<16xi32>
        %sub3A_1349 = arith.subi %sub3A_1348, %shift_right_arithmetic3A_1346 : vector<16xi32>
        %bitcast3A_1350 = vector.bitcast %sub3A_1349 : vector<16xi32> to vector<16xf32>
        %mul3A_1351 = arith.constant 5.000000e-01 : f32
        %mul3A_1352 = vector.broadcast %mul3A_1351 : f32 to vector<16xf32>
        %mul3A_1353 = arith.mulf %mul3A_1352, %gather3A_1336 : vector<16xf32>
        %mul3A_1354 = arith.mulf %mul3A_1353, %bitcast3A_1350 : vector<16xf32>
        %mul3A_1355 = arith.mulf %mul3A_1354, %bitcast3A_1350 : vector<16xf32>
        %sub3A_1356 = arith.constant 1.500000e+00 : f32
        %sub3A_1357 = vector.broadcast %sub3A_1356 : f32 to vector<16xf32>
        %sub3A_1358 = arith.subf %sub3A_1357, %mul3A_1355 : vector<16xf32>
        %mul3A_1359 = arith.mulf %bitcast3A_1350, %sub3A_1358 : vector<16xf32>
        %mul3A_1360 = arith.constant 5.000000e-01 : f32
        %mul3A_1361 = vector.broadcast %mul3A_1360 : f32 to vector<16xf32>
        %mul3A_1362 = arith.mulf %mul3A_1361, %gather3A_1336 : vector<16xf32>
        %mul3A_1363 = arith.mulf %mul3A_1362, %mul3A_1359 : vector<16xf32>
        %mul3A_1364 = arith.mulf %mul3A_1363, %mul3A_1359 : vector<16xf32>
        %sub3A_1365 = arith.constant 1.500000e+00 : f32
        %sub3A_1366 = vector.broadcast %sub3A_1365 : f32 to vector<16xf32>
        %sub3A_1367 = arith.subf %sub3A_1366, %mul3A_1364 : vector<16xf32>
        %mul3A_1368 = arith.mulf %mul3A_1359, %sub3A_1367 : vector<16xf32>
        %mul3A_1369 = arith.constant 16 : i32
        %mul3A_1370 = arith.muli %add3A_1270, %mul3A_1369 : i32
        %add3A_1371 = arith.constant 1600 : i32
        %add3A_1372 = arith.addi %add3A_1371, %mul3A_1370 : i32
        %swap3A_1373 = arith.index_cast %add3A_1372 : i32 to index
        %swap3A_1374 = tpu.vector_load %arg16[%swap3A_1373] {strides = array<i32>} : memref<3200xf32, #tpu.memory_space<vmem>>, vector<16xf32>,
        tpu.vector_store %arg16[%swap3A_1373], %gather3A_1335 {strides = array<i32>} : memref<3200xf32, #tpu.memory_space<vmem>>, vector<16xf32>,
        %swap3A_1375 = arith.index_cast %add3A_1372 : i32 to index
        %swap3A_1376 = tpu.vector_load %arg17[%swap3A_1375] {strides = array<i32>} : memref<3200xf32, #tpu.memory_space<vmem>>, vector<16xf32>,
        tpu.vector_store %arg17[%swap3A_1375], %gather3A_1336 {strides = array<i32>} : memref<3200xf32, #tpu.memory_space<vmem>>, vector<16xf32>,
        %sub3A_1377 = arith.subf %get3A_1342, %gather3A_1335 : vector<16xf32>
        %mul3A_1378 = arith.mulf %sub3A_1377, %mul3A_1368 : vector<16xf32>
        %swap3A_1379 = arith.index_cast %add3A_1372 : i32 to index
        %swap3A_1380 = tpu.vector_load %arg18[%swap3A_1379] {strides = array<i32>} : memref<3200xf32, #tpu.memory_space<vmem>>, vector<16xf32>,
        tpu.vector_store %arg18[%swap3A_1379], %mul3A_1378 {strides = array<i32>} : memref<3200xf32, #tpu.memory_space<vmem>>, vector<16xf32>,
        %scan3A_1381 = arith.constant 9 : i32
        %scan3A_1382 = arith.addi %scan3A_341, %scan3A_1381 : i32
        %mul3A_1383 = arith.constant 1 : i32
        %mul3A_1384 = arith.muli %scan3A_1382, %mul3A_1383 : i32
        %add3A_1385 = arith.constant 0 : i32
        %add3A_1386 = arith.addi %add3A_1385, %mul3A_1384 : i32
        %mul3A_1387 = arith.constant 2 : i32
        %mul3A_1388 = arith.muli %mul3A_1387, %add3A_1386 : i32
        %add3A_1389 = vector.broadcast %mul3A_1388 : i32 to vector<16xi32>
        %add3A_1390 = arith.addi %add3A_1389, %select_n3A_45 : vector<16xi32>
        %jit3A_1391 = arith.constant 8 : i32
        %div3A_1392 = vector.broadcast %jit3A_1391 : i32 to vector<16xi32>
        %div3A_1393 = arith.divsi %add3A_1390, %div3A_1392 : vector<16xi32>
        %sign3A_1394 = arith.constant 0 : i32
        %sign3A_1395 = vector.broadcast %sign3A_1394 : i32 to vector<16xi32>
        %sign3A_1396 = arith.cmpi sgt, %add3A_1390, %sign3A_1395 : vector<16xi32>
        %sign3A_1397 = arith.extui %sign3A_1396 : vector<16xi1> to vector<16xi32>
        %sign3A_1398 = arith.constant 0 : i32
        %sign3A_1399 = vector.broadcast %sign3A_1398 : i32 to vector<16xi32>
        %sign3A_1400 = arith.cmpi slt, %add3A_1390, %sign3A_1399 : vector<16xi32>
        %sign3A_1401 = arith.extui %sign3A_1400 : vector<16xi1> to vector<16xi32>
        %sign3A_1402 = arith.subi %sign3A_1397, %sign3A_1401 : vector<16xi32>
        %sign3A_1403 = arith.constant 0 : i32
        %sign3A_1404 = arith.cmpi sgt, %jit3A_1391, %sign3A_1403 : i32
        %sign3A_1405 = arith.extui %sign3A_1404 : i1 to i32
        %sign3A_1406 = arith.constant 0 : i32
        %sign3A_1407 = arith.cmpi slt, %jit3A_1391, %sign3A_1406 : i32
        %sign3A_1408 = arith.extui %sign3A_1407 : i1 to i32
        %sign3A_1409 = arith.subi %sign3A_1405, %sign3A_1408 : i32
        %ne3A_1410 = vector.broadcast %sign3A_1409 : i32 to vector<16xi32>
        %ne3A_1411 = arith.cmpi ne, %sign3A_1402, %ne3A_1410 : vector<16xi32>
        %rem3A_1412 = vector.broadcast %jit3A_1391 : i32 to vector<16xi32>
        %rem3A_1413 = arith.remsi %add3A_1390, %rem3A_1412 : vector<16xi32>
        %ne3A_1414 = arith.constant 0 : i32
        %ne3A_1415 = vector.broadcast %ne3A_1414 : i32 to vector<16xi32>
        %ne3A_1416 = arith.cmpi ne, %rem3A_1413, %ne3A_1415 : vector<16xi32>
        %and3A_1417 = arith.andi %ne3A_1411, %ne3A_1416 : vector<16xi1>
        %sub3A_1418 = arith.constant 1 : i32
        %sub3A_1419 = vector.broadcast %sub3A_1418 : i32 to vector<16xi32>
        %sub3A_1420 = arith.subi %div3A_1393, %sub3A_1419 : vector<16xi32>
        %select_n3A_1421 = arith.select %and3A_1417, %sub3A_1420, %div3A_1393 : vector<16xi1>, vector<16xi32>
        %jit3A_1422 = arith.constant 8 : i32
        %eq3A_1423 = arith.constant 0 : i32
        %eq3A_1424 = arith.cmpi eq, %jit3A_1422, %eq3A_1423 : i32
        %jit3A_1425 = arith.constant 1 : i32
        %select_n3A_1426 = arith.select %eq3A_1424, %jit3A_1425, %jit3A_1422 : i32
        %rem3A_1427 = vector.broadcast %select_n3A_1426 : i32 to vector<16xi32>
        %rem3A_1428 = arith.remsi %add3A_1390, %rem3A_1427 : vector<16xi32>
        %ne3A_1429 = arith.constant 0 : i32
        %ne3A_1430 = vector.broadcast %ne3A_1429 : i32 to vector<16xi32>
        %ne3A_1431 = arith.cmpi ne, %rem3A_1428, %ne3A_1430 : vector<16xi32>
        %lt3A_1432 = arith.constant 0 : i32
        %lt3A_1433 = vector.broadcast %lt3A_1432 : i32 to vector<16xi32>
        %lt3A_1434 = arith.cmpi slt, %rem3A_1428, %lt3A_1433 : vector<16xi32>
        %lt3A_1435 = arith.constant 0 : i32
        %lt3A_1436 = arith.cmpi slt, %select_n3A_1426, %lt3A_1435 : i32
        %ne3A_1437 = vector.broadcast %lt3A_1436 : i1 to vector<16xi1>
        %ne3A_1438 = vector.broadcast %ne3A_1437 : vector<16xi1> to vector<16xi1>
        %ne3A_1439 = arith.xori %lt3A_1434, %ne3A_1438 : vector<16xi1>
        %and3A_1440 = arith.andi %ne3A_1439, %ne3A_1431 : vector<16xi1>
        %add3A_1441 = vector.broadcast %select_n3A_1426 : i32 to vector<16xi32>
        %add3A_1442 = arith.addi %rem3A_1428, %add3A_1441 : vector<16xi32>
        %select_n3A_1443 = arith.select %and3A_1440, %add3A_1442, %rem3A_1428 : vector<16xi1>, vector<16xi32>
        %gather3A_1444 = tpu.vector_load_idx %arg12[%select_n3A_1421, %select_n3A_1443, %broadcast_in_dim3A_277] : memref<25x8x128xi32, #tpu.memory_space<vmem>>[vector<16xi32>, vector<16xi32>, vector<16xi32>], vector<16xi32>,
        %shift_right_arithmetic3A_1445 = arith.constant 7 : i32
        %shift_right_arithmetic3A_1446 = vector.broadcast %shift_right_arithmetic3A_1445 : i32 to vector<16xi32>
        %shift_right_arithmetic3A_1447 = arith.shrsi %gather3A_1444, %shift_right_arithmetic3A_1446 : vector<16xi32>
        %and3A_1448 = arith.constant 127 : i32
        %and3A_1449 = vector.broadcast %and3A_1448 : i32 to vector<16xi32>
        %and3A_1450 = arith.andi %gather3A_1444, %and3A_1449 : vector<16xi32>
        %gather3A_1451 = tpu.vector_load_idx %arg13[%broadcast_in_dim3A_279, %shift_right_arithmetic3A_1447, %select_n3A_17, %and3A_1450] : memref<2x16x8x128xf32, #tpu.memory_space<vmem>>[vector<16xi32>, vector<16xi32>, vector<16xi32>, vector<16xi32>], vector<16xf32>,
        %gather3A_1452 = tpu.vector_load_idx %arg14[%broadcast_in_dim3A_279, %shift_right_arithmetic3A_1447, %select_n3A_17, %and3A_1450] : memref<2x16x8x128xf32, #tpu.memory_space<vmem>>[vector<16xi32>, vector<16xi32>, vector<16xi32>, vector<16xi32>], vector<16xf32>,
        %mul3A_1453 = arith.constant 16 : i32
        %mul3A_1454 = arith.muli %add3A_1386, %mul3A_1453 : i32
        %add3A_1455 = arith.constant 1600 : i32
        %add3A_1456 = arith.addi %add3A_1455, %mul3A_1454 : i32
        %get3A_1457 = arith.index_cast %add3A_1456 : i32 to index
        %get3A_1458 = tpu.vector_load %arg15[%get3A_1457] {strides = array<i32>} : memref<3200xf32, #tpu.memory_space<vmem>>, vector<16xf32>,
        %bitcast3A_1459 = vector.bitcast %gather3A_1452 : vector<16xf32> to vector<16xi32>
        %shift_right_arithmetic3A_1460 = arith.constant 1 : i32
        %shift_right_arithmetic3A_1461 = vector.broadcast %shift_right_arithmetic3A_1460 : i32 to vector<16xi32>
        %shift_right_arithmetic3A_1462 = arith.shrsi %bitcast3A_1459, %shift_right_arithmetic3A_1461 : vector<16xi32>
        %sub3A_1463 = arith.constant 1597463007 : i32
        %sub3A_1464 = vector.broadcast %sub3A_1463 : i32 to vector<16xi32>
        %sub3A_1465 = arith.subi %sub3A_1464, %shift_right_arithmetic3A_1462 : vector<16xi32>
        %bitcast3A_1466 = vector.bitcast %sub3A_1465 : vector<16xi32> to vector<16xf32>
        %mul3A_1467 = arith.constant 5.000000e-01 : f32
        %mul3A_1468 = vector.broadcast %mul3A_1467 : f32 to vector<16xf32>
        %mul3A_1469 = arith.mulf %mul3A_1468, %gather3A_1452 : vector<16xf32>
        %mul3A_1470 = arith.mulf %mul3A_1469, %bitcast3A_1466 : vector<16xf32>
        %mul3A_1471 = arith.mulf %mul3A_1470, %bitcast3A_1466 : vector<16xf32>
        %sub3A_1472 = arith.constant 1.500000e+00 : f32
        %sub3A_1473 = vector.broadcast %sub3A_1472 : f32 to vector<16xf32>
        %sub3A_1474 = arith.subf %sub3A_1473, %mul3A_1471 : vector<16xf32>
        %mul3A_1475 = arith.mulf %bitcast3A_1466, %sub3A_1474 : vector<16xf32>
        %mul3A_1476 = arith.constant 5.000000e-01 : f32
        %mul3A_1477 = vector.broadcast %mul3A_1476 : f32 to vector<16xf32>
        %mul3A_1478 = arith.mulf %mul3A_1477, %gather3A_1452 : vector<16xf32>
        %mul3A_1479 = arith.mulf %mul3A_1478, %mul3A_1475 : vector<16xf32>
        %mul3A_1480 = arith.mulf %mul3A_1479, %mul3A_1475 : vector<16xf32>
        %sub3A_1481 = arith.constant 1.500000e+00 : f32
        %sub3A_1482 = vector.broadcast %sub3A_1481 : f32 to vector<16xf32>
        %sub3A_1483 = arith.subf %sub3A_1482, %mul3A_1480 : vector<16xf32>
        %mul3A_1484 = arith.mulf %mul3A_1475, %sub3A_1483 : vector<16xf32>
        %mul3A_1485 = arith.constant 16 : i32
        %mul3A_1486 = arith.muli %add3A_1386, %mul3A_1485 : i32
        %add3A_1487 = arith.constant 1600 : i32
        %add3A_1488 = arith.addi %add3A_1487, %mul3A_1486 : i32
        %swap3A_1489 = arith.index_cast %add3A_1488 : i32 to index
        %swap3A_1490 = tpu.vector_load %arg16[%swap3A_1489] {strides = array<i32>} : memref<3200xf32, #tpu.memory_space<vmem>>, vector<16xf32>,
        tpu.vector_store %arg16[%swap3A_1489], %gather3A_1451 {strides = array<i32>} : memref<3200xf32, #tpu.memory_space<vmem>>, vector<16xf32>,
        %swap3A_1491 = arith.index_cast %add3A_1488 : i32 to index
        %swap3A_1492 = tpu.vector_load %arg17[%swap3A_1491] {strides = array<i32>} : memref<3200xf32, #tpu.memory_space<vmem>>, vector<16xf32>,
        tpu.vector_store %arg17[%swap3A_1491], %gather3A_1452 {strides = array<i32>} : memref<3200xf32, #tpu.memory_space<vmem>>, vector<16xf32>,
        %sub3A_1493 = arith.subf %get3A_1458, %gather3A_1451 : vector<16xf32>
        %mul3A_1494 = arith.mulf %sub3A_1493, %mul3A_1484 : vector<16xf32>
        %swap3A_1495 = arith.index_cast %add3A_1488 : i32 to index
        %swap3A_1496 = tpu.vector_load %arg18[%swap3A_1495] {strides = array<i32>} : memref<3200xf32, #tpu.memory_space<vmem>>, vector<16xf32>,
        tpu.vector_store %arg18[%swap3A_1495], %mul3A_1494 {strides = array<i32>} : memref<3200xf32, #tpu.memory_space<vmem>>, vector<16xf32>,
      }
      %scan3A_284 = arith.constant 100 : i32
      %add3A_285 = arith.constant 1600 : i32
      %add3A_286 = arith.addi %mul3A_85, %add3A_285 : i32
      %dma_start3A_287 = arith.constant 1600 : i32
      %dma_start3A_288 = tpu.memref_slice %arg18[%dma_start3A_287] : memref<3200xf32, #tpu.memory_space<vmem>> -> memref<1600xf32, #tpu.memory_space<vmem>>
      %dma_start3A_289 = tpu.memref_slice %arg7[%add3A_286] : memref<6553600xf32, #tpu.memory_space<hbm>> -> memref<1600xf32, #tpu.memory_space<hbm>>
      %dma_start3A_290 = tpu.memref_slice %arg7[%add3A_286] : memref<6553600xf32, #tpu.memory_space<hbm>> -> memref<1600xf32, #tpu.memory_space<hbm>>
      %dma_start3A_291 = arith.constant 1600 : i32
      %dma_start3A_292 = tpu.memref_slice %arg18[%dma_start3A_291] : memref<3200xf32, #tpu.memory_space<vmem>> -> memref<1600xf32, #tpu.memory_space<vmem>>
      tpu.enqueue_dma source(%dma_start3A_292 : memref<1600xf32, #tpu.memory_space<vmem>>) target(%dma_start3A_290 : memref<1600xf32, #tpu.memory_space<hbm>>) target_semaphore(%arg22 : memref<!tpu.dma_semaphore, #tpu.memory_space<semaphore_mem>>)
      %dma_start3A_293 = arith.constant 1600 : i32
      %dma_start3A_294 = tpu.memref_slice %arg16[%dma_start3A_293] : memref<3200xf32, #tpu.memory_space<vmem>> -> memref<1600xf32, #tpu.memory_space<vmem>>
      %dma_start3A_295 = tpu.memref_slice %arg8[%add3A_286] : memref<6553600xf32, #tpu.memory_space<hbm>> -> memref<1600xf32, #tpu.memory_space<hbm>>
      %dma_start3A_296 = tpu.memref_slice %arg8[%add3A_286] : memref<6553600xf32, #tpu.memory_space<hbm>> -> memref<1600xf32, #tpu.memory_space<hbm>>
      %dma_start3A_297 = arith.constant 1600 : i32
      %dma_start3A_298 = tpu.memref_slice %arg16[%dma_start3A_297] : memref<3200xf32, #tpu.memory_space<vmem>> -> memref<1600xf32, #tpu.memory_space<vmem>>
      tpu.enqueue_dma source(%dma_start3A_298 : memref<1600xf32, #tpu.memory_space<vmem>>) target(%dma_start3A_296 : memref<1600xf32, #tpu.memory_space<hbm>>) target_semaphore(%arg22 : memref<!tpu.dma_semaphore, #tpu.memory_space<semaphore_mem>>)
      %dma_start3A_299 = arith.constant 1600 : i32
      %dma_start3A_300 = tpu.memref_slice %arg17[%dma_start3A_299] : memref<3200xf32, #tpu.memory_space<vmem>> -> memref<1600xf32, #tpu.memory_space<vmem>>
      %dma_start3A_301 = tpu.memref_slice %arg9[%add3A_286] : memref<6553600xf32, #tpu.memory_space<hbm>> -> memref<1600xf32, #tpu.memory_space<hbm>>
      %dma_start3A_302 = tpu.memref_slice %arg9[%add3A_286] : memref<6553600xf32, #tpu.memory_space<hbm>> -> memref<1600xf32, #tpu.memory_space<hbm>>
      %dma_start3A_303 = arith.constant 1600 : i32
      %dma_start3A_304 = tpu.memref_slice %arg17[%dma_start3A_303] : memref<3200xf32, #tpu.memory_space<vmem>> -> memref<1600xf32, #tpu.memory_space<vmem>>
      tpu.enqueue_dma source(%dma_start3A_304 : memref<1600xf32, #tpu.memory_space<vmem>>) target(%dma_start3A_302 : memref<1600xf32, #tpu.memory_space<hbm>>) target_semaphore(%arg22 : memref<!tpu.dma_semaphore, #tpu.memory_space<semaphore_mem>>)
      %dma_wait3A_305 = arith.constant 0 : i32
      %dma_wait3A_306 = tpu.memref_slice %arg18[%dma_wait3A_305] : memref<3200xf32, #tpu.memory_space<vmem>> -> memref<1600xf32, #tpu.memory_space<vmem>>
      %dma_wait3A_307 = tpu.memref_slice %arg7[%mul3A_85] : memref<6553600xf32, #tpu.memory_space<hbm>> -> memref<1600xf32, #tpu.memory_space<hbm>>
      %dma_wait3A_308 = tpu.memref_slice %arg7[%mul3A_85] : memref<6553600xf32, #tpu.memory_space<hbm>> -> memref<1600xf32, #tpu.memory_space<hbm>>
      %dma_wait3A_309 = arith.constant 0 : i32
      %dma_wait3A_310 = tpu.memref_slice %arg18[%dma_wait3A_309] : memref<3200xf32, #tpu.memory_space<vmem>> -> memref<1600xf32, #tpu.memory_space<vmem>>
      tpu.wait_dma2 semaphore(%arg22 : memref<!tpu.dma_semaphore, #tpu.memory_space<semaphore_mem>>) src(%dma_wait3A_310 : memref<1600xf32, #tpu.memory_space<vmem>>) dst(%dma_wait3A_308 : memref<1600xf32, #tpu.memory_space<hbm>>)
      %dma_wait3A_311 = arith.constant 0 : i32
      %dma_wait3A_312 = tpu.memref_slice %arg16[%dma_wait3A_311] : memref<3200xf32, #tpu.memory_space<vmem>> -> memref<1600xf32, #tpu.memory_space<vmem>>
      %dma_wait3A_313 = tpu.memref_slice %arg8[%mul3A_85] : memref<6553600xf32, #tpu.memory_space<hbm>> -> memref<1600xf32, #tpu.memory_space<hbm>>
      %dma_wait3A_314 = tpu.memref_slice %arg8[%mul3A_85] : memref<6553600xf32, #tpu.memory_space<hbm>> -> memref<1600xf32, #tpu.memory_space<hbm>>
      %dma_wait3A_315 = arith.constant 0 : i32
      %dma_wait3A_316 = tpu.memref_slice %arg16[%dma_wait3A_315] : memref<3200xf32, #tpu.memory_space<vmem>> -> memref<1600xf32, #tpu.memory_space<vmem>>
      tpu.wait_dma2 semaphore(%arg22 : memref<!tpu.dma_semaphore, #tpu.memory_space<semaphore_mem>>) src(%dma_wait3A_316 : memref<1600xf32, #tpu.memory_space<vmem>>) dst(%dma_wait3A_314 : memref<1600xf32, #tpu.memory_space<hbm>>)
      %dma_wait3A_317 = arith.constant 0 : i32
      %dma_wait3A_318 = tpu.memref_slice %arg17[%dma_wait3A_317] : memref<3200xf32, #tpu.memory_space<vmem>> -> memref<1600xf32, #tpu.memory_space<vmem>>
      %dma_wait3A_319 = tpu.memref_slice %arg9[%mul3A_85] : memref<6553600xf32, #tpu.memory_space<hbm>> -> memref<1600xf32, #tpu.memory_space<hbm>>
      %dma_wait3A_320 = tpu.memref_slice %arg9[%mul3A_85] : memref<6553600xf32, #tpu.memory_space<hbm>> -> memref<1600xf32, #tpu.memory_space<hbm>>
      %dma_wait3A_321 = arith.constant 0 : i32
      %dma_wait3A_322 = tpu.memref_slice %arg17[%dma_wait3A_321] : memref<3200xf32, #tpu.memory_space<vmem>> -> memref<1600xf32, #tpu.memory_space<vmem>>
      tpu.wait_dma2 semaphore(%arg22 : memref<!tpu.dma_semaphore, #tpu.memory_space<semaphore_mem>>) src(%dma_wait3A_322 : memref<1600xf32, #tpu.memory_space<vmem>>) dst(%dma_wait3A_320 : memref<1600xf32, #tpu.memory_space<hbm>>)
      %dma_wait3A_323 = arith.constant 1600 : i32
      %dma_wait3A_324 = tpu.memref_slice %arg18[%dma_wait3A_323] : memref<3200xf32, #tpu.memory_space<vmem>> -> memref<1600xf32, #tpu.memory_space<vmem>>
      %dma_wait3A_325 = tpu.memref_slice %arg7[%add3A_286] : memref<6553600xf32, #tpu.memory_space<hbm>> -> memref<1600xf32, #tpu.memory_space<hbm>>
      %dma_wait3A_326 = tpu.memref_slice %arg7[%add3A_286] : memref<6553600xf32, #tpu.memory_space<hbm>> -> memref<1600xf32, #tpu.memory_space<hbm>>
      %dma_wait3A_327 = arith.constant 1600 : i32
      %dma_wait3A_328 = tpu.memref_slice %arg18[%dma_wait3A_327] : memref<3200xf32, #tpu.memory_space<vmem>> -> memref<1600xf32, #tpu.memory_space<vmem>>
      tpu.wait_dma2 semaphore(%arg22 : memref<!tpu.dma_semaphore, #tpu.memory_space<semaphore_mem>>) src(%dma_wait3A_328 : memref<1600xf32, #tpu.memory_space<vmem>>) dst(%dma_wait3A_326 : memref<1600xf32, #tpu.memory_space<hbm>>)
      %dma_wait3A_329 = arith.constant 1600 : i32
      %dma_wait3A_330 = tpu.memref_slice %arg16[%dma_wait3A_329] : memref<3200xf32, #tpu.memory_space<vmem>> -> memref<1600xf32, #tpu.memory_space<vmem>>
      %dma_wait3A_331 = tpu.memref_slice %arg8[%add3A_286] : memref<6553600xf32, #tpu.memory_space<hbm>> -> memref<1600xf32, #tpu.memory_space<hbm>>
      %dma_wait3A_332 = tpu.memref_slice %arg8[%add3A_286] : memref<6553600xf32, #tpu.memory_space<hbm>> -> memref<1600xf32, #tpu.memory_space<hbm>>
      %dma_wait3A_333 = arith.constant 1600 : i32
      %dma_wait3A_334 = tpu.memref_slice %arg16[%dma_wait3A_333] : memref<3200xf32, #tpu.memory_space<vmem>> -> memref<1600xf32, #tpu.memory_space<vmem>>
      tpu.wait_dma2 semaphore(%arg22 : memref<!tpu.dma_semaphore, #tpu.memory_space<semaphore_mem>>) src(%dma_wait3A_334 : memref<1600xf32, #tpu.memory_space<vmem>>) dst(%dma_wait3A_332 : memref<1600xf32, #tpu.memory_space<hbm>>)
      %dma_wait3A_335 = arith.constant 1600 : i32
      %dma_wait3A_336 = tpu.memref_slice %arg17[%dma_wait3A_335] : memref<3200xf32, #tpu.memory_space<vmem>> -> memref<1600xf32, #tpu.memory_space<vmem>>
      %dma_wait3A_337 = tpu.memref_slice %arg9[%add3A_286] : memref<6553600xf32, #tpu.memory_space<hbm>> -> memref<1600xf32, #tpu.memory_space<hbm>>
      %dma_wait3A_338 = tpu.memref_slice %arg9[%add3A_286] : memref<6553600xf32, #tpu.memory_space<hbm>> -> memref<1600xf32, #tpu.memory_space<hbm>>
      %dma_wait3A_339 = arith.constant 1600 : i32
      %dma_wait3A_340 = tpu.memref_slice %arg17[%dma_wait3A_339] : memref<3200xf32, #tpu.memory_space<vmem>> -> memref<1600xf32, #tpu.memory_space<vmem>>
      tpu.wait_dma2 semaphore(%arg22 : memref<!tpu.dma_semaphore, #tpu.memory_space<semaphore_mem>>) src(%dma_wait3A_340 : memref<1600xf32, #tpu.memory_space<vmem>>) dst(%dma_wait3A_338 : memref<1600xf32, #tpu.memory_space<hbm>>)
    }
    %scan3A_75 = arith.constant 64 : i32
    return
  }
}

</mosaic_0001>

<sc_bundles>
// kernel: kernel.3.cloned.1.call-start
scs
__scs_entry_jumppad:
0x0: {  	(pc) =	sbr.rel $0x88, $3  }
0x1: {  	(tag) =	ssettag $0x0;
	lr =	simm.s32 $0x1  }
0x2: {  	[smem:$0x3F9C] =	sst lr;
	_ =	strace $0xD0000000  }
0x3: {  	_ = 	snop  }
0x4: {  	_ = 	snop  }
0x5: {  	_ = 	snop  }
0x6: {  	_ = 	snop  }
0x7: {  	_ = 	snop  }
__scs_overlays_trampoline_lowered:
0x8: {  	[smem:$0x3FAB] =	sst s0  }
0x9: {  	[smem:$0x3FAC] =	sst s1  }
0xa: {  	[smem:$0x3FAD] =	sst s2  }
0xb: {  	[smem:$0x3FAE] =	sst s3  }
0xc: {  	[smem:$0x3FAF] =	sst s4  }
0xd: {  	[smem:$0x3FB0] =	sst s5  }
0xe: {  	[smem:$0x3FB1] =	sst s6  }
0xf: {  	[smem:$0x3FB2] =	sst s7  }
0x10: {  	[smem:$0x3FB3] =	sst s8  }
0x11: {  	[smem:$0x3FB4] =	sst s9;
	s0 =	simm.s32 @!p0 $0x0  }
0x12: {  	s1 =	sld [smem:$0x3F9A];
	s0 =	simm.s32 @p0 $0x1  }
0x13: {  	[smem:$0x3FB5] =	sst s0;
	s0 =	simm.s32 @!p1 $0x0  }
0x14: {  	s2 =	sld [smem:$0x3F99];
	s0 =	simm.s32 @p1 $0x1  }
0x15: {  	[smem:$0x3FB6] =	sst s0;
	s0 =	simm.s32 @!p2 $0x0  }
0x16: {  	s3 =	sld [smem:$0x3FDB];
	s0 =	simm.s32 @p2 $0x1  }
0x17: {  	s4 =	simm.s32 $0x1BF5;
	[smem:$0x3FB8] =	sst s0  }
0x18: {  	s0 =	sld [smem:$0x3F9B];
	_ =	swait.ge [sflag:s4], $0x0  }
0x19: {  	s7 =	sld [smem:$0x3F9C]  }
0x1a: {  	s8 =	sadd.s32 $0xFFFFE003, lr  }
0x1b: {  	s9 =	sadd.s32 $0xFFFFFEF7, lr;
	s5 =	simm.s32 $0xFFFFFFFF;
	p2 =	slt.u32 s8, $0xFFFFF086  }
0x1c: {  	p1 =	slt.u32 s9, $0xF7A;
	s5 =	simm.s32 @!p2 $0x0  }
0x1d: {  	s5 =	simm.s32 @p1 $0x1;
	p0 =	seq.s32 s7, s2  }
0x1e: {  	s7 =	smul.u32 @!p0 $0xF7A, s2;
	p2 =	seq.s32 @!p0 s5, $0x0  }
0x1f: {  	s9 =	smul.u32 $0xF7A, s1;
	s8 =	simm.s32 @!p0 $0x1BF5;
	p2 =	por !p2, p0  }
0x20: {  	[sflag:s8] =	ssyncset.s32 @!p0 $0xFFFFF086;
	s6 =	sadd.s32 @!p0 s3, s7;
	s7 =	simm.s32 @!p0 $0x108  }
0x21: {  	s3 =	sadd.s32 s3, s9;
	s6 =	sadd.s32 @!p0 $0x88, s6;
	s7 =	simm.s32 @p2 $0x1082  }
0x22: {  	[simem:s7], [sflag:s8] =	dma.local @!p0 [hbm:s6], $0xF7A  }
0x23: {  	s9 =	sor.u32 $0xD0000000, s2;
	s6 =	simm.s32 $0x108;
	_ =	swait.ge @!p0 [sflag:s8], $0x0  }
0x24: {  	s3 =	sadd.s32 $0x88, s3;
	s6 =	simm.s32 @!p1 $0x1082;
	[sflag:s4] =	ssyncset.s32 $0xFFFFF086  }
0x25: {  	[simem:s6], [sflag:s4] =	dma.local [hbm:s3], $0xF7A  }
0x26: {  	[smem:$0x3F9C] =	sst s1;
	(tag) =	ssettag s2;
	_ =	strace s9  }
0x27: {  	s1 =	sld [smem:$0x3FAC]  }
0x28: {  	s2 =	sld [smem:$0x3FAD]  }
0x29: {  	s4 =	sld [smem:$0x3FAF]  }
0x2a: {  	p0 =	seq.s32 s5, $0x0;
	s5 =	sld [smem:$0x3FB0]  }
0x2b: {  	s6 =	sld [smem:$0x3FB1]  }
0x2c: {  	s7 =	sld [smem:$0x3FB2]  }
0x2d: {  	s3 =	simm.s32 $0x108;
	s8 =	sld [smem:$0x3FB3]  }
0x2e: {  	s3 =	simm.s32 @!p0 $0x1082;
	s9 =	sld [smem:$0x3FB4]  }
0x2f: {  	lr =	sadd.s32 s0, s3;
	s0 =	sld [smem:$0x3FAB]  }
0x30: {  	s3 =	sld [smem:$0x3FAE]  }
0x31: {  	[smem:$0x3FB7] =	sst s10  }
0x32: {  	s10 =	sld [smem:$0x3FB5];
	_ =	sdelay $0x3  }
0x33: {  	p0 =	seq.s32 s10, $0x1;
	s10 =	sld [smem:$0x3FB7];
	_ =	sdelay $0x3  }
0x34: {  	[smem:$0x3FB7] =	sst s10  }
0x35: {  	s10 =	sld [smem:$0x3FB6];
	_ =	sdelay $0x3  }
0x36: {  	p1 =	seq.s32 s10, $0x1;
	s10 =	sld [smem:$0x3FB7];
	_ =	sdelay $0x3  }
0x37: {  	[smem:$0x3FB7] =	sst s10  }
0x38: {  	s10 =	sld [smem:$0x3FB8]  }
0x39: {  	_ = 	snop;
	(pc) =	sbr.ind lr, $3  }
0x3a: {  	_ = 	snop  }
0x3b: {  	_ = 	snop  }
0x3c: {  	p2 =	seq.s32 s10, $0x1;
	s10 =	sld [smem:$0x3FB7]  }
0x3d: {  	_ =	shalt  }
0x3e: {  	_ =	shalt  }
0x3f: {  	_ =	shalt  }
0x40: {  	_ =	shalt  }
0x41: {  	_ =	shalt  }
0x42: {  	_ =	shalt  }
0x43: {  	_ =	shalt  }
0x44: {  	_ =	shalt  }
0x45: {  	_ =	shalt  }
0x46: {  	_ =	shalt  }
0x47: {  	_ =	shalt  }
0x48: {  	_ =	shalt  }
0x49: {  	_ =	shalt  }
0x4a: {  	_ =	shalt  }
0x4b: {  	_ =	shalt  }
0x4c: {  	_ =	shalt  }
0x4d: {  	_ =	shalt  }
0x4e: {  	_ =	shalt  }
0x4f: {  	_ =	shalt  }
0x50: {  	_ =	shalt  }
0x51: {  	_ =	shalt  }
0x52: {  	_ =	shalt  }
0x53: {  	_ =	shalt  }
0x54: {  	_ =	shalt  }
0x55: {  	_ =	shalt  }
0x56: {  	_ =	shalt  }
0x57: {  	_ =	shalt  }
0x58: {  	_ =	shalt  }
0x59: {  	_ =	shalt  }
0x5a: {  	_ =	shalt  }
0x5b: {  	_ =	shalt  }
0x5c: {  	_ =	shalt  }
0x5d: {  	_ =	shalt  }
0x5e: {  	_ =	shalt  }
0x5f: {  	_ =	shalt  }
0x60: {  	_ =	shalt  }
0x61: {  	_ =	shalt  }
0x62: {  	_ =	shalt  }
0x63: {  	_ =	shalt  }
0x64: {  	_ =	shalt  }
0x65: {  	_ =	shalt  }
0x66: {  	_ =	shalt  }
0x67: {  	_ =	shalt  }
0x68: {  	_ =	shalt  }
0x69: {  	_ =	shalt  }
0x6a: {  	_ =	shalt  }
0x6b: {  	_ =	shalt  }
0x6c: {  	_ =	shalt  }
0x6d: {  	_ =	shalt  }
0x6e: {  	_ =	shalt  }
0x6f: {  	_ =	shalt  }
0x70: {  	_ =	shalt  }
0x71: {  	_ =	shalt  }
0x72: {  	_ =	shalt  }
0x73: {  	_ =	shalt  }
0x74: {  	_ =	shalt  }
0x75: {  	_ =	shalt  }
0x76: {  	_ =	shalt  }
0x77: {  	_ =	shalt  }
0x78: {  	_ =	shalt  }
0x79: {  	_ =	shalt  }
0x7a: {  	_ =	shalt  }
0x7b: {  	_ =	shalt  }
0x7c: {  	_ =	shalt  }
0x7d: {  	_ =	shalt  }
0x7e: {  	_ =	shalt  }
0x7f: {  	_ =	shalt  }
0x80: {  	_ =	shalt  }
0x81: {  	_ =	shalt  }
0x82: {  	_ =	shalt  }
0x83: {  	_ =	shalt  }
0x84: {  	_ =	shalt  }
0x85: {  	_ =	shalt  }
0x86: {  	_ =	shalt  }
0x87: {  	_ =	shalt  }
.Lfunc_end0:
.L_simem_size_0:
called_computation_lowered:
.L_overlay_start_0:
0x88: {  	s2 =	sld [smem:$0x3FD9]  }
0x89: {  	s3 =	sld [smem:$0x3FFE];
	_ =	sdelay $0x1  }
0x8a: {  	s1 =	srdreg.scid  }
0x8b: {  	s0 =	sand.u32 $0x1, s1  }
0x8c: {  	s14 =	sshll.u32 s0, $0xA;
	s2 =	sadd.s32 s3, s2  }
0x8d: {  	s2 =	sadd.s32 s2, s14  }
0x8e: {  	[smem:$0x3FC3] =	sst s2  }
0x8f: {  	_ = 	snop  }
0x90: {  	s2 =	sld [smem:$0x3FC9]  }
0x91: {  	s15 =	sld [smem:$0x3FD0]  }
0x92: {  	s4 =	sld [smem:$0x3FC8]  }
0x93: {  	s5 =	sld [smem:$0x3FC6]  }
0x94: {  	s7 =	simm.s32 $0xA;
	s8 =	simm.s32 $0x10;
	s6 =	sld [smem:$0x3FC5]  }
0x95: {  	[smem:s8], [sflag:s7] =	dma.local [hbm:s15], $0x1  }
0x96: {  	_ =	swait.eq [sflag:s7], $0x1  }
0x97: {  	s16 =	sld [smem:$0x10];
	[sflag:s7] =	ssyncset.done $0x0  }
0x98: {  	s17 =	sld [smem:$0x11];
	[sflag:s7] =	ssyncadd.s32 $0xFFFFFFFF  }
0x99: {  	s18 =	sld [smem:$0x12];
	(tm) =	ssettm $0x1  }
0x9a: {  	s9 =	sld [smem:$0x3FFB];
	_ =	sdelay $0x3  }
0x9b: {  	_ =	strace s9  }
0x9c: {  	s9 =	sld [smem:$0x3FFC];
	_ =	sdelay $0x3  }
0x9d: {  	_ =	strace s9  }
0x9e: {  	s9 =	sld [smem:$0x3FFD];
	_ =	sdelay $0x3  }
0x9f: {  	_ =	strace s9  }
0xa0: {  	_ =	strace $0x8FFFFFFF  }
0xa1: {  	s19 =	sld [smem:$0x3FDB];
	_ =	sdelay $0x1  }
0xa2: {  	s10 =	simm.s32 $_scs_section_size  }
0xa3: {  	s11 =	simm.s32 $_size__tile_overlayer_lowered;
	s12 =	simm.s32 $_tile_overlayer_lowered  }
0xa4: {  	s22 =	simm.s32 $0x1BFF;
	s21 =	sshll.u32 s12, $0x1;
	s9 =	sadd.s32 s10, s19  }
0xa5: {  	s13 =	simm.s32 $0x0;
	s20 =	sshll.u32 s11, $0x1;
	s11 =	sadd.s32 s21, s9  }
0xa6: {  	[timem:s13], [sflag:s22] =	dma.local [hbm:s11], s20  }
0xa7: {  	_ =	swait.ge [sflag:s22], s20  }
0xa8: {  	s10 =	ssub.s32 $0x0, s20;
	[sflag:s22] =	ssyncset.done $0x0  }
0xa9: {  	[sflag:s22] =	ssyncadd.s32 s10;
	_ =	sdelay $0x1  }
0xaa: {  	s23 =	simm.s32 $0x1B8B  }
0xab: {  	_ =	swait.ge [sflag:s23], $0x1  }
0xac: {  	[sflag:s23] =	ssyncset.done $0x0  }
0xad: {  	s25 =	simm.s32 $0x1B8E;
	s24 =	sld [smem:$0x3FFE];
	[sflag:s23] =	ssyncadd.s32 $0xFFFFFFFF  }
0xae: {  	s26 =	simm.s32 $execute0_lowered;
	[smem:$0x3FD2] =	sst s25  }
0xaf: {  	s11 =	sshll.u32 s26, $0x1;
	_ =	strace $0x80000046;
	[dreg:$0x1] =	wrdreg $0xFFFFFFFF  }
0xb0: {  	s28 =	simm.s32 $_size_execute0_lowered;
	s9 =	sadd.s32 s9, s11;
	[dreg:$0x0] =	wrdreg $0x0  }
0xb1: {  	s11 =	sshll.u32 s28, $0x1;
	[dreg:$0x2] =	wrdreg s9  }
0xb2: {  	[dreg:$0x3] =	wrdreg s11  }
0xb3: {  	[dreg:$0x4] =	wrdreg $0xC0  }
0xb4: {  	_ =	task [dreg:s13], $0x5FFFF  }
0xb5: {  	[dreg:$0x1] =	wrdreg $0xFFFFFFFF  }
0xb6: {  	[dreg:$0x0] =	wrdreg $0x60  }
0xb7: {  	[dreg:$0x2] =	wrdreg s2  }
0xb8: {  	[dreg:$0x3] =	wrdreg s4  }
0xb9: {  	[dreg:$0x4] =	wrdreg s18  }
0xba: {  	[dreg:$0x5] =	wrdreg s5  }
0xbb: {  	[dreg:$0x6] =	wrdreg s6  }
0xbc: {  	[dreg:$0x7] =	wrdreg s16  }
0xbd: {  	[dreg:$0x8] =	wrdreg s17  }
0xbe: {  	[dreg:$0x9] =	wrdreg s24  }
0xbf: {  	[dreg:$0xa] =	wrdreg $0x9  }
0xc0: {  	_ =	task.clear_ibuf [dreg:s13], $0xBFFFF;
	_ =	strace $0x90000046  }
0xc1: {  	s29 =	simm.s32 $0x9;
	_ =	strace $0x80000048  }
0xc2: {  	_ =	swait.ge [sflag:s29], $0x1  }
0xc3: {  	[sflag:s29] =	ssyncadd.s32 $0xFFFFFFFF  }
0xc4: {  	_ =	strace $0x90000048  }
0xc5: {  	_ =	sfence  }
0xc6: {  	s30 =	sld [smem:$0x0];
	_ =	sdelay $0x2  }
0xc7: {  	s31 =	sshll.u32 s1, $0xD;
	s1 =	sshrl.u32 s1, $0x2  }
0xc8: {  	s3 =	sand.u32 $0x4000, s31;
	s1 =	sadd.s32 s1, s30  }
0xc9: {  	s0 =	sor.u32 s3, s0;
	s1 =	sshll.u32 s1, $0x11  }
0xca: {  	s0 =	sor.u32 s1, s0  }
0xcb: {  	s0 =	sadd.s32 $0x8F2B, s0  }
0xcc: {  	[sflag:s0] =	ssyncadd.remote.s32 $0x1  }
0xcd: {  	_ =	sfence.sel $0xFFFF  }
0xce: {  	[dreg:$0x0] =	wrdreg $0xFFFFFFFF;
	(pc) =	sbr.abs _section_cstart, $3  }
0xcf: {  	[dreg:$0x1] =	wrdreg $0xFFFFFFFF  }
0xd0: {  	_ =	task.clear_ibuf [dreg:s13], $0x2FFFF;
	_ =	strace $0x9FFFFFFF  }
0xd1: {  	(tm) =	ssettm $0x7FFFFFFF  }
tec
execute0_lowered:
.L_overlay_start_1:
0x0: {  	(tag) =	ssettag $0x1  }
0x1: {  	s0 =	rddreg [dreg:$0x0]  }
0x2: {  	s3 =	rddreg [dreg:$0x3]  }
0x3: {  	s4 =	rddreg [dreg:$0x4]  }
0x4: {  	s5 =	rddreg [dreg:$0x5]  }
0x5: {  	s6 =	rddreg [dreg:$0x6]  }
0x6: {  	s1 =	rddreg [dreg:$0x7];
	s8 =	simm.s32 $0x0  }
0x7: {  	s7 =	srdreg.scid;
	s2 =	stileid.u32;
	s16 =	simm.s32 $0xA0  }
0x8: {  	s18 =	simm.s32 $0x64A0;
	s19 =	simm.s32 $0xE4A0;
	s20 =	simm.s32 $0xA4A0  }
0x9: {  	s21 =	simm.s32 $0x124A0;
	s22 =	simm.s32 $0x164A0;
	s23 =	simm.s32 $0x2  }
0xa: {  	s24 =	simm.s32 $0x3;
	s28 =	simm.s32 $0x17DA0;
	s29 =	simm.s32 $0x19060  }
0xb: {  	s30 =	simm.s32 $0x17760;
	s31 =	simm.s32 $0x183E0;
	[smem:$0x7FF] =	sst s8  }
0xc: {  	s7 =	sand.u32 $0x1, s7;
	s9 =	sshll.u32 s2, $0x1;
	s2 =	simm.s32 $0x0  }
0xd: {  	v3 =	vlaneseq.u32;
	_ =	strace $0x80000047;
	s10 =	ssub.s32 $0x2, s7;
	s7 =	sor.u32 s7, s9  }
0xe: {  	v1 =	vmul.u32 $0x20, v3;
	s9 =	sadd.s32 $0xC00, s1;
	s25 =	sshrl.u32 s10, $0x1;
	s11 =	sshll.u32 s7, $0x4  }
0xf: {  	v2 =	vshrl.u32 v3, $0x3;
	v5 =	vand.u32 $0x7, v3;
	s1 =	ssub.s32 s10, s25;
	s10 =	sshll.u32 s7, $0x7;
	s0 =	sadd.s32 s0, s11  }
0x10: {  	v3 =	vimm.s32 $0x0;
	v0 =	vor.u32 s7, v1;
	v1 =	vadd.s32 $0x120, v1;
	s25 =	simm.s32 $0x18A20;
	[dreg:$0x9] =	wrdreg s0;
	s26 =	smax.u32 s1, $0x1  }
0x11: {  	v4 =	vmul.u32 $0x80, v2;
	v5 =	vmul.u32 $0x80, v5;
	v1 =	vor.u32 s7, v1;
	s1 =	simm.s32 $0x4;
	[dreg:$0xa] =	wrdreg s26;
	s26 =	simm.s32 $0x17120  }
.LBB2_1:
0x12: {  	[dreg:$0xb] =	wrdreg s2  }
0x13: {  	s0 =	rddreg [dreg:$0x9];
	s14 =	simm.s32 $0x5  }
0x14: {  	[tilespmem:s8], [sflag:$0x5] =	stream.linear.gather [hbm4b:s0+s8], $0x80, $0x38;
	[tilespmem:$0x196A0] =	vst v63  }
0x15: {  	_ =	swait.ge [sflag:s14], $0x80  }
0x16: {  	[sflag:s14] =	ssyncset.done $0x0  }
0x17: {  	[sflag:s14] =	ssyncadd.s32 $0xFFFFFF80  }
0x18: {  	s15 =	simm.s32 $0x19;
	[tilespmem:$0x80] =	vst v0  }
0x19: {  	s7 =	simm.s32 $0x80;
	s17 =	simm.s32 $0x1;
	s0 =	rddreg [dreg:$0x1];
	[tilespmem:$0x89] =	vst v1  }
0x1a: {  	[tilespmem:s16], [sflag:$0x1] =	stream.indirect.gather [hbm4b:s0+s15], $0x400, s7, s15, $0xb8;
	[tilespmem:$0x196A0] =	vst v63  }
0x1b: {  	_ =	swait.ge [sflag:s17], $0x6400  }
0x1c: {  	[sflag:s17] =	ssyncset.done $0x0  }
0x1d: {  	s0 =	simm.s32 $0x0;
	[sflag:s17] =	ssyncadd.s32 $0xFFFF9C00  }
.LBB2_2:
0x1e: {  	s7 =	sshll.u32 s0, $0x1  }
0x1f: {  	v7 =	vmov s7;
	_ =	sdelay $0x4  }
0x20: {  	v6 =	vld.idx.msk [tilespmem:v7+s8+$0x0], $0xffff;
	_ =	sdelay $0x4  }
0x21: {  	v6 =	vxor.u32 $0x80000000, v6  }
0x22: {  	(xrf0) =	vmax.scan.msk.u32 $0xffff, v6;
	_ =	sdelay $0x5  }
0x23: {  	v6, _, _ =	vpop (xrf0)  }
0x24: {  	(v2sf) =	vpush v6, $0xF;
	_ =	sdelay $0xe  }
0x25: {  	s11 =	spop (v2sf)  }
0x26: {  	s12 =	sshllo.u32 s0, $0x1;
	s11 =	sshll.u32 s11, $0xB  }
0x27: {  	v6 =	vmov s12;
	s11 =	sand.u32 $0x1FFFF800, s11  }
0x28: {  	s14 =	sadd.s32 s3, s11  }
0x29: {  	[tilespmem:s18], [sflag:$0x2] =	stream.linear.gather [hbm4b:s14+s8], $0x4000, $0x38;
	[tilespmem:$0x196A0] =	vst v63  }
0x2a: {  	s11 =	sadd.s32 s4, s11  }
0x2b: {  	[tilespmem:s19], [sflag:$0x2] =	stream.linear.gather [hbm4b:s11+s8], $0x4000, $0x38;
	[tilespmem:$0x196A0] =	vst v63  }
0x2c: {  	v8 =	vld.idx.msk [tilespmem:v6+s8+$0x0], $0xffff;
	_ =	sdelay $0x4  }
0x2d: {  	v8 =	vxor.u32 $0x80000000, v8  }
0x2e: {  	(xrf0) =	vmax.scan.msk.u32 $0xffff, v8;
	_ =	sdelay $0x5  }
0x2f: {  	v8, _, _ =	vpop (xrf0)  }
0x30: {  	(v2sf) =	vpush v8, $0xF;
	_ =	sdelay $0xe  }
0x31: {  	s15 =	spop (v2sf)  }
0x32: {  	s11 =	sshll.u32 s15, $0xB  }
0x33: {  	s7 =	sadd.s32 s10, s7;
	s11 =	sand.u32 $0x1FFFF800, s11  }
0x34: {  	s7 =	smul.u32 $0x640, s7;
	s17 =	sadd.s32 s3, s11  }
0x35: {  	[tilespmem:s20], [sflag:$0x2] =	stream.linear.gather [hbm4b:s17+s8], $0x4000, $0x38;
	[tilespmem:$0x196A0] =	vst v63  }
0x36: {  	s2 =	rddreg [dreg:$0x2];
	s14 =	sshrl.u32 s7, $0x3;
	s11 =	sadd.s32 s4, s11  }
0x37: {  	[tilespmem:s21], [sflag:$0x2] =	stream.linear.gather [hbm4b:s11+s8], $0x4000, $0x38;
	[tilespmem:$0x196A0] =	vst v63  }
0x38: {  	s7 =	sadd.s32 s2, s14  }
0x39: {  	[tilespmem:s22], [sflag:$0x3] =	stream.linear.gather [hbm4b:s7+s8], $0xC80, $0x38;
	[tilespmem:$0x196A0] =	vst v63  }
0x3a: {  	_ =	swait.ge [sflag:s23], $0x4000  }
0x3b: {  	[sflag:s23] =	ssyncset.done $0x0  }
0x3c: {  	[sflag:s23] =	ssyncadd.s32 $0xFFFFC000  }
0x3d: {  	_ =	swait.ge [sflag:s23], $0x4000  }
0x3e: {  	[sflag:s23] =	ssyncset.done $0x0  }
0x3f: {  	[sflag:s23] =	ssyncadd.s32 $0xFFFFC000  }
0x40: {  	s13 =	simm.s32 $0x17DF0;
	s12 =	simm.s32 $0x18A70;
	_ =	swait.ge [sflag:s24], $0xC80  }
0x41: {  	s15 =	simm.s32 $0xFFFFFFF6;
	s17 =	simm.s32 $0x17170;
	[sflag:s24] =	ssyncset.done $0x0  }
0x42: {  	v7 =	vand.u32 $0x7E, v7;
	s11 =	simm.s32 $0x12;
	s7 =	simm.s32 $0x164F0;
	[sflag:s24] =	ssyncadd.s32 $0xFFFFF380  }
.LBB2_3:
0x43: {  	s2 =	sadd.s32 $0xFFFFFFEE, s11  }
0x44: {  	v8 =	vor.u32 s2, v2  }
0x45: {  	v9 =	vmov s2;
	v8 =	vand.u32 $0x5, v8  }
0x46: {  	vm0 =	veq.s32 v9, v2;
	vm1 =	vne.s32 v8, $0x0  }
0x47: {  	vm0 =	vmand vm0, vm1  }
0x48: {  	v9 =	vshrl.u32 v9, $0x3;
	v10 =	vsel vm0, $0xFFFFFFFF, v3  }
0x49: {  	v9 =	vadd.s32 v10, v9  }
0x4a: {  	v8 =	vshll.u32 v8, $0x7;
	v9 =	vshll.u32 v9, $0xA  }
0x4b: {  	v8 =	vor.u32 v8, v9  }
0x4c: {  	v8 =	vor.u32 v7, v8;
	_ =	sdelay $0x4  }
0x4d: {  	v8 =	vld.idx.msk [tilespmem:v8+s16+$0x0], $0xffff;
	_ =	sdelay $0x4  }
0x4e: {  	v19 =	vshll.u32 v8, $0x3  }
0x4f: {  	v8 =	vand.u32 $0x7F, v8;
	v9 =	vand.u32 $0xFFFFFC00, v19  }
0x50: {  	v8 =	vor.u32 v9, v8  }
0x51: {  	v8 =	vor.u32 v5, v8;
	_ =	sdelay $0x4  }
0x52: {  	v20 =	vld.idx.msk [tilespmem:v8+s19+$0x0], $0xffff;
	_ =	sdelay $0x4  }
0x53: {  	v21 =	vshra.s32 v20, $0x1;
	v11 =	vmul.f32 $5.000000000e-01, v20  }
0x54: {  	v10 =	vsub.s32 $0x5F3759DF, v21  }
0x55: {  	v12 =	vmul.f32 v10, v11;
	_ =	sdelay $0x1  }
0x56: {  	v12 =	vmul.f32 v10, v12;
	_ =	sdelay $0x1  }
0x57: {  	v12 =	vsub.f32 $1.500000000e+00, v12;
	_ =	sdelay $0x1  }
0x58: {  	v10 =	vmul.f32 v10, v12;
	_ =	sdelay $0x1  }
0x59: {  	v22 =	vld [tilespmem:s7+$0xFFFFFFB0];
	s2 =	sadd.s32 $0xFFFFFFF0, s11;
	v11 =	vmul.f32 v10, v11  }
0x5a: {  	v13 =	vmov s2;
	v8 =	vld.idx.msk [tilespmem:v8+s18+$0x0], $0xffff  }
0x5b: {  	v13 =	vshll.u32 v13, $0x7;
	v11 =	vmul.f32 v11, v10  }
0x5c: {  	v14 =	vor.u32 v4, v13  }
0x5d: {  	v13 =	vand.u32 $0x7C00, v13;
	v14 =	vand.u32 $0x380, v14;
	v11 =	vsub.f32 $1.500000000e+00, v11  }
0x5e: {  	v13 =	vor.u32 v14, v13  }
0x5f: {  	v24 =	vor.u32 v7, v13;
	v23 =	vsub.f32 v22, v8;
	v10 =	vmul.f32 v11, v10;
	_ =	sdelay $0x1  }
0x60: {  	[tilespmem:s17+$0xFFFFFFB0] =	vst v8;
	v8 =	vmul.f32 v10, v23  }
0x61: {  	[tilespmem:s13+$0xFFFFFFB0] =	vst v20  }
0x62: {  	[tilespmem:s12+$0xFFFFFFB0] =	vst v8  }
0x63: {  	v8 =	vld.idx.msk [tilespmem:v24+s16+$0x0], $0xffff;
	_ =	sdelay $0x4  }
0x64: {  	v25 =	vshll.u32 v8, $0x3  }
0x65: {  	v8 =	vand.u32 $0x7F, v8;
	v9 =	vand.u32 $0xFFFFFC00, v25  }
0x66: {  	v8 =	vor.u32 v9, v8  }
0x67: {  	v8 =	vor.u32 v5, v8;
	_ =	sdelay $0x4  }
0x68: {  	v26 =	vld.idx.msk [tilespmem:v8+s19+$0x0], $0xffff;
	_ =	sdelay $0x4  }
0x69: {  	v27 =	vshra.s32 v26, $0x1;
	v28 =	vmul.f32 $5.000000000e-01, v26  }
0x6a: {  	v10 =	vsub.s32 $0x5F3759DF, v27  }
0x6b: {  	v29 =	vmul.f32 v10, v28;
	_ =	sdelay $0x1  }
0x6c: {  	v12 =	vmul.f32 v10, v29;
	_ =	sdelay $0x1  }
0x6d: {  	v12 =	vsub.f32 $1.500000000e+00, v12;
	_ =	sdelay $0x1  }
0x6e: {  	v10 =	vmul.f32 v10, v12;
	_ =	sdelay $0x1  }
0x6f: {  	s2 =	sadd.s32 $0xFFFFFFF2, s11;
	v30 =	vld [tilespmem:s7+$0xFFFFFFC0];
	v11 =	vmul.f32 v10, v28  }
0x70: {  	v31 =	vmov s2;
	v8 =	vld.idx.msk [tilespmem:v8+s18+$0x0], $0xffff  }
0x71: {  	v13 =	vshll.u32 v31, $0x7;
	v11 =	vmul.f32 v11, v10  }
0x72: {  	v32 =	vor.u32 v4, v13  }
0x73: {  	v13 =	vand.u32 $0xFC00, v13;
	v14 =	vand.u32 $0x280, v32;
	v11 =	vsub.f32 $1.500000000e+00, v11  }
0x74: {  	v13 =	vor.u32 v14, v13  }
0x75: {  	v34 =	vor.u32 v7, v13;
	v33 =	vsub.f32 v30, v8;
	v10 =	vmul.f32 v11, v10;
	_ =	sdelay $0x1  }
0x76: {  	[tilespmem:s17+$0xFFFFFFC0] =	vst v8;
	v8 =	vmul.f32 v10, v33  }
0x77: {  	[tilespmem:s13+$0xFFFFFFC0] =	vst v26  }
0x78: {  	[tilespmem:s12+$0xFFFFFFC0] =	vst v8  }
0x79: {  	v8 =	vld.idx.msk [tilespmem:v34+s16+$0x0], $0xffff;
	_ =	sdelay $0x4  }
0x7a: {  	v35 =	vshll.u32 v8, $0x3  }
0x7b: {  	v8 =	vand.u32 $0x7F, v8;
	v9 =	vand.u32 $0xFFFFFC00, v35  }
0x7c: {  	v8 =	vor.u32 v9, v8  }
0x7d: {  	v8 =	vor.u32 v5, v8;
	_ =	sdelay $0x4  }
0x7e: {  	v36 =	vld.idx.msk [tilespmem:v8+s19+$0x0], $0xffff;
	_ =	sdelay $0x4  }
0x7f: {  	v37 =	vshra.s32 v36, $0x1;
	v38 =	vmul.f32 $5.000000000e-01, v36  }
0x80: {  	v10 =	vsub.s32 $0x5F3759DF, v37  }
0x81: {  	v39 =	vmul.f32 v10, v38;
	_ =	sdelay $0x1  }
0x82: {  	v12 =	vmul.f32 v10, v39;
	_ =	sdelay $0x1  }
0x83: {  	v12 =	vsub.f32 $1.500000000e+00, v12;
	_ =	sdelay $0x1  }
0x84: {  	v10 =	vmul.f32 v10, v12;
	_ =	sdelay $0x1  }
0x85: {  	s2 =	sadd.s32 $0xFFFFFFF4, s11;
	v40 =	vld [tilespmem:s7+$0xFFFFFFD0];
	v11 =	vmul.f32 v10, v38  }
0x86: {  	v41 =	vmov s2;
	v8 =	vld.idx.msk [tilespmem:v8+s18+$0x0], $0xffff  }
0x87: {  	v13 =	vshll.u32 v41, $0x7;
	v11 =	vmul.f32 v11, v10  }
0x88: {  	v42 =	vor.u32 v4, v13  }
0x89: {  	v13 =	vand.u32 $0xFC00, v13;
	v14 =	vand.u32 $0x380, v42;
	v11 =	vsub.f32 $1.500000000e+00, v11  }
0x8a: {  	v13 =	vor.u32 v14, v13  }
0x8b: {  	v44 =	vor.u32 v7, v13;
	v43 =	vsub.f32 v40, v8;
	v10 =	vmul.f32 v11, v10;
	_ =	sdelay $0x1  }
0x8c: {  	[tilespmem:s17+$0xFFFFFFD0] =	vst v8;
	v8 =	vmul.f32 v10, v43  }
0x8d: {  	[tilespmem:s13+$0xFFFFFFD0] =	vst v36  }
0x8e: {  	[tilespmem:s12+$0xFFFFFFD0] =	vst v8  }
0x8f: {  	v8 =	vld.idx.msk [tilespmem:v44+s16+$0x0], $0xffff;
	_ =	sdelay $0x4  }
0x90: {  	v45 =	vshll.u32 v8, $0x3  }
0x91: {  	v8 =	vand.u32 $0x7F, v8;
	v9 =	vand.u32 $0xFFFFFC00, v45  }
0x92: {  	v8 =	vor.u32 v9, v8  }
0x93: {  	v8 =	vor.u32 v5, v8;
	_ =	sdelay $0x4  }
0x94: {  	v46 =	vld.idx.msk [tilespmem:v8+s19+$0x0], $0xffff;
	_ =	sdelay $0x4  }
0x95: {  	v47 =	vshra.s32 v46, $0x1;
	v48 =	vmul.f32 $5.000000000e-01, v46  }
0x96: {  	v10 =	vsub.s32 $0x5F3759DF, v47  }
0x97: {  	v49 =	vmul.f32 v10, v48;
	_ =	sdelay $0x1  }
0x98: {  	v12 =	vmul.f32 v10, v49;
	_ =	sdelay $0x1  }
0x99: {  	v12 =	vsub.f32 $1.500000000e+00, v12;
	_ =	sdelay $0x1  }
0x9a: {  	v10 =	vmul.f32 v10, v12;
	_ =	sdelay $0x1  }
0x9b: {  	s2 =	sadd.s32 $0xFFFFFFF6, s11;
	v50 =	vld [tilespmem:s7+$0xFFFFFFE0];
	v11 =	vmul.f32 v10, v48  }
0x9c: {  	v51 =	vmov s2;
	v8 =	vld.idx.msk [tilespmem:v8+s18+$0x0], $0xffff  }
0x9d: {  	v13 =	vshll.u32 v51, $0x7;
	v11 =	vmul.f32 v11, v10  }
0x9e: {  	v52 =	vor.u32 v4, v13  }
0x9f: {  	v13 =	vand.u32 $0xFC00, v13;
	v14 =	vand.u32 $0x280, v52;
	v11 =	vsub.f32 $1.500000000e+00, v11  }
0xa0: {  	v13 =	vor.u32 v14, v13  }
0xa1: {  	v54 =	vor.u32 v7, v13;
	v53 =	vsub.f32 v50, v8;
	v10 =	vmul.f32 v11, v10;
	_ =	sdelay $0x1  }
0xa2: {  	[tilespmem:s17+$0xFFFFFFE0] =	vst v8;
	v8 =	vmul.f32 v10, v53  }
0xa3: {  	[tilespmem:s13+$0xFFFFFFE0] =	vst v46  }
0xa4: {  	[tilespmem:s12+$0xFFFFFFE0] =	vst v8  }
0xa5: {  	v8 =	vld.idx.msk [tilespmem:v54+s16+$0x0], $0xffff;
	_ =	sdelay $0x4  }
0xa6: {  	v55 =	vshll.u32 v8, $0x3  }
0xa7: {  	v8 =	vand.u32 $0x7F, v8;
	v9 =	vand.u32 $0xFFFFFC00, v55  }
0xa8: {  	v8 =	vor.u32 v9, v8  }
0xa9: {  	v8 =	vor.u32 v5, v8;
	_ =	sdelay $0x4  }
0xaa: {  	v56 =	vld.idx.msk [tilespmem:v8+s19+$0x0], $0xffff;
	_ =	sdelay $0x4  }
0xab: {  	v57 =	vshra.s32 v56, $0x1;
	v58 =	vmul.f32 $5.000000000e-01, v56  }
0xac: {  	v10 =	vsub.s32 $0x5F3759DF, v57  }
0xad: {  	v59 =	vmul.f32 v10, v58;
	_ =	sdelay $0x1  }
0xae: {  	v12 =	vmul.f32 v10, v59;
	_ =	sdelay $0x1  }
0xaf: {  	v12 =	vsub.f32 $1.500000000e+00, v12;
	_ =	sdelay $0x1  }
0xb0: {  	v10 =	vmul.f32 v10, v12;
	_ =	sdelay $0x1  }
0xb1: {  	s2 =	sadd.s32 $0xFFFFFFF8, s11;
	v60 =	vld [tilespmem:s7+$0xFFFFFFF0];
	v11 =	vmul.f32 v10, v58  }
0xb2: {  	v61 =	vmov s2;
	v8 =	vld.idx.msk [tilespmem:v8+s18+$0x0], $0xffff  }
0xb3: {  	v13 =	vshll.u32 v61, $0x7;
	v11 =	vmul.f32 v11, v10  }
0xb4: {  	v62 =	vor.u32 v4, v13  }
0xb5: {  	v13 =	vand.u32 $0xFC00, v13;
	v14 =	vand.u32 $0x380, v62;
	v11 =	vsub.f32 $1.500000000e+00, v11  }
0xb6: {  	v13 =	vor.u32 v14, v13  }
0xb7: {  	v16 =	vor.u32 v7, v13;
	v63 =	vsub.f32 v60, v8;
	v10 =	vmul.f32 v11, v10;
	_ =	sdelay $0x1  }
0xb8: {  	[tilespmem:s17+$0xFFFFFFF0] =	vst v8;
	v8 =	vmul.f32 v10, v63  }
0xb9: {  	[tilespmem:s13+$0xFFFFFFF0] =	vst v56  }
0xba: {  	[tilespmem:s12+$0xFFFFFFF0] =	vst v8  }
0xbb: {  	v8 =	vld.idx.msk [tilespmem:v16+s16+$0x0], $0xffff;
	_ =	sdelay $0x4  }
0xbc: {  	v17 =	vshll.u32 v8, $0x3  }
0xbd: {  	v8 =	vand.u32 $0x7F, v8;
	v9 =	vand.u32 $0xFFFFFC00, v17  }
0xbe: {  	v8 =	vor.u32 v9, v8  }
0xbf: {  	v8 =	vor.u32 v5, v8;
	_ =	sdelay $0x4  }
0xc0: {  	v18 =	vld.idx.msk [tilespmem:v8+s19+$0x0], $0xffff;
	_ =	sdelay $0x4  }
0xc1: {  	v19 =	vshra.s32 v18, $0x1;
	v20 =	vmul.f32 $5.000000000e-01, v18  }
0xc2: {  	v10 =	vsub.s32 $0x5F3759DF, v19  }
0xc3: {  	v21 =	vmul.f32 v10, v20;
	_ =	sdelay $0x1  }
0xc4: {  	v12 =	vmul.f32 v10, v21;
	_ =	sdelay $0x1  }
0xc5: {  	v12 =	vsub.f32 $1.500000000e+00, v12;
	_ =	sdelay $0x1  }
0xc6: {  	v10 =	vmul.f32 v10, v12;
	_ =	sdelay $0x1  }
0xc7: {  	s2 =	sadd.s32 $0xFFFFFFFA, s11;
	v22 =	vld [tilespmem:s7+$0x0];
	v11 =	vmul.f32 v10, v20  }
0xc8: {  	v23 =	vmov s2;
	v8 =	vld.idx.msk [tilespmem:v8+s18+$0x0], $0xffff  }
0xc9: {  	v13 =	vshll.u32 v23, $0x7;
	v11 =	vmul.f32 v11, v10  }
0xca: {  	v24 =	vor.u32 v4, v13  }
0xcb: {  	v13 =	vand.u32 $0xFC00, v13;
	v14 =	vand.u32 $0x280, v24;
	v11 =	vsub.f32 $1.500000000e+00, v11  }
0xcc: {  	v13 =	vor.u32 v14, v13  }
0xcd: {  	v26 =	vor.u32 v7, v13;
	v25 =	vsub.f32 v22, v8;
	v10 =	vmul.f32 v11, v10;
	_ =	sdelay $0x1  }
0xce: {  	[tilespmem:s17+$0x0] =	vst v8;
	v8 =	vmul.f32 v10, v25  }
0xcf: {  	[tilespmem:s13+$0x0] =	vst v18  }
0xd0: {  	[tilespmem:s12+$0x0] =	vst v8  }
0xd1: {  	v8 =	vld.idx.msk [tilespmem:v26+s16+$0x0], $0xffff;
	_ =	sdelay $0x4  }
0xd2: {  	v27 =	vshll.u32 v8, $0x3  }
0xd3: {  	v8 =	vand.u32 $0x7F, v8;
	v9 =	vand.u32 $0xFFFFFC00, v27  }
0xd4: {  	v8 =	vor.u32 v9, v8  }
0xd5: {  	v8 =	vor.u32 v5, v8;
	_ =	sdelay $0x4  }
0xd6: {  	v28 =	vld.idx.msk [tilespmem:v8+s19+$0x0], $0xffff;
	_ =	sdelay $0x4  }
0xd7: {  	v29 =	vshra.s32 v28, $0x1;
	v30 =	vmul.f32 $5.000000000e-01, v28  }
0xd8: {  	v10 =	vsub.s32 $0x5F3759DF, v29  }
0xd9: {  	v31 =	vmul.f32 v10, v30;
	_ =	sdelay $0x1  }
0xda: {  	v12 =	vmul.f32 v10, v31;
	_ =	sdelay $0x1  }
0xdb: {  	v12 =	vsub.f32 $1.500000000e+00, v12;
	_ =	sdelay $0x1  }
0xdc: {  	v10 =	vmul.f32 v10, v12;
	_ =	sdelay $0x1  }
0xdd: {  	s2 =	sadd.s32 $0xFFFFFFFC, s11;
	v32 =	vld [tilespmem:s7+$0x10];
	v11 =	vmul.f32 v10, v30  }
0xde: {  	v33 =	vmov s2;
	v8 =	vld.idx.msk [tilespmem:v8+s18+$0x0], $0xffff  }
0xdf: {  	v13 =	vshll.u32 v33, $0x7;
	v11 =	vmul.f32 v11, v10  }
0xe0: {  	v34 =	vor.u32 v4, v13  }
0xe1: {  	v13 =	vand.u32 $0xFC00, v13;
	v14 =	vand.u32 $0x380, v34;
	v11 =	vsub.f32 $1.500000000e+00, v11  }
0xe2: {  	v13 =	vor.u32 v14, v13  }
0xe3: {  	v36 =	vor.u32 v7, v13;
	v35 =	vsub.f32 v32, v8;
	v10 =	vmul.f32 v11, v10;
	_ =	sdelay $0x1  }
0xe4: {  	[tilespmem:s17+$0x10] =	vst v8;
	v8 =	vmul.f32 v10, v35  }
0xe5: {  	[tilespmem:s13+$0x10] =	vst v28  }
0xe6: {  	[tilespmem:s12+$0x10] =	vst v8  }
0xe7: {  	v8 =	vld.idx.msk [tilespmem:v36+s16+$0x0], $0xffff;
	_ =	sdelay $0x4  }
0xe8: {  	v37 =	vshll.u32 v8, $0x3  }
0xe9: {  	v8 =	vand.u32 $0x7F, v8;
	v9 =	vand.u32 $0xFFFFFC00, v37  }
0xea: {  	v8 =	vor.u32 v9, v8  }
0xeb: {  	v8 =	vor.u32 v5, v8;
	_ =	sdelay $0x4  }
0xec: {  	v38 =	vld.idx.msk [tilespmem:v8+s19+$0x0], $0xffff;
	_ =	sdelay $0x4  }
0xed: {  	v39 =	vshra.s32 v38, $0x1;
	v40 =	vmul.f32 $5.000000000e-01, v38  }
0xee: {  	v10 =	vsub.s32 $0x5F3759DF, v39  }
0xef: {  	v41 =	vmul.f32 v10, v40;
	_ =	sdelay $0x1  }
0xf0: {  	v12 =	vmul.f32 v10, v41;
	_ =	sdelay $0x1  }
0xf1: {  	v12 =	vsub.f32 $1.500000000e+00, v12;
	_ =	sdelay $0x1  }
0xf2: {  	v10 =	vmul.f32 v10, v12;
	_ =	sdelay $0x1  }
0xf3: {  	s2 =	sadd.s32 $0xFFFFFFFE, s11;
	v42 =	vld [tilespmem:s7+$0x20];
	v11 =	vmul.f32 v10, v40  }
0xf4: {  	v43 =	vmov s2;
	v8 =	vld.idx.msk [tilespmem:v8+s18+$0x0], $0xffff  }
0xf5: {  	v13 =	vshll.u32 v43, $0x7;
	v11 =	vmul.f32 v11, v10  }
0xf6: {  	v44 =	vor.u32 v4, v13  }
0xf7: {  	v13 =	vand.u32 $0xFC00, v13;
	v14 =	vand.u32 $0x280, v44;
	v11 =	vsub.f32 $1.500000000e+00, v11  }
0xf8: {  	v13 =	vor.u32 v14, v13  }
0xf9: {  	v46 =	vor.u32 v7, v13;
	v45 =	vsub.f32 v42, v8;
	v10 =	vmul.f32 v11, v10;
	_ =	sdelay $0x1  }
0xfa: {  	[tilespmem:s17+$0x20] =	vst v8;
	v8 =	vmul.f32 v10, v45  }
0xfb: {  	[tilespmem:s13+$0x20] =	vst v38  }
0xfc: {  	[tilespmem:s12+$0x20] =	vst v8  }
0xfd: {  	v8 =	vld.idx.msk [tilespmem:v46+s16+$0x0], $0xffff;
	_ =	sdelay $0x4  }
0xfe: {  	v47 =	vshll.u32 v8, $0x3  }
0xff: {  	v8 =	vand.u32 $0x7F, v8;
	v9 =	vand.u32 $0xFFFFFC00, v47  }
0x100: {  	v8 =	vor.u32 v9, v8  }
0x101: {  	v8 =	vor.u32 v5, v8;
	_ =	sdelay $0x4  }
0x102: {  	v48 =	vld.idx.msk [tilespmem:v8+s19+$0x0], $0xffff;
	_ =	sdelay $0x4  }
0x103: {  	v49 =	vshra.s32 v48, $0x1;
	v50 =	vmul.f32 $5.000000000e-01, v48  }
0x104: {  	v10 =	vsub.s32 $0x5F3759DF, v49  }
0x105: {  	v51 =	vmul.f32 v10, v50;
	_ =	sdelay $0x1  }
0x106: {  	v12 =	vmul.f32 v10, v51;
	_ =	sdelay $0x1  }
0x107: {  	v12 =	vsub.f32 $1.500000000e+00, v12;
	_ =	sdelay $0x1  }
0x108: {  	v10 =	vmul.f32 v10, v12;
	_ =	sdelay $0x1  }
0x109: {  	v52 =	vld [tilespmem:s7+$0x30];
	v11 =	vmul.f32 v10, v50  }
0x10a: {  	v53 =	vmov s11;
	v8 =	vld.idx.msk [tilespmem:v8+s18+$0x0], $0xffff  }
0x10b: {  	v13 =	vshll.u32 v53, $0x7;
	v11 =	vmul.f32 v11, v10  }
0x10c: {  	v54 =	vor.u32 v4, v13  }
0x10d: {  	v13 =	vand.u32 $0xFC00, v13;
	v14 =	vand.u32 $0x380, v54;
	v11 =	vsub.f32 $1.500000000e+00, v11  }
0x10e: {  	v13 =	vor.u32 v14, v13  }
0x10f: {  	v56 =	vor.u32 v7, v13;
	v55 =	vsub.f32 v52, v8;
	v10 =	vmul.f32 v11, v10;
	_ =	sdelay $0x1  }
0x110: {  	[tilespmem:s17+$0x30] =	vst v8;
	v8 =	vmul.f32 v10, v55  }
0x111: {  	[tilespmem:s13+$0x30] =	vst v48  }
0x112: {  	[tilespmem:s12+$0x30] =	vst v8  }
0x113: {  	v8 =	vld.idx.msk [tilespmem:v56+s16+$0x0], $0xffff;
	_ =	sdelay $0x4  }
0x114: {  	v57 =	vshll.u32 v8, $0x3  }
0x115: {  	v8 =	vand.u32 $0x7F, v8;
	v9 =	vand.u32 $0xFFFFFC00, v57  }
0x116: {  	v8 =	vor.u32 v9, v8  }
0x117: {  	v8 =	vor.u32 v5, v8;
	_ =	sdelay $0x4  }
0x118: {  	v58 =	vld.idx.msk [tilespmem:v8+s19+$0x0], $0xffff;
	_ =	sdelay $0x4  }
0x119: {  	v59 =	vshra.s32 v58, $0x1;
	v60 =	vmul.f32 $5.000000000e-01, v58  }
0x11a: {  	v10 =	vsub.s32 $0x5F3759DF, v59  }
0x11b: {  	v61 =	vmul.f32 v10, v60;
	_ =	sdelay $0x1  }
0x11c: {  	v12 =	vmul.f32 v10, v61;
	_ =	sdelay $0x1  }
0x11d: {  	v12 =	vsub.f32 $1.500000000e+00, v12;
	_ =	sdelay $0x1  }
0x11e: {  	v10 =	vmul.f32 v10, v12;
	_ =	sdelay $0x1  }
0x11f: {  	v62 =	vld [tilespmem:s7+$0x40];
	v11 =	vmul.f32 v10, v60  }
0x120: {  	v8 =	vld.idx.msk [tilespmem:v8+s18+$0x0], $0xffff  }
0x121: {  	v11 =	vmul.f32 v11, v10;
	_ =	sdelay $0x1  }
0x122: {  	s15 =	sadd.s32 $0xA, s15;
	v11 =	vsub.f32 $1.500000000e+00, v11  }
0x123: {  	p0 =	slt.u32 s15, $0x5A  }
.Ltmp0:
0x124: {  	v63 =	vsub.f32 v62, v8;
	v10 =	vmul.f32 v11, v10;
	(pc) =	sbr.rel @p0 .LBB2_3-.Ltmp0, $4  }
0x125: {  	_ = 	snop  }
0x126: {  	[tilespmem:s17+$0x40] =	vst v8;
	v8 =	vmul.f32 v10, v63  }
0x127: {  	s11 =	sadd.s32 $0x14, s11;
	s7 =	sadd.s32 $0xA0, s7;
	[tilespmem:s13+$0x40] =	vst v58  }
0x128: {  	s17 =	sadd.s32 $0xA0, s17;
	s13 =	sadd.s32 $0xA0, s13;
	[tilespmem:s12+$0x40] =	vst v8;
	s12 =	sadd.s32 $0xA0, s12  }
0x129: {  	_ =	swait.ge [sflag:s23], $0x4000  }
0x12a: {  	[sflag:s23] =	ssyncset.done $0x0  }
0x12b: {  	[sflag:s23] =	ssyncadd.s32 $0xFFFFC000  }
0x12c: {  	_ =	swait.ge [sflag:s23], $0x4000  }
0x12d: {  	[sflag:s23] =	ssyncset.done $0x0  }
0x12e: {  	s2 =	sadd.s32 s5, s14;
	[sflag:s23] =	ssyncadd.s32 $0xFFFFC000  }
0x12f: {  	[hbm4b:s2+s8] =	stream.linear.scatter [tilespmem:s25], [sflag:$0x4], $0x640, $0x38;
	[tilespmem:$0x196A0] =	vst v63  }
0x130: {  	s15 =	sadd.s32 s6, s14;
	s17 =	sadd.s32 s9, s14  }
0x131: {  	[hbm4b:s15+s8] =	stream.linear.scatter [tilespmem:s26], [sflag:$0x4], $0x640, $0x38;
	[tilespmem:$0x196A0] =	vst v63  }
0x132: {  	s11 =	simm.s32 $0x12;
	s12 =	simm.s32 $0x177F0;
	s13 =	simm.s32 $0x18470  }
0x133: {  	[hbm4b:s17+s8] =	stream.linear.scatter [tilespmem:s28], [sflag:$0x4], $0x640, $0x38;
	[tilespmem:$0x196A0] =	vst v63  }
0x134: {  	v6 =	vand.u32 $0x7F, v6;
	s7 =	simm.s32 $0x16B70;
	s15 =	simm.s32 $0xFFFFFFF6;
	s17 =	simm.s32 $0x190F0  }
.LBB2_5:
0x135: {  	s2 =	sadd.s32 $0xFFFFFFEE, s11  }
0x136: {  	v7 =	vor.u32 s2, v2  }
0x137: {  	v8 =	vmov s2;
	v7 =	vand.u32 $0x5, v7  }
0x138: {  	vm0 =	veq.s32 v8, v2;
	vm1 =	vne.s32 v7, $0x0  }
0x139: {  	vm0 =	vmand vm0, vm1  }
0x13a: {  	v8 =	vshrl.u32 v8, $0x3;
	v9 =	vsel vm0, $0xFFFFFFFF, v3  }
0x13b: {  	v8 =	vadd.s32 v9, v8  }
0x13c: {  	v7 =	vshll.u32 v7, $0x7;
	v8 =	vshll.u32 v8, $0xA  }
0x13d: {  	v7 =	vor.u32 v7, v8  }
0x13e: {  	v7 =	vor.u32 v6, v7;
	_ =	sdelay $0x4  }
0x13f: {  	v7 =	vld.idx.msk [tilespmem:v7+s16+$0x0], $0xffff;
	_ =	sdelay $0x4  }
0x140: {  	v8 =	vshll.u32 v7, $0x3  }
0x141: {  	v7 =	vand.u32 $0x7F, v7;
	v8 =	vand.u32 $0xFFFFFC00, v8  }
0x142: {  	v8 =	vor.u32 v7, v8;
	v7 =	vor.u32 $0x4000, v5  }
0x143: {  	v8 =	vadd.s32 v7, v8;
	_ =	sdelay $0x4  }
0x144: {  	v22 =	vld.idx.msk [tilespmem:v8+s19+$0x0], $0xffff;
	_ =	sdelay $0x4  }
0x145: {  	v10 =	vshra.s32 v22, $0x1;
	v11 =	vmul.f32 $5.000000000e-01, v22  }
0x146: {  	v10 =	vsub.s32 $0x5F3759DF, v10  }
0x147: {  	v12 =	vmul.f32 v10, v11;
	_ =	sdelay $0x1  }
0x148: {  	v12 =	vmul.f32 v10, v12;
	_ =	sdelay $0x1  }
0x149: {  	v12 =	vsub.f32 $1.500000000e+00, v12;
	_ =	sdelay $0x1  }
0x14a: {  	v10 =	vmul.f32 v10, v12;
	_ =	sdelay $0x1  }
0x14b: {  	v23 =	vld [tilespmem:s7+$0xFFFFFF70];
	s2 =	sadd.s32 $0xFFFFFFF0, s11;
	v11 =	vmul.f32 v10, v11  }
0x14c: {  	v13 =	vmov s2;
	v8 =	vld.idx.msk [tilespmem:v8+s18+$0x0], $0xffff  }
0x14d: {  	v13 =	vshll.u32 v13, $0x7;
	v11 =	vmul.f32 v11, v10  }
0x14e: {  	v14 =	vor.u32 v4, v13  }
0x14f: {  	v13 =	vand.u32 $0x7C00, v13;
	v14 =	vand.u32 $0x380, v14;
	v11 =	vsub.f32 $1.500000000e+00, v11  }
0x150: {  	v13 =	vor.u32 v14, v13  }
0x151: {  	v25 =	vor.u32 v6, v13;
	v24 =	vsub.f32 v23, v8;
	v10 =	vmul.f32 v11, v10;
	_ =	sdelay $0x1  }
0x152: {  	[tilespmem:s12+$0xFFFFFF70] =	vst v8;
	v8 =	vmul.f32 v10, v24  }
0x153: {  	[tilespmem:s13+$0xFFFFFF70] =	vst v22  }
0x154: {  	[tilespmem:s17+$0xFFFFFF70] =	vst v8  }
0x155: {  	v8 =	vld.idx.msk [tilespmem:v25+s16+$0x0], $0xffff;
	_ =	sdelay $0x4  }
0x156: {  	v26 =	vshll.u32 v8, $0x3  }
0x157: {  	v8 =	vand.u32 $0x7F, v8;
	v9 =	vand.u32 $0xFFFFFC00, v26  }
0x158: {  	v8 =	vor.u32 v8, v9  }
0x159: {  	v8 =	vadd.s32 v7, v8;
	_ =	sdelay $0x4  }
0x15a: {  	v27 =	vld.idx.msk [tilespmem:v8+s19+$0x0], $0xffff;
	_ =	sdelay $0x4  }
0x15b: {  	v28 =	vshra.s32 v27, $0x1;
	v29 =	vmul.f32 $5.000000000e-01, v27  }
0x15c: {  	v10 =	vsub.s32 $0x5F3759DF, v28  }
0x15d: {  	v30 =	vmul.f32 v10, v29;
	_ =	sdelay $0x1  }
0x15e: {  	v12 =	vmul.f32 v10, v30;
	_ =	sdelay $0x1  }
0x15f: {  	v12 =	vsub.f32 $1.500000000e+00, v12;
	_ =	sdelay $0x1  }
0x160: {  	v10 =	vmul.f32 v10, v12;
	_ =	sdelay $0x1  }
0x161: {  	s2 =	sadd.s32 $0xFFFFFFF2, s11;
	v31 =	vld [tilespmem:s7+$0xFFFFFF80];
	v11 =	vmul.f32 v10, v29  }
0x162: {  	v32 =	vmov s2;
	v8 =	vld.idx.msk [tilespmem:v8+s18+$0x0], $0xffff  }
0x163: {  	v13 =	vshll.u32 v32, $0x7;
	v11 =	vmul.f32 v11, v10  }
0x164: {  	v33 =	vor.u32 v4, v13  }
0x165: {  	v13 =	vand.u32 $0xFC00, v13;
	v14 =	vand.u32 $0x280, v33;
	v11 =	vsub.f32 $1.500000000e+00, v11  }
0x166: {  	v13 =	vor.u32 v14, v13  }
0x167: {  	v35 =	vor.u32 v6, v13;
	v34 =	vsub.f32 v31, v8;
	v10 =	vmul.f32 v11, v10;
	_ =	sdelay $0x1  }
0x168: {  	[tilespmem:s12+$0xFFFFFF80] =	vst v8;
	v8 =	vmul.f32 v10, v34  }
0x169: {  	[tilespmem:s13+$0xFFFFFF80] =	vst v27  }
0x16a: {  	[tilespmem:s17+$0xFFFFFF80] =	vst v8  }
0x16b: {  	v8 =	vld.idx.msk [tilespmem:v35+s16+$0x0], $0xffff;
	_ =	sdelay $0x4  }
0x16c: {  	v36 =	vshll.u32 v8, $0x3  }
0x16d: {  	v8 =	vand.u32 $0x7F, v8;
	v9 =	vand.u32 $0xFFFFFC00, v36  }
0x16e: {  	v8 =	vor.u32 v8, v9  }
0x16f: {  	v8 =	vadd.s32 v7, v8;
	_ =	sdelay $0x4  }
0x170: {  	v37 =	vld.idx.msk [tilespmem:v8+s19+$0x0], $0xffff;
	_ =	sdelay $0x4  }
0x171: {  	v38 =	vshra.s32 v37, $0x1;
	v39 =	vmul.f32 $5.000000000e-01, v37  }
0x172: {  	v10 =	vsub.s32 $0x5F3759DF, v38  }
0x173: {  	v40 =	vmul.f32 v10, v39;
	_ =	sdelay $0x1  }
0x174: {  	v12 =	vmul.f32 v10, v40;
	_ =	sdelay $0x1  }
0x175: {  	v12 =	vsub.f32 $1.500000000e+00, v12;
	_ =	sdelay $0x1  }
0x176: {  	v10 =	vmul.f32 v10, v12;
	_ =	sdelay $0x1  }
0x177: {  	s2 =	sadd.s32 $0xFFFFFFF4, s11;
	v41 =	vld [tilespmem:s7+$0xFFFFFF90];
	v11 =	vmul.f32 v10, v39  }
0x178: {  	v42 =	vmov s2;
	v8 =	vld.idx.msk [tilespmem:v8+s18+$0x0], $0xffff  }
0x179: {  	v13 =	vshll.u32 v42, $0x7;
	v11 =	vmul.f32 v11, v10  }
0x17a: {  	v43 =	vor.u32 v4, v13  }
0x17b: {  	v13 =	vand.u32 $0xFC00, v13;
	v14 =	vand.u32 $0x380, v43;
	v11 =	vsub.f32 $1.500000000e+00, v11  }
0x17c: {  	v13 =	vor.u32 v14, v13  }
0x17d: {  	v45 =	vor.u32 v6, v13;
	v44 =	vsub.f32 v41, v8;
	v10 =	vmul.f32 v11, v10;
	_ =	sdelay $0x1  }
0x17e: {  	[tilespmem:s12+$0xFFFFFF90] =	vst v8;
	v8 =	vmul.f32 v10, v44  }
0x17f: {  	[tilespmem:s13+$0xFFFFFF90] =	vst v37  }
0x180: {  	[tilespmem:s17+$0xFFFFFF90] =	vst v8  }
0x181: {  	v8 =	vld.idx.msk [tilespmem:v45+s16+$0x0], $0xffff;
	_ =	sdelay $0x4  }
0x182: {  	v46 =	vshll.u32 v8, $0x3  }
0x183: {  	v8 =	vand.u32 $0x7F, v8;
	v9 =	vand.u32 $0xFFFFFC00, v46  }
0x184: {  	v8 =	vor.u32 v8, v9  }
0x185: {  	v8 =	vadd.s32 v7, v8;
	_ =	sdelay $0x4  }
0x186: {  	v47 =	vld.idx.msk [tilespmem:v8+s19+$0x0], $0xffff;
	_ =	sdelay $0x4  }
0x187: {  	v48 =	vshra.s32 v47, $0x1;
	v49 =	vmul.f32 $5.000000000e-01, v47  }
0x188: {  	v10 =	vsub.s32 $0x5F3759DF, v48  }
0x189: {  	v50 =	vmul.f32 v10, v49;
	_ =	sdelay $0x1  }
0x18a: {  	v12 =	vmul.f32 v10, v50;
	_ =	sdelay $0x1  }
0x18b: {  	v12 =	vsub.f32 $1.500000000e+00, v12;
	_ =	sdelay $0x1  }
0x18c: {  	v10 =	vmul.f32 v10, v12;
	_ =	sdelay $0x1  }
0x18d: {  	s2 =	sadd.s32 $0xFFFFFFF6, s11;
	v51 =	vld [tilespmem:s7+$0xFFFFFFA0];
	v11 =	vmul.f32 v10, v49  }
0x18e: {  	v52 =	vmov s2;
	v8 =	vld.idx.msk [tilespmem:v8+s18+$0x0], $0xffff  }
0x18f: {  	v13 =	vshll.u32 v52, $0x7;
	v11 =	vmul.f32 v11, v10  }
0x190: {  	v53 =	vor.u32 v4, v13  }
0x191: {  	v13 =	vand.u32 $0xFC00, v13;
	v14 =	vand.u32 $0x280, v53;
	v11 =	vsub.f32 $1.500000000e+00, v11  }
0x192: {  	v13 =	vor.u32 v14, v13  }
0x193: {  	v55 =	vor.u32 v6, v13;
	v54 =	vsub.f32 v51, v8;
	v10 =	vmul.f32 v11, v10;
	_ =	sdelay $0x1  }
0x194: {  	[tilespmem:s12+$0xFFFFFFA0] =	vst v8;
	v8 =	vmul.f32 v10, v54  }
0x195: {  	[tilespmem:s13+$0xFFFFFFA0] =	vst v47  }
0x196: {  	[tilespmem:s17+$0xFFFFFFA0] =	vst v8  }
0x197: {  	v8 =	vld.idx.msk [tilespmem:v55+s16+$0x0], $0xffff;
	_ =	sdelay $0x4  }
0x198: {  	v56 =	vshll.u32 v8, $0x3  }
0x199: {  	v8 =	vand.u32 $0x7F, v8;
	v9 =	vand.u32 $0xFFFFFC00, v56  }
0x19a: {  	v8 =	vor.u32 v8, v9  }
0x19b: {  	v8 =	vadd.s32 v7, v8;
	_ =	sdelay $0x4  }
0x19c: {  	v57 =	vld.idx.msk [tilespmem:v8+s19+$0x0], $0xffff;
	_ =	sdelay $0x4  }
0x19d: {  	v58 =	vshra.s32 v57, $0x1;
	v59 =	vmul.f32 $5.000000000e-01, v57  }
0x19e: {  	v10 =	vsub.s32 $0x5F3759DF, v58  }
0x19f: {  	v60 =	vmul.f32 v10, v59;
	_ =	sdelay $0x1  }
0x1a0: {  	v12 =	vmul.f32 v10, v60;
	_ =	sdelay $0x1  }
0x1a1: {  	v12 =	vsub.f32 $1.500000000e+00, v12;
	_ =	sdelay $0x1  }
0x1a2: {  	v10 =	vmul.f32 v10, v12;
	_ =	sdelay $0x1  }
0x1a3: {  	s2 =	sadd.s32 $0xFFFFFFF8, s11;
	v61 =	vld [tilespmem:s7+$0xFFFFFFB0];
	v11 =	vmul.f32 v10, v59  }
0x1a4: {  	v62 =	vmov s2;
	v8 =	vld.idx.msk [tilespmem:v8+s18+$0x0], $0xffff  }
0x1a5: {  	v13 =	vshll.u32 v62, $0x7;
	v11 =	vmul.f32 v11, v10  }
0x1a6: {  	v63 =	vor.u32 v4, v13  }
0x1a7: {  	v13 =	vand.u32 $0xFC00, v13;
	v14 =	vand.u32 $0x380, v63;
	v11 =	vsub.f32 $1.500000000e+00, v11  }
0x1a8: {  	v13 =	vor.u32 v14, v13  }
0x1a9: {  	v17 =	vor.u32 v6, v13;
	v16 =	vsub.f32 v61, v8;
	v10 =	vmul.f32 v11, v10;
	_ =	sdelay $0x1  }
0x1aa: {  	[tilespmem:s12+$0xFFFFFFB0] =	vst v8;
	v8 =	vmul.f32 v10, v16  }
0x1ab: {  	[tilespmem:s13+$0xFFFFFFB0] =	vst v57  }
0x1ac: {  	[tilespmem:s17+$0xFFFFFFB0] =	vst v8  }
0x1ad: {  	v8 =	vld.idx.msk [tilespmem:v17+s16+$0x0], $0xffff;
	_ =	sdelay $0x4  }
0x1ae: {  	v18 =	vshll.u32 v8, $0x3  }
0x1af: {  	v8 =	vand.u32 $0x7F, v8;
	v9 =	vand.u32 $0xFFFFFC00, v18  }
0x1b0: {  	v8 =	vor.u32 v8, v9  }
0x1b1: {  	v8 =	vadd.s32 v7, v8;
	_ =	sdelay $0x4  }
0x1b2: {  	v19 =	vld.idx.msk [tilespmem:v8+s19+$0x0], $0xffff;
	_ =	sdelay $0x4  }
0x1b3: {  	v20 =	vshra.s32 v19, $0x1;
	v21 =	vmul.f32 $5.000000000e-01, v19  }
0x1b4: {  	v10 =	vsub.s32 $0x5F3759DF, v20  }
0x1b5: {  	v22 =	vmul.f32 v10, v21;
	_ =	sdelay $0x1  }
0x1b6: {  	v12 =	vmul.f32 v10, v22;
	_ =	sdelay $0x1  }
0x1b7: {  	v12 =	vsub.f32 $1.500000000e+00, v12;
	_ =	sdelay $0x1  }
0x1b8: {  	v10 =	vmul.f32 v10, v12;
	_ =	sdelay $0x1  }
0x1b9: {  	s2 =	sadd.s32 $0xFFFFFFFA, s11;
	v23 =	vld [tilespmem:s7+$0xFFFFFFC0];
	v11 =	vmul.f32 v10, v21  }
0x1ba: {  	v24 =	vmov s2;
	v8 =	vld.idx.msk [tilespmem:v8+s18+$0x0], $0xffff  }
0x1bb: {  	v13 =	vshll.u32 v24, $0x7;
	v11 =	vmul.f32 v11, v10  }
0x1bc: {  	v25 =	vor.u32 v4, v13  }
0x1bd: {  	v13 =	vand.u32 $0xFC00, v13;
	v14 =	vand.u32 $0x280, v25;
	v11 =	vsub.f32 $1.500000000e+00, v11  }
0x1be: {  	v13 =	vor.u32 v14, v13  }
0x1bf: {  	v27 =	vor.u32 v6, v13;
	v26 =	vsub.f32 v23, v8;
	v10 =	vmul.f32 v11, v10;
	_ =	sdelay $0x1  }
0x1c0: {  	[tilespmem:s12+$0xFFFFFFC0] =	vst v8;
	v8 =	vmul.f32 v10, v26  }
0x1c1: {  	[tilespmem:s13+$0xFFFFFFC0] =	vst v19  }
0x1c2: {  	[tilespmem:s17+$0xFFFFFFC0] =	vst v8  }
0x1c3: {  	v8 =	vld.idx.msk [tilespmem:v27+s16+$0x0], $0xffff;
	_ =	sdelay $0x4  }
0x1c4: {  	v28 =	vshll.u32 v8, $0x3  }
0x1c5: {  	v8 =	vand.u32 $0x7F, v8;
	v9 =	vand.u32 $0xFFFFFC00, v28  }
0x1c6: {  	v8 =	vor.u32 v8, v9  }
0x1c7: {  	v8 =	vadd.s32 v7, v8;
	_ =	sdelay $0x4  }
0x1c8: {  	v29 =	vld.idx.msk [tilespmem:v8+s19+$0x0], $0xffff;
	_ =	sdelay $0x4  }
0x1c9: {  	v30 =	vshra.s32 v29, $0x1;
	v31 =	vmul.f32 $5.000000000e-01, v29  }
0x1ca: {  	v10 =	vsub.s32 $0x5F3759DF, v30  }
0x1cb: {  	v32 =	vmul.f32 v10, v31;
	_ =	sdelay $0x1  }
0x1cc: {  	v12 =	vmul.f32 v10, v32;
	_ =	sdelay $0x1  }
0x1cd: {  	v12 =	vsub.f32 $1.500000000e+00, v12;
	_ =	sdelay $0x1  }
0x1ce: {  	v10 =	vmul.f32 v10, v12;
	_ =	sdelay $0x1  }
0x1cf: {  	s2 =	sadd.s32 $0xFFFFFFFC, s11;
	v33 =	vld [tilespmem:s7+$0xFFFFFFD0];
	v11 =	vmul.f32 v10, v31  }
0x1d0: {  	v34 =	vmov s2;
	v8 =	vld.idx.msk [tilespmem:v8+s18+$0x0], $0xffff  }
0x1d1: {  	v13 =	vshll.u32 v34, $0x7;
	v11 =	vmul.f32 v11, v10  }
0x1d2: {  	v35 =	vor.u32 v4, v13  }
0x1d3: {  	v13 =	vand.u32 $0xFC00, v13;
	v14 =	vand.u32 $0x380, v35;
	v11 =	vsub.f32 $1.500000000e+00, v11  }
0x1d4: {  	v13 =	vor.u32 v14, v13  }
0x1d5: {  	v37 =	vor.u32 v6, v13;
	v36 =	vsub.f32 v33, v8;
	v10 =	vmul.f32 v11, v10;
	_ =	sdelay $0x1  }
0x1d6: {  	[tilespmem:s12+$0xFFFFFFD0] =	vst v8;
	v8 =	vmul.f32 v10, v36  }
0x1d7: {  	[tilespmem:s13+$0xFFFFFFD0] =	vst v29  }
0x1d8: {  	[tilespmem:s17+$0xFFFFFFD0] =	vst v8  }
0x1d9: {  	v8 =	vld.idx.msk [tilespmem:v37+s16+$0x0], $0xffff;
	_ =	sdelay $0x4  }
0x1da: {  	v38 =	vshll.u32 v8, $0x3  }
0x1db: {  	v8 =	vand.u32 $0x7F, v8;
	v9 =	vand.u32 $0xFFFFFC00, v38  }
0x1dc: {  	v8 =	vor.u32 v8, v9  }
0x1dd: {  	v8 =	vadd.s32 v7, v8;
	_ =	sdelay $0x4  }
0x1de: {  	v39 =	vld.idx.msk [tilespmem:v8+s19+$0x0], $0xffff;
	_ =	sdelay $0x4  }
0x1df: {  	v40 =	vshra.s32 v39, $0x1;
	v41 =	vmul.f32 $5.000000000e-01, v39  }
0x1e0: {  	v10 =	vsub.s32 $0x5F3759DF, v40  }
0x1e1: {  	v42 =	vmul.f32 v10, v41;
	_ =	sdelay $0x1  }
0x1e2: {  	v12 =	vmul.f32 v10, v42;
	_ =	sdelay $0x1  }
0x1e3: {  	v12 =	vsub.f32 $1.500000000e+00, v12;
	_ =	sdelay $0x1  }
0x1e4: {  	v10 =	vmul.f32 v10, v12;
	_ =	sdelay $0x1  }
0x1e5: {  	s2 =	sadd.s32 $0xFFFFFFFE, s11;
	v43 =	vld [tilespmem:s7+$0xFFFFFFE0];
	v11 =	vmul.f32 v10, v41  }
0x1e6: {  	v44 =	vmov s2;
	v8 =	vld.idx.msk [tilespmem:v8+s18+$0x0], $0xffff  }
0x1e7: {  	v13 =	vshll.u32 v44, $0x7;
	v11 =	vmul.f32 v11, v10  }
0x1e8: {  	v45 =	vor.u32 v4, v13  }
0x1e9: {  	v13 =	vand.u32 $0xFC00, v13;
	v14 =	vand.u32 $0x280, v45;
	v11 =	vsub.f32 $1.500000000e+00, v11  }
0x1ea: {  	v13 =	vor.u32 v14, v13  }
0x1eb: {  	v47 =	vor.u32 v6, v13;
	v46 =	vsub.f32 v43, v8;
	v10 =	vmul.f32 v11, v10;
	_ =	sdelay $0x1  }
0x1ec: {  	[tilespmem:s12+$0xFFFFFFE0] =	vst v8;
	v8 =	vmul.f32 v10, v46  }
0x1ed: {  	[tilespmem:s13+$0xFFFFFFE0] =	vst v39  }
0x1ee: {  	[tilespmem:s17+$0xFFFFFFE0] =	vst v8  }
0x1ef: {  	v8 =	vld.idx.msk [tilespmem:v47+s16+$0x0], $0xffff;
	_ =	sdelay $0x4  }
0x1f0: {  	v48 =	vshll.u32 v8, $0x3  }
0x1f1: {  	v8 =	vand.u32 $0x7F, v8;
	v9 =	vand.u32 $0xFFFFFC00, v48  }
0x1f2: {  	v8 =	vor.u32 v8, v9  }
0x1f3: {  	v8 =	vadd.s32 v7, v8;
	_ =	sdelay $0x4  }
0x1f4: {  	v49 =	vld.idx.msk [tilespmem:v8+s19+$0x0], $0xffff;
	_ =	sdelay $0x4  }
0x1f5: {  	v50 =	vshra.s32 v49, $0x1;
	v51 =	vmul.f32 $5.000000000e-01, v49  }
0x1f6: {  	v10 =	vsub.s32 $0x5F3759DF, v50  }
0x1f7: {  	v52 =	vmul.f32 v10, v51;
	_ =	sdelay $0x1  }
0x1f8: {  	v12 =	vmul.f32 v10, v52;
	_ =	sdelay $0x1  }
0x1f9: {  	v12 =	vsub.f32 $1.500000000e+00, v12;
	_ =	sdelay $0x1  }
0x1fa: {  	v10 =	vmul.f32 v10, v12;
	_ =	sdelay $0x1  }
0x1fb: {  	v53 =	vld [tilespmem:s7+$0xFFFFFFF0];
	v11 =	vmul.f32 v10, v51  }
0x1fc: {  	v54 =	vmov s11;
	v8 =	vld.idx.msk [tilespmem:v8+s18+$0x0], $0xffff  }
0x1fd: {  	v13 =	vshll.u32 v54, $0x7;
	v11 =	vmul.f32 v11, v10  }
0x1fe: {  	v55 =	vor.u32 v4, v13  }
0x1ff: {  	v13 =	vand.u32 $0xFC00, v13;
	v14 =	vand.u32 $0x380, v55;
	v11 =	vsub.f32 $1.500000000e+00, v11  }
0x200: {  	v13 =	vor.u32 v14, v13  }
0x201: {  	v57 =	vor.u32 v6, v13;
	v56 =	vsub.f32 v53, v8;
	v10 =	vmul.f32 v11, v10;
	_ =	sdelay $0x1  }
0x202: {  	[tilespmem:s12+$0xFFFFFFF0] =	vst v8;
	v8 =	vmul.f32 v10, v56  }
0x203: {  	[tilespmem:s13+$0xFFFFFFF0] =	vst v49  }
0x204: {  	[tilespmem:s17+$0xFFFFFFF0] =	vst v8  }
0x205: {  	v8 =	vld.idx.msk [tilespmem:v57+s16+$0x0], $0xffff;
	_ =	sdelay $0x4  }
0x206: {  	v58 =	vshll.u32 v8, $0x3  }
0x207: {  	v8 =	vand.u32 $0x7F, v8;
	v9 =	vand.u32 $0xFFFFFC00, v58  }
0x208: {  	v8 =	vor.u32 v8, v9  }
0x209: {  	v7 =	vadd.s32 v7, v8;
	_ =	sdelay $0x4  }
0x20a: {  	v8 =	vld.idx.msk [tilespmem:v7+s19+$0x0], $0xffff;
	_ =	sdelay $0x4  }
0x20b: {  	v59 =	vshra.s32 v8, $0x1;
	v60 =	vmul.f32 $5.000000000e-01, v8  }
0x20c: {  	v9 =	vsub.s32 $0x5F3759DF, v59  }
0x20d: {  	v61 =	vmul.f32 v9, v60;
	_ =	sdelay $0x1  }
0x20e: {  	v11 =	vmul.f32 v9, v61;
	_ =	sdelay $0x1  }
0x20f: {  	v11 =	vsub.f32 $1.500000000e+00, v11;
	_ =	sdelay $0x1  }
0x210: {  	v9 =	vmul.f32 v9, v11;
	_ =	sdelay $0x1  }
0x211: {  	v62 =	vld [tilespmem:s7+$0x0];
	v10 =	vmul.f32 v9, v60  }
0x212: {  	v7 =	vld.idx.msk [tilespmem:v7+s18+$0x0], $0xffff  }
0x213: {  	v10 =	vmul.f32 v10, v9;
	_ =	sdelay $0x1  }
0x214: {  	s15 =	sadd.s32 $0xA, s15;
	v10 =	vsub.f32 $1.500000000e+00, v10  }
0x215: {  	p0 =	slt.u32 s15, $0x5A  }
.Ltmp1:
0x216: {  	v63 =	vsub.f32 v62, v7;
	v9 =	vmul.f32 v10, v9;
	(pc) =	sbr.rel @p0 .LBB2_5-.Ltmp1, $4  }
0x217: {  	_ = 	snop  }
0x218: {  	[tilespmem:s12+$0x0] =	vst v7;
	v7 =	vmul.f32 v9, v63  }
0x219: {  	s11 =	sadd.s32 $0x14, s11;
	s7 =	sadd.s32 $0xA0, s7;
	[tilespmem:s13+$0x0] =	vst v8  }
0x21a: {  	s12 =	sadd.s32 $0xA0, s12;
	s13 =	sadd.s32 $0xA0, s13;
	[tilespmem:s17+$0x0] =	vst v7;
	s17 =	sadd.s32 $0xA0, s17  }
0x21b: {  	s2 =	sadd.s32 $0xC8, s14  }
0x21c: {  	s7 =	sadd.s32 s5, s2  }
0x21d: {  	[hbm4b:s7+s8] =	stream.linear.scatter [tilespmem:s29], [sflag:$0x4], $0x640, $0x38;
	[tilespmem:$0x196A0] =	vst v63  }
0x21e: {  	s17 =	sadd.s32 s6, s2  }
0x21f: {  	[hbm4b:s17+s8] =	stream.linear.scatter [tilespmem:s30], [sflag:$0x4], $0x640, $0x38;
	[tilespmem:$0x196A0] =	vst v63  }
0x220: {  	s2 =	sadd.s32 s9, s2  }
0x221: {  	[hbm4b:s2+s8] =	stream.linear.scatter [tilespmem:s31], [sflag:$0x4], $0x640, $0x38;
	[tilespmem:$0x196A0] =	vst v63  }
0x222: {  	_ =	swait.ge [sflag:s1], $0x640  }
0x223: {  	[sflag:s1] =	ssyncset.done $0x0  }
0x224: {  	[sflag:s1] =	ssyncadd.s32 $0xFFFFF9C0  }
0x225: {  	_ =	swait.ge [sflag:s1], $0x640  }
0x226: {  	[sflag:s1] =	ssyncset.done $0x0  }
0x227: {  	[sflag:s1] =	ssyncadd.s32 $0xFFFFF9C0  }
0x228: {  	_ =	swait.ge [sflag:s1], $0x640  }
0x229: {  	[sflag:s1] =	ssyncset.done $0x0  }
0x22a: {  	[sflag:s1] =	ssyncadd.s32 $0xFFFFF9C0  }
0x22b: {  	_ =	swait.ge [sflag:s1], $0x640  }
0x22c: {  	[sflag:s1] =	ssyncset.done $0x0  }
0x22d: {  	s0 =	sadd.s32 $0x1, s0;
	[sflag:s1] =	ssyncadd.s32 $0xFFFFF9C0  }
0x22e: {  	p0 =	sne.s32 s0, $0x40;
	_ =	swait.ge [sflag:s1], $0x640  }
.Ltmp2:
0x22f: {  	[sflag:s1] =	ssyncset.done $0x0;
	(pc) =	sbr.rel @p0 .LBB2_2-.Ltmp2, $4  }
0x230: {  	[sflag:s1] =	ssyncadd.s32 $0xFFFFF9C0  }
0x231: {  	_ =	swait.ge [sflag:s1], $0x640  }
0x232: {  	[sflag:s1] =	ssyncset.done $0x0  }
0x233: {  	[sflag:s1] =	ssyncadd.s32 $0xFFFFF9C0  }
0x234: {  	s2 =	rddreg [dreg:$0xb]  }
0x235: {  	s0 =	rddreg [dreg:$0xa];
	s2 =	sadd.s32 $0x1, s2  }
0x236: {  	p0 =	sne.s32 s2, s0  }
.Ltmp3:
0x237: {  	_ = 	snop;
	(pc) =	sbr.rel @p0 .LBB2_1-.Ltmp3, $1  }
0x238: {  	_ =	sdelay $0x3  }
0x239: {  	_ =	sfence.sel $0x180000  }
0x23a: {  	[bflag:$0x0] =	sbarrier.arrive $0xFFFF  }
0x23b: {  	_ =	strace $0x90000047  }
0x23c: {  	s0 =	stileid.u32;
	[bflag:$0x2] =	sbarrier.arrive $0xFFFF  }
0x23d: {  	p0 =	sne.s32 s0, $0x0;
	s0 =	rddreg [dreg:$0x8]  }
0x23e: {  	s0 =	sadd.s32 @!p0 $0x100000, s0  }
0x23f: {  	[sflag:s0] =	ssyncadd.tile.s32 @!p0 $0x1;
	_ =	shalt  }
.Lfunc_end2:
_tile_overlayer_lowered:
.L_overlay_start_2:
0x240: {  	(tag) =	ssettag $0x2  }
0x241: {  	s0 =	rddreg [dreg:$0x0];
	s2 =	stileid.u32  }
0x242: {  	s1 =	rddreg [dreg:$0x1];
	p0 =	sne.s32 s2, $0x0  }
0x243: {  	s3 =	rddreg [dreg:$0x2];
	[bflag:$0x3] =	sbarrier.arrive $0xFFFF;
	s2 =	simm.s32 @!p0 $0x1C05  }
0x244: {  	[timem:s3], [sflag:s2] =	dma.local @!p0 [hbm:s0], s1  }
0x245: {  	s0 =	simm.s32 @!p0 $0x5  }
0x246: {  	_ =	swait.ge @!p0 [sflag:s0], s1  }
0x247: {  	s1 =	ssub.s32 @!p0 $0x0, s1;
	[sflag:s0] =	ssyncset.done @!p0 $0x0  }
0x248: {  	[sflag:s0] =	ssyncadd.s32 @!p0 s1  }
0x249: {  	[bflag:$0x3] =	sbarrier.arrive $0xFFFF  }
0x24a: {  	_ =	shalt  }

</sc_bundles>
